<compile_context>
chip_gen: v7x
topology: tpu7x:2x2x1
jax: 0.10.2.dev20260603
libtpu: 0.0.44.dev20260713+nightly
codegen_flags: <defaults>
</compile_context>

<pallas_src>
import functools

import jax
import jax.numpy as jnp
from jax import lax
from jax.experimental import pallas as pl
from jax.experimental.pallas import tpu as pltpu
from jax.experimental.pallas import tpu_sc as plsc

N_RULES = 35
D = 512
B = 16
L = 4096

NC = 2
NS = 16
NW = NC * NS

L_CHUNK = L // NW
ROWS = L_CHUNK * B


def _body(idxT_hbm, len_hbm, table_hbm, out_hbm,
          tbl_v, idx_v, len_v, rid_v, rid_sh, rid_s, s0):
    cid = lax.axis_index("c")
    sid = lax.axis_index("s")
    wid = sid * NC + cid
    l0 = wid * L_CHUNK
    base0 = wid * ROWS * D

    pltpu.sync_copy(table_hbm, tbl_v)
    pltpu.sync_copy(idxT_hbm.at[pl.ds(l0, L_CHUNK)], idx_v)
    pltpu.sync_copy(len_hbm, len_v)
    lens = len_v[...]

    def mask_body(i, carry):
        lg = jnp.full((B,), l0 + i, jnp.int32)
        row = idx_v[i]
        sel = jnp.where(lg < lens, row, jnp.full((B,), N_RULES, jnp.int32))
        rid_v[pl.ds(i * B, B)] = sel
        return carry

    lax.fori_loop(0, L_CHUNK, mask_body, 0)

    plsc.subcore_barrier()
    pltpu.sync_copy(rid_v, rid_sh.at[sid])
    plsc.subcore_barrier()

    HALF = L_CHUNK // 2
    for h in range(2):
        pltpu.sync_copy(
            rid_sh.at[sid, pl.ds(h * HALF * B, HALF * B)], rid_s)

        def row_body(i, carry):
            @pl.when(i >= 2)
            def _lagged_wait():
                for _ in range(B):
                    pltpu.make_async_copy(
                        tbl_v.at[pl.ds(0, D)],
                        out_hbm.at[pl.ds(base0, D)], s0).wait()
            for b in range(B):
                rid = rid_s[i * B + b]
                pltpu.async_copy(
                    tbl_v.at[pl.ds(rid * D, D)],
                    out_hbm.at[pl.ds(
                        base0 + (h * HALF + i) * B * D + b * D, D)],
                    s0)
            return carry

        lax.fori_loop(0, HALF, row_body, 0)

        for _ in range(2 * B):
            pltpu.make_async_copy(
                tbl_v.at[pl.ds(0, D)],
                out_hbm.at[pl.ds(base0, D)], s0).wait()


@jax.jit
def kernel(indices, lengths, table):
    idxT = indices.T
    tablez = jnp.concatenate(
        [table, jnp.zeros((1, D), table.dtype)], axis=0
    ).reshape(((N_RULES + 1) * D,))

    mesh = plsc.VectorSubcoreMesh(core_axis_name="c", subcore_axis_name="s")
    out = pl.kernel(
        _body,
        out_type=jax.ShapeDtypeStruct((L * B * D,), jnp.float32),
        mesh=mesh,
        compiler_params=pltpu.CompilerParams(needs_layout_passes=False),
        scratch_types=[
            pltpu.VMEM(((N_RULES + 1) * D,), jnp.float32),
            pltpu.VMEM((L_CHUNK, B), jnp.int32),
            pltpu.VMEM((B,), jnp.int32),
            pltpu.VMEM((ROWS,), jnp.int32),
            pltpu.VMEM_SHARED((NS, ROWS), jnp.int32),
            pltpu.SMEM((ROWS // 2,), jnp.int32),
            pltpu.SemaphoreType.DMA,
        ],
    )(idxT, lengths, tablez)
    return out.reshape(L, B, D)

# --- scband reference (transcript-rebuilt; emitter-appended) ---
"""Pipeline reference for scband-rule-encoder-74268574482683 (READ-ONLY COPY).

The authoritative reference and input builder live on the scoring server;
editing this copy changes nothing except your own understanding.
"""

import jax, jax.numpy as jnp
import numpy as np

N_RULES = 35
D_MODEL = 512
B = 16
L = 4096

def setup_inputs(seed: int = 0) -> dict:
    key = jax.random.key(seed)
    k1, k2, k3 = jax.random.split(key, 3)
    # states_batch modeled as padded rule-index matrix + per-sequence lengths
    indices = jax.random.randint(k1, (B, L), 0, N_RULES, dtype=jnp.int32)
    lengths = jax.random.randint(k2, (B,), 1, L + 1, dtype=jnp.int32)
    # learned parameter: rule embedding table (nn.Embedding(n_rules, d_model))
    table = jax.random.normal(k3, (N_RULES, D_MODEL), dtype=jnp.float32)
    return {"indices": indices, "lengths": lengths, "table": table}

def reference(indices, lengths, table):
    # per-sequence embedding lookup: rule_embedding(state)
    emb = jnp.take(table, indices, axis=0)  # [B, L, D]
    # pad_sequence(..., batch_first=True, padding_value=0): positions beyond each
    # sequence's length are filled with the constant padding value (0.0), since
    # padding is applied to the already-embedded float tensors in the original code.
    mask = (jnp.arange(L)[None, :] < lengths[:, None]).astype(emb.dtype)  # [B, L]
    emb = emb * mask[:, :, None]
    # states_encoded.transpose(0, 1) -> [L, B, D]
    return jnp.transpose(emb, (1, 0, 2))

if __name__ == "__main__":
    import jax
    _d = setup_inputs()
    print(jax.jit(kernel)(*tuple(_d.values())))

</pallas_src>

<mosaic_0001>
#map = affine_map<(d0, d1) -> (0, 0)>
#map1 = affine_map<(d0, d1) -> (0)>
module attributes {stable_mosaic.version = 14 : i64} {
  func.func @_body(%arg0: i32, %arg1: i32, %arg2: memref<4096x16xi32, #tpu.memory_space<hbm>>, %arg3: memref<16xi32, #tpu.memory_space<hbm>>, %arg4: memref<18432xf32, #tpu.memory_space<hbm>>, %arg5: memref<33554432xf32, #tpu.memory_space<hbm>>, %arg6: memref<18432xf32, #tpu.memory_space<vmem>>, %arg7: memref<128x16xi32, #tpu.memory_space<vmem>>, %arg8: memref<16xi32, #tpu.memory_space<vmem>>, %arg9: memref<2048xi32, #tpu.memory_space<vmem>>, %arg10: memref<16x2048xi32, #tpu.memory_space<vmem_shared>>, %arg11: memref<1024xi32, #tpu.memory_space<smem>>, %arg12: memref<!tpu.dma_semaphore, #tpu.memory_space<semaphore_mem>>) attributes {dimension_semantics = [#tpu.dimension_semantics<core_parallel>, #tpu.dimension_semantics<subcore_parallel>], iteration_bounds = array<i64: 2, 16>, scalar_prefetch = 0 : i64, scratch_operands = 7 : i64, tpu.core_type = #tpu.core_type<sc_vector_subcore>, window_params = [{transform_indices = #map}, {transform_indices = #map1}, {transform_indices = #map1}, {transform_indices = #map1}]} {
    %mul3A = arith.constant 2 : i32
    %mul3A_0 = arith.muli %arg1, %mul3A : i32
    %add3A = arith.addi %mul3A_0, %arg0 : i32
    %mul3A_1 = arith.constant 128 : i32
    %mul3A_2 = arith.muli %add3A, %mul3A_1 : i32
    %mul3A_3 = arith.constant 2048 : i32
    %mul3A_4 = arith.muli %add3A, %mul3A_3 : i32
    %mul3A_5 = arith.constant 512 : i32
    %mul3A_6 = arith.muli %mul3A_4, %mul3A_5 : i32
    "tpu.region"() ({
      %run_scoped3A = tpu.sem_alloc : memref<!tpu.dma_semaphore, #tpu.memory_space<semaphore_mem>>
      tpu.enqueue_dma source(%arg4 : memref<18432xf32, #tpu.memory_space<hbm>>) target(%arg6 : memref<18432xf32, #tpu.memory_space<vmem>>) target_semaphore(%run_scoped3A : memref<!tpu.dma_semaphore, #tpu.memory_space<semaphore_mem>>)
      tpu.wait_dma2 semaphore(%run_scoped3A : memref<!tpu.dma_semaphore, #tpu.memory_space<semaphore_mem>>) src(%arg4 : memref<18432xf32, #tpu.memory_space<hbm>>) dst(%arg6 : memref<18432xf32, #tpu.memory_space<vmem>>)
      tpu.yield
    }) : () -> ()
    "tpu.region"() ({
      %run_scoped3A = tpu.sem_alloc : memref<!tpu.dma_semaphore, #tpu.memory_space<semaphore_mem>>
      %dma_start3A = arith.constant 0 : i32
      %dma_start3A_409 = tpu.memref_slice %arg2[%mul3A_2, %dma_start3A] : memref<4096x16xi32, #tpu.memory_space<hbm>> -> memref<128x16xi32, #tpu.memory_space<hbm>>
      %dma_start3A_410 = arith.constant 0 : i32
      %dma_start3A_411 = tpu.memref_slice %arg2[%mul3A_2, %dma_start3A_410] : memref<4096x16xi32, #tpu.memory_space<hbm>> -> memref<128x16xi32, #tpu.memory_space<hbm>>
      tpu.enqueue_dma source(%dma_start3A_411 : memref<128x16xi32, #tpu.memory_space<hbm>>) target(%arg7 : memref<128x16xi32, #tpu.memory_space<vmem>>) target_semaphore(%run_scoped3A : memref<!tpu.dma_semaphore, #tpu.memory_space<semaphore_mem>>)
      %dma_wait3A_412 = arith.constant 0 : i32
      %dma_wait3A_413 = tpu.memref_slice %arg2[%mul3A_2, %dma_wait3A_412] : memref<4096x16xi32, #tpu.memory_space<hbm>> -> memref<128x16xi32, #tpu.memory_space<hbm>>
      %dma_wait3A_414 = arith.constant 0 : i32
      %dma_wait3A_415 = tpu.memref_slice %arg2[%mul3A_2, %dma_wait3A_414] : memref<4096x16xi32, #tpu.memory_space<hbm>> -> memref<128x16xi32, #tpu.memory_space<hbm>>
      tpu.wait_dma2 semaphore(%run_scoped3A : memref<!tpu.dma_semaphore, #tpu.memory_space<semaphore_mem>>) src(%dma_wait3A_415 : memref<128x16xi32, #tpu.memory_space<hbm>>) dst(%arg7 : memref<128x16xi32, #tpu.memory_space<vmem>>)
      tpu.yield
    }) : () -> ()
    "tpu.region"() ({
      %run_scoped3A = tpu.sem_alloc : memref<!tpu.dma_semaphore, #tpu.memory_space<semaphore_mem>>
      tpu.enqueue_dma source(%arg3 : memref<16xi32, #tpu.memory_space<hbm>>) target(%arg8 : memref<16xi32, #tpu.memory_space<vmem>>) target_semaphore(%run_scoped3A : memref<!tpu.dma_semaphore, #tpu.memory_space<semaphore_mem>>)
      tpu.wait_dma2 semaphore(%run_scoped3A : memref<!tpu.dma_semaphore, #tpu.memory_space<semaphore_mem>>) src(%arg3 : memref<16xi32, #tpu.memory_space<hbm>>) dst(%arg8 : memref<16xi32, #tpu.memory_space<vmem>>)
      tpu.yield
    }) : () -> ()
    %get3A = arith.constant 0 : index
    %get3A_7 = tpu.vector_load %arg8[%get3A] {strides = array<i32>} : memref<16xi32, #tpu.memory_space<vmem>>, vector<16xi32>,
    %scan3A = arith.constant 0 : i32
    %scan3A_8 = arith.constant 0 : i32
    %scan3A_9 = arith.constant 128 : i32
    %scan3A_10 = arith.addi %scan3A_8, %scan3A_9 : i32
    %scan3A_11 = arith.constant 1 : i32
    scf.for %scan3A_409 = %scan3A_8 to %scan3A_10 step %scan3A_11  : i32 {
      %add3A_410 = arith.addi %mul3A_2, %scan3A_409 : i32
      %broadcast_in_dim3A = vector.broadcast %add3A_410 : i32 to vector<16xi32>
      %get3A_411 = arith.index_cast %scan3A_409 : i32 to index
      %get3A_412 = arith.constant 0 : index
      %get3A_413 = tpu.vector_load %arg7[%get3A_411, %get3A_412] {strides = array<i32>} : memref<128x16xi32, #tpu.memory_space<vmem>>, vector<16xi32>,
      %lt3A = arith.cmpi slt, %broadcast_in_dim3A, %get3A_7 : vector<16xi32>
      %broadcast_in_dim3A_414 = arith.constant 35 : i32
      %broadcast_in_dim3A_415 = vector.broadcast %broadcast_in_dim3A_414 : i32 to vector<16xi32>
      %select_n3A = arith.select %lt3A, %get3A_413, %broadcast_in_dim3A_415 : vector<16xi1>, vector<16xi32>
      %mul3A_416 = arith.constant 16 : i32
      %mul3A_417 = arith.muli %scan3A_409, %mul3A_416 : i32
      %swap3A = arith.index_cast %mul3A_417 : i32 to index
      %swap3A_418 = tpu.vector_load %arg9[%swap3A] {strides = array<i32>} : memref<2048xi32, #tpu.memory_space<vmem>>, vector<16xi32>,
      tpu.vector_store %arg9[%swap3A], %select_n3A {strides = array<i32>} : memref<2048xi32, #tpu.memory_space<vmem>>, vector<16xi32>,
    }
    %scan3A_12 = arith.constant 128 : i32
    %barrier3A = arith.constant 0 : index
    tpu.barrier barrier_id(%barrier3A)
    "tpu.region"() ({
      %run_scoped3A = tpu.sem_alloc : memref<!tpu.dma_semaphore, #tpu.memory_space<semaphore_mem>>
      %dma_start3A = arith.constant 0 : i32
      %dma_start3A_409 = tpu.memref_slice %arg10[%arg1, %dma_start3A] : memref<16x2048xi32, #tpu.memory_space<vmem_shared>> -> memref<1x2048xi32, #tpu.memory_space<vmem_shared>>
      %dma_start3A_410 = tpu.memref_squeeze %dma_start3A_409 : memref<1x2048xi32, #tpu.memory_space<vmem_shared>> -> memref<2048xi32, #tpu.memory_space<vmem_shared>>
      %dma_start3A_411 = arith.constant 0 : i32
      %dma_start3A_412 = tpu.memref_slice %arg10[%arg1, %dma_start3A_411] : memref<16x2048xi32, #tpu.memory_space<vmem_shared>> -> memref<1x2048xi32, #tpu.memory_space<vmem_shared>>
      %dma_start3A_413 = tpu.memref_squeeze %dma_start3A_412 : memref<1x2048xi32, #tpu.memory_space<vmem_shared>> -> memref<2048xi32, #tpu.memory_space<vmem_shared>>
      tpu.enqueue_dma source(%arg9 : memref<2048xi32, #tpu.memory_space<vmem>>) target(%dma_start3A_413 : memref<2048xi32, #tpu.memory_space<vmem_shared>>) target_semaphore(%run_scoped3A : memref<!tpu.dma_semaphore, #tpu.memory_space<semaphore_mem>>)
      %dma_wait3A_414 = arith.constant 0 : i32
      %dma_wait3A_415 = tpu.memref_slice %arg10[%arg1, %dma_wait3A_414] : memref<16x2048xi32, #tpu.memory_space<vmem_shared>> -> memref<1x2048xi32, #tpu.memory_space<vmem_shared>>
      %dma_wait3A_416 = tpu.memref_squeeze %dma_wait3A_415 : memref<1x2048xi32, #tpu.memory_space<vmem_shared>> -> memref<2048xi32, #tpu.memory_space<vmem_shared>>
      %dma_wait3A_417 = arith.constant 0 : i32
      %dma_wait3A_418 = tpu.memref_slice %arg10[%arg1, %dma_wait3A_417] : memref<16x2048xi32, #tpu.memory_space<vmem_shared>> -> memref<1x2048xi32, #tpu.memory_space<vmem_shared>>
      %dma_wait3A_419 = tpu.memref_squeeze %dma_wait3A_418 : memref<1x2048xi32, #tpu.memory_space<vmem_shared>> -> memref<2048xi32, #tpu.memory_space<vmem_shared>>
      tpu.wait_dma2 semaphore(%run_scoped3A : memref<!tpu.dma_semaphore, #tpu.memory_space<semaphore_mem>>) src(%arg9 : memref<2048xi32, #tpu.memory_space<vmem>>) dst(%dma_wait3A_419 : memref<2048xi32, #tpu.memory_space<vmem_shared>>)
      tpu.yield
    }) : () -> ()
    %barrier3A_13 = arith.constant 0 : index
    tpu.barrier barrier_id(%barrier3A_13)
    "tpu.region"() ({
      %run_scoped3A = tpu.sem_alloc : memref<!tpu.dma_semaphore, #tpu.memory_space<semaphore_mem>>
      %dma_start3A = arith.constant 0 : i32
      %dma_start3A_409 = tpu.memref_slice %arg10[%arg1, %dma_start3A] : memref<16x2048xi32, #tpu.memory_space<vmem_shared>> -> memref<1x1024xi32, #tpu.memory_space<vmem_shared>>
      %dma_start3A_410 = tpu.memref_squeeze %dma_start3A_409 : memref<1x1024xi32, #tpu.memory_space<vmem_shared>> -> memref<1024xi32, #tpu.memory_space<vmem_shared>>
      tpu.enqueue_dma source(%dma_start3A_410 : memref<1024xi32, #tpu.memory_space<vmem_shared>>) target(%arg11 : memref<1024xi32, #tpu.memory_space<smem>>) target_semaphore(%run_scoped3A : memref<!tpu.dma_semaphore, #tpu.memory_space<semaphore_mem>>)
      %dma_wait3A_411 = arith.constant 0 : i32
      %dma_wait3A_412 = tpu.memref_slice %arg10[%arg1, %dma_wait3A_411] : memref<16x2048xi32, #tpu.memory_space<vmem_shared>> -> memref<1x1024xi32, #tpu.memory_space<vmem_shared>>
      %dma_wait3A_413 = tpu.memref_squeeze %dma_wait3A_412 : memref<1x1024xi32, #tpu.memory_space<vmem_shared>> -> memref<1024xi32, #tpu.memory_space<vmem_shared>>
      tpu.wait_dma2 semaphore(%run_scoped3A : memref<!tpu.dma_semaphore, #tpu.memory_space<semaphore_mem>>) src(%dma_wait3A_413 : memref<1024xi32, #tpu.memory_space<vmem_shared>>) dst(%arg11 : memref<1024xi32, #tpu.memory_space<smem>>)
      tpu.yield
    }) : () -> ()
    %scan3A_14 = arith.constant 0 : i32
    %scan3A_15 = arith.constant 0 : i32
    %scan3A_16 = arith.constant 64 : i32
    %scan3A_17 = arith.addi %scan3A_15, %scan3A_16 : i32
    %scan3A_18 = arith.constant 1 : i32
    scf.for %scan3A_409 = %scan3A_15 to %scan3A_17 step %scan3A_18  : i32 {
      %ge3A = arith.constant 2 : i32
      %ge3A_410 = arith.cmpi sge, %scan3A_409, %ge3A : i32
      %convert_element_type3A = arith.extui %ge3A_410 : i1 to i32
      %cond3A = arith.constant 0 : i32
      %cond3A_411 = arith.cmpi ne, %convert_element_type3A, %cond3A : i32
      scf.if %cond3A_411 {
        %dma_wait3A_747 = arith.constant 0 : i32
        %dma_wait3A_748 = tpu.memref_slice %arg6[%dma_wait3A_747] : memref<18432xf32, #tpu.memory_space<vmem>> -> memref<512xf32, #tpu.memory_space<vmem>>
        %dma_wait3A_749 = tpu.memref_slice %arg5[%mul3A_6] : memref<33554432xf32, #tpu.memory_space<hbm>> -> memref<512xf32, #tpu.memory_space<hbm>>
        %dma_wait3A_750 = tpu.memref_slice %arg5[%mul3A_6] : memref<33554432xf32, #tpu.memory_space<hbm>> -> memref<512xf32, #tpu.memory_space<hbm>>
        %dma_wait3A_751 = arith.constant 0 : i32
        %dma_wait3A_752 = tpu.memref_slice %arg6[%dma_wait3A_751] : memref<18432xf32, #tpu.memory_space<vmem>> -> memref<512xf32, #tpu.memory_space<vmem>>
        tpu.wait_dma2 semaphore(%arg12 : memref<!tpu.dma_semaphore, #tpu.memory_space<semaphore_mem>>) src(%dma_wait3A_752 : memref<512xf32, #tpu.memory_space<vmem>>) dst(%dma_wait3A_750 : memref<512xf32, #tpu.memory_space<hbm>>)
        %dma_wait3A_753 = arith.constant 0 : i32
        %dma_wait3A_754 = tpu.memref_slice %arg6[%dma_wait3A_753] : memref<18432xf32, #tpu.memory_space<vmem>> -> memref<512xf32, #tpu.memory_space<vmem>>
        %dma_wait3A_755 = tpu.memref_slice %arg5[%mul3A_6] : memref<33554432xf32, #tpu.memory_space<hbm>> -> memref<512xf32, #tpu.memory_space<hbm>>
        %dma_wait3A_756 = tpu.memref_slice %arg5[%mul3A_6] : memref<33554432xf32, #tpu.memory_space<hbm>> -> memref<512xf32, #tpu.memory_space<hbm>>
        %dma_wait3A_757 = arith.constant 0 : i32
        %dma_wait3A_758 = tpu.memref_slice %arg6[%dma_wait3A_757] : memref<18432xf32, #tpu.memory_space<vmem>> -> memref<512xf32, #tpu.memory_space<vmem>>
        tpu.wait_dma2 semaphore(%arg12 : memref<!tpu.dma_semaphore, #tpu.memory_space<semaphore_mem>>) src(%dma_wait3A_758 : memref<512xf32, #tpu.memory_space<vmem>>) dst(%dma_wait3A_756 : memref<512xf32, #tpu.memory_space<hbm>>)
        %dma_wait3A_759 = arith.constant 0 : i32
        %dma_wait3A_760 = tpu.memref_slice %arg6[%dma_wait3A_759] : memref<18432xf32, #tpu.memory_space<vmem>> -> memref<512xf32, #tpu.memory_space<vmem>>
        %dma_wait3A_761 = tpu.memref_slice %arg5[%mul3A_6] : memref<33554432xf32, #tpu.memory_space<hbm>> -> memref<512xf32, #tpu.memory_space<hbm>>
        %dma_wait3A_762 = tpu.memref_slice %arg5[%mul3A_6] : memref<33554432xf32, #tpu.memory_space<hbm>> -> memref<512xf32, #tpu.memory_space<hbm>>
        %dma_wait3A_763 = arith.constant 0 : i32
        %dma_wait3A_764 = tpu.memref_slice %arg6[%dma_wait3A_763] : memref<18432xf32, #tpu.memory_space<vmem>> -> memref<512xf32, #tpu.memory_space<vmem>>
        tpu.wait_dma2 semaphore(%arg12 : memref<!tpu.dma_semaphore, #tpu.memory_space<semaphore_mem>>) src(%dma_wait3A_764 : memref<512xf32, #tpu.memory_space<vmem>>) dst(%dma_wait3A_762 : memref<512xf32, #tpu.memory_space<hbm>>)
        %dma_wait3A_765 = arith.constant 0 : i32
        %dma_wait3A_766 = tpu.memref_slice %arg6[%dma_wait3A_765] : memref<18432xf32, #tpu.memory_space<vmem>> -> memref<512xf32, #tpu.memory_space<vmem>>
        %dma_wait3A_767 = tpu.memref_slice %arg5[%mul3A_6] : memref<33554432xf32, #tpu.memory_space<hbm>> -> memref<512xf32, #tpu.memory_space<hbm>>
        %dma_wait3A_768 = tpu.memref_slice %arg5[%mul3A_6] : memref<33554432xf32, #tpu.memory_space<hbm>> -> memref<512xf32, #tpu.memory_space<hbm>>
        %dma_wait3A_769 = arith.constant 0 : i32
        %dma_wait3A_770 = tpu.memref_slice %arg6[%dma_wait3A_769] : memref<18432xf32, #tpu.memory_space<vmem>> -> memref<512xf32, #tpu.memory_space<vmem>>
        tpu.wait_dma2 semaphore(%arg12 : memref<!tpu.dma_semaphore, #tpu.memory_space<semaphore_mem>>) src(%dma_wait3A_770 : memref<512xf32, #tpu.memory_space<vmem>>) dst(%dma_wait3A_768 : memref<512xf32, #tpu.memory_space<hbm>>)
        %dma_wait3A_771 = arith.constant 0 : i32
        %dma_wait3A_772 = tpu.memref_slice %arg6[%dma_wait3A_771] : memref<18432xf32, #tpu.memory_space<vmem>> -> memref<512xf32, #tpu.memory_space<vmem>>
        %dma_wait3A_773 = tpu.memref_slice %arg5[%mul3A_6] : memref<33554432xf32, #tpu.memory_space<hbm>> -> memref<512xf32, #tpu.memory_space<hbm>>
        %dma_wait3A_774 = tpu.memref_slice %arg5[%mul3A_6] : memref<33554432xf32, #tpu.memory_space<hbm>> -> memref<512xf32, #tpu.memory_space<hbm>>
        %dma_wait3A_775 = arith.constant 0 : i32
        %dma_wait3A_776 = tpu.memref_slice %arg6[%dma_wait3A_775] : memref<18432xf32, #tpu.memory_space<vmem>> -> memref<512xf32, #tpu.memory_space<vmem>>
        tpu.wait_dma2 semaphore(%arg12 : memref<!tpu.dma_semaphore, #tpu.memory_space<semaphore_mem>>) src(%dma_wait3A_776 : memref<512xf32, #tpu.memory_space<vmem>>) dst(%dma_wait3A_774 : memref<512xf32, #tpu.memory_space<hbm>>)
        %dma_wait3A_777 = arith.constant 0 : i32
        %dma_wait3A_778 = tpu.memref_slice %arg6[%dma_wait3A_777] : memref<18432xf32, #tpu.memory_space<vmem>> -> memref<512xf32, #tpu.memory_space<vmem>>
        %dma_wait3A_779 = tpu.memref_slice %arg5[%mul3A_6] : memref<33554432xf32, #tpu.memory_space<hbm>> -> memref<512xf32, #tpu.memory_space<hbm>>
        %dma_wait3A_780 = tpu.memref_slice %arg5[%mul3A_6] : memref<33554432xf32, #tpu.memory_space<hbm>> -> memref<512xf32, #tpu.memory_space<hbm>>
        %dma_wait3A_781 = arith.constant 0 : i32
        %dma_wait3A_782 = tpu.memref_slice %arg6[%dma_wait3A_781] : memref<18432xf32, #tpu.memory_space<vmem>> -> memref<512xf32, #tpu.memory_space<vmem>>
        tpu.wait_dma2 semaphore(%arg12 : memref<!tpu.dma_semaphore, #tpu.memory_space<semaphore_mem>>) src(%dma_wait3A_782 : memref<512xf32, #tpu.memory_space<vmem>>) dst(%dma_wait3A_780 : memref<512xf32, #tpu.memory_space<hbm>>)
        %dma_wait3A_783 = arith.constant 0 : i32
        %dma_wait3A_784 = tpu.memref_slice %arg6[%dma_wait3A_783] : memref<18432xf32, #tpu.memory_space<vmem>> -> memref<512xf32, #tpu.memory_space<vmem>>
        %dma_wait3A_785 = tpu.memref_slice %arg5[%mul3A_6] : memref<33554432xf32, #tpu.memory_space<hbm>> -> memref<512xf32, #tpu.memory_space<hbm>>
        %dma_wait3A_786 = tpu.memref_slice %arg5[%mul3A_6] : memref<33554432xf32, #tpu.memory_space<hbm>> -> memref<512xf32, #tpu.memory_space<hbm>>
        %dma_wait3A_787 = arith.constant 0 : i32
        %dma_wait3A_788 = tpu.memref_slice %arg6[%dma_wait3A_787] : memref<18432xf32, #tpu.memory_space<vmem>> -> memref<512xf32, #tpu.memory_space<vmem>>
        tpu.wait_dma2 semaphore(%arg12 : memref<!tpu.dma_semaphore, #tpu.memory_space<semaphore_mem>>) src(%dma_wait3A_788 : memref<512xf32, #tpu.memory_space<vmem>>) dst(%dma_wait3A_786 : memref<512xf32, #tpu.memory_space<hbm>>)
        %dma_wait3A_789 = arith.constant 0 : i32
        %dma_wait3A_790 = tpu.memref_slice %arg6[%dma_wait3A_789] : memref<18432xf32, #tpu.memory_space<vmem>> -> memref<512xf32, #tpu.memory_space<vmem>>
        %dma_wait3A_791 = tpu.memref_slice %arg5[%mul3A_6] : memref<33554432xf32, #tpu.memory_space<hbm>> -> memref<512xf32, #tpu.memory_space<hbm>>
        %dma_wait3A_792 = tpu.memref_slice %arg5[%mul3A_6] : memref<33554432xf32, #tpu.memory_space<hbm>> -> memref<512xf32, #tpu.memory_space<hbm>>
        %dma_wait3A_793 = arith.constant 0 : i32
        %dma_wait3A_794 = tpu.memref_slice %arg6[%dma_wait3A_793] : memref<18432xf32, #tpu.memory_space<vmem>> -> memref<512xf32, #tpu.memory_space<vmem>>
        tpu.wait_dma2 semaphore(%arg12 : memref<!tpu.dma_semaphore, #tpu.memory_space<semaphore_mem>>) src(%dma_wait3A_794 : memref<512xf32, #tpu.memory_space<vmem>>) dst(%dma_wait3A_792 : memref<512xf32, #tpu.memory_space<hbm>>)
        %dma_wait3A_795 = arith.constant 0 : i32
        %dma_wait3A_796 = tpu.memref_slice %arg6[%dma_wait3A_795] : memref<18432xf32, #tpu.memory_space<vmem>> -> memref<512xf32, #tpu.memory_space<vmem>>
        %dma_wait3A_797 = tpu.memref_slice %arg5[%mul3A_6] : memref<33554432xf32, #tpu.memory_space<hbm>> -> memref<512xf32, #tpu.memory_space<hbm>>
        %dma_wait3A_798 = tpu.memref_slice %arg5[%mul3A_6] : memref<33554432xf32, #tpu.memory_space<hbm>> -> memref<512xf32, #tpu.memory_space<hbm>>
        %dma_wait3A_799 = arith.constant 0 : i32
        %dma_wait3A_800 = tpu.memref_slice %arg6[%dma_wait3A_799] : memref<18432xf32, #tpu.memory_space<vmem>> -> memref<512xf32, #tpu.memory_space<vmem>>
        tpu.wait_dma2 semaphore(%arg12 : memref<!tpu.dma_semaphore, #tpu.memory_space<semaphore_mem>>) src(%dma_wait3A_800 : memref<512xf32, #tpu.memory_space<vmem>>) dst(%dma_wait3A_798 : memref<512xf32, #tpu.memory_space<hbm>>)
        %dma_wait3A_801 = arith.constant 0 : i32
        %dma_wait3A_802 = tpu.memref_slice %arg6[%dma_wait3A_801] : memref<18432xf32, #tpu.memory_space<vmem>> -> memref<512xf32, #tpu.memory_space<vmem>>
        %dma_wait3A_803 = tpu.memref_slice %arg5[%mul3A_6] : memref<33554432xf32, #tpu.memory_space<hbm>> -> memref<512xf32, #tpu.memory_space<hbm>>
        %dma_wait3A_804 = tpu.memref_slice %arg5[%mul3A_6] : memref<33554432xf32, #tpu.memory_space<hbm>> -> memref<512xf32, #tpu.memory_space<hbm>>
        %dma_wait3A_805 = arith.constant 0 : i32
        %dma_wait3A_806 = tpu.memref_slice %arg6[%dma_wait3A_805] : memref<18432xf32, #tpu.memory_space<vmem>> -> memref<512xf32, #tpu.memory_space<vmem>>
        tpu.wait_dma2 semaphore(%arg12 : memref<!tpu.dma_semaphore, #tpu.memory_space<semaphore_mem>>) src(%dma_wait3A_806 : memref<512xf32, #tpu.memory_space<vmem>>) dst(%dma_wait3A_804 : memref<512xf32, #tpu.memory_space<hbm>>)
        %dma_wait3A_807 = arith.constant 0 : i32
        %dma_wait3A_808 = tpu.memref_slice %arg6[%dma_wait3A_807] : memref<18432xf32, #tpu.memory_space<vmem>> -> memref<512xf32, #tpu.memory_space<vmem>>
        %dma_wait3A_809 = tpu.memref_slice %arg5[%mul3A_6] : memref<33554432xf32, #tpu.memory_space<hbm>> -> memref<512xf32, #tpu.memory_space<hbm>>
        %dma_wait3A_810 = tpu.memref_slice %arg5[%mul3A_6] : memref<33554432xf32, #tpu.memory_space<hbm>> -> memref<512xf32, #tpu.memory_space<hbm>>
        %dma_wait3A_811 = arith.constant 0 : i32
        %dma_wait3A_812 = tpu.memref_slice %arg6[%dma_wait3A_811] : memref<18432xf32, #tpu.memory_space<vmem>> -> memref<512xf32, #tpu.memory_space<vmem>>
        tpu.wait_dma2 semaphore(%arg12 : memref<!tpu.dma_semaphore, #tpu.memory_space<semaphore_mem>>) src(%dma_wait3A_812 : memref<512xf32, #tpu.memory_space<vmem>>) dst(%dma_wait3A_810 : memref<512xf32, #tpu.memory_space<hbm>>)
        %dma_wait3A_813 = arith.constant 0 : i32
        %dma_wait3A_814 = tpu.memref_slice %arg6[%dma_wait3A_813] : memref<18432xf32, #tpu.memory_space<vmem>> -> memref<512xf32, #tpu.memory_space<vmem>>
        %dma_wait3A_815 = tpu.memref_slice %arg5[%mul3A_6] : memref<33554432xf32, #tpu.memory_space<hbm>> -> memref<512xf32, #tpu.memory_space<hbm>>
        %dma_wait3A_816 = tpu.memref_slice %arg5[%mul3A_6] : memref<33554432xf32, #tpu.memory_space<hbm>> -> memref<512xf32, #tpu.memory_space<hbm>>
        %dma_wait3A_817 = arith.constant 0 : i32
        %dma_wait3A_818 = tpu.memref_slice %arg6[%dma_wait3A_817] : memref<18432xf32, #tpu.memory_space<vmem>> -> memref<512xf32, #tpu.memory_space<vmem>>
        tpu.wait_dma2 semaphore(%arg12 : memref<!tpu.dma_semaphore, #tpu.memory_space<semaphore_mem>>) src(%dma_wait3A_818 : memref<512xf32, #tpu.memory_space<vmem>>) dst(%dma_wait3A_816 : memref<512xf32, #tpu.memory_space<hbm>>)
        %dma_wait3A_819 = arith.constant 0 : i32
        %dma_wait3A_820 = tpu.memref_slice %arg6[%dma_wait3A_819] : memref<18432xf32, #tpu.memory_space<vmem>> -> memref<512xf32, #tpu.memory_space<vmem>>
        %dma_wait3A_821 = tpu.memref_slice %arg5[%mul3A_6] : memref<33554432xf32, #tpu.memory_space<hbm>> -> memref<512xf32, #tpu.memory_space<hbm>>
        %dma_wait3A_822 = tpu.memref_slice %arg5[%mul3A_6] : memref<33554432xf32, #tpu.memory_space<hbm>> -> memref<512xf32, #tpu.memory_space<hbm>>
        %dma_wait3A_823 = arith.constant 0 : i32
        %dma_wait3A_824 = tpu.memref_slice %arg6[%dma_wait3A_823] : memref<18432xf32, #tpu.memory_space<vmem>> -> memref<512xf32, #tpu.memory_space<vmem>>
        tpu.wait_dma2 semaphore(%arg12 : memref<!tpu.dma_semaphore, #tpu.memory_space<semaphore_mem>>) src(%dma_wait3A_824 : memref<512xf32, #tpu.memory_space<vmem>>) dst(%dma_wait3A_822 : memref<512xf32, #tpu.memory_space<hbm>>)
        %dma_wait3A_825 = arith.constant 0 : i32
        %dma_wait3A_826 = tpu.memref_slice %arg6[%dma_wait3A_825] : memref<18432xf32, #tpu.memory_space<vmem>> -> memref<512xf32, #tpu.memory_space<vmem>>
        %dma_wait3A_827 = tpu.memref_slice %arg5[%mul3A_6] : memref<33554432xf32, #tpu.memory_space<hbm>> -> memref<512xf32, #tpu.memory_space<hbm>>
        %dma_wait3A_828 = tpu.memref_slice %arg5[%mul3A_6] : memref<33554432xf32, #tpu.memory_space<hbm>> -> memref<512xf32, #tpu.memory_space<hbm>>
        %dma_wait3A_829 = arith.constant 0 : i32
        %dma_wait3A_830 = tpu.memref_slice %arg6[%dma_wait3A_829] : memref<18432xf32, #tpu.memory_space<vmem>> -> memref<512xf32, #tpu.memory_space<vmem>>
        tpu.wait_dma2 semaphore(%arg12 : memref<!tpu.dma_semaphore, #tpu.memory_space<semaphore_mem>>) src(%dma_wait3A_830 : memref<512xf32, #tpu.memory_space<vmem>>) dst(%dma_wait3A_828 : memref<512xf32, #tpu.memory_space<hbm>>)
        %dma_wait3A_831 = arith.constant 0 : i32
        %dma_wait3A_832 = tpu.memref_slice %arg6[%dma_wait3A_831] : memref<18432xf32, #tpu.memory_space<vmem>> -> memref<512xf32, #tpu.memory_space<vmem>>
        %dma_wait3A_833 = tpu.memref_slice %arg5[%mul3A_6] : memref<33554432xf32, #tpu.memory_space<hbm>> -> memref<512xf32, #tpu.memory_space<hbm>>
        %dma_wait3A_834 = tpu.memref_slice %arg5[%mul3A_6] : memref<33554432xf32, #tpu.memory_space<hbm>> -> memref<512xf32, #tpu.memory_space<hbm>>
        %dma_wait3A_835 = arith.constant 0 : i32
        %dma_wait3A_836 = tpu.memref_slice %arg6[%dma_wait3A_835] : memref<18432xf32, #tpu.memory_space<vmem>> -> memref<512xf32, #tpu.memory_space<vmem>>
        tpu.wait_dma2 semaphore(%arg12 : memref<!tpu.dma_semaphore, #tpu.memory_space<semaphore_mem>>) src(%dma_wait3A_836 : memref<512xf32, #tpu.memory_space<vmem>>) dst(%dma_wait3A_834 : memref<512xf32, #tpu.memory_space<hbm>>)
        %dma_wait3A_837 = arith.constant 0 : i32
        %dma_wait3A_838 = tpu.memref_slice %arg6[%dma_wait3A_837] : memref<18432xf32, #tpu.memory_space<vmem>> -> memref<512xf32, #tpu.memory_space<vmem>>
        %dma_wait3A_839 = tpu.memref_slice %arg5[%mul3A_6] : memref<33554432xf32, #tpu.memory_space<hbm>> -> memref<512xf32, #tpu.memory_space<hbm>>
        %dma_wait3A_840 = tpu.memref_slice %arg5[%mul3A_6] : memref<33554432xf32, #tpu.memory_space<hbm>> -> memref<512xf32, #tpu.memory_space<hbm>>
        %dma_wait3A_841 = arith.constant 0 : i32
        %dma_wait3A_842 = tpu.memref_slice %arg6[%dma_wait3A_841] : memref<18432xf32, #tpu.memory_space<vmem>> -> memref<512xf32, #tpu.memory_space<vmem>>
        tpu.wait_dma2 semaphore(%arg12 : memref<!tpu.dma_semaphore, #tpu.memory_space<semaphore_mem>>) src(%dma_wait3A_842 : memref<512xf32, #tpu.memory_space<vmem>>) dst(%dma_wait3A_840 : memref<512xf32, #tpu.memory_space<hbm>>)
      } else {
      }
      %mul3A_412 = arith.constant 16 : i32
      %mul3A_413 = arith.muli %scan3A_409, %mul3A_412 : i32
      %add3A_414 = arith.constant 0 : i32
      %add3A_415 = arith.addi %mul3A_413, %add3A_414 : i32
      %get3A_416 = arith.index_cast %add3A_415 : i32 to index
      %get3A_417 = memref.load %arg11[%get3A_416] : memref<1024xi32, #tpu.memory_space<smem>>
      %mul3A_418 = arith.constant 512 : i32
      %mul3A_419 = arith.muli %get3A_417, %mul3A_418 : i32
      %add3A_420 = arith.constant 0 : i32
      %add3A_421 = arith.addi %add3A_420, %scan3A_409 : i32
      %mul3A_422 = arith.constant 16 : i32
      %mul3A_423 = arith.muli %add3A_421, %mul3A_422 : i32
      %mul3A_424 = arith.constant 512 : i32
      %mul3A_425 = arith.muli %mul3A_423, %mul3A_424 : i32
      %add3A_426 = arith.addi %mul3A_6, %mul3A_425 : i32
      %add3A_427 = arith.constant 0 : i32
      %add3A_428 = arith.addi %add3A_426, %add3A_427 : i32
      %dma_start3A = tpu.memref_slice %arg6[%mul3A_419] : memref<18432xf32, #tpu.memory_space<vmem>> -> memref<512xf32, #tpu.memory_space<vmem>>
      %dma_start3A_429 = tpu.memref_slice %arg5[%add3A_428] : memref<33554432xf32, #tpu.memory_space<hbm>> -> memref<512xf32, #tpu.memory_space<hbm>>
      %dma_start3A_430 = tpu.memref_slice %arg5[%add3A_428] : memref<33554432xf32, #tpu.memory_space<hbm>> -> memref<512xf32, #tpu.memory_space<hbm>>
      %dma_start3A_431 = tpu.memref_slice %arg6[%mul3A_419] : memref<18432xf32, #tpu.memory_space<vmem>> -> memref<512xf32, #tpu.memory_space<vmem>>
      tpu.enqueue_dma source(%dma_start3A_431 : memref<512xf32, #tpu.memory_space<vmem>>) target(%dma_start3A_430 : memref<512xf32, #tpu.memory_space<hbm>>) target_semaphore(%arg12 : memref<!tpu.dma_semaphore, #tpu.memory_space<semaphore_mem>>)
      %mul3A_432 = arith.constant 16 : i32
      %mul3A_433 = arith.muli %scan3A_409, %mul3A_432 : i32
      %add3A_434 = arith.constant 1 : i32
      %add3A_435 = arith.addi %mul3A_433, %add3A_434 : i32
      %get3A_436 = arith.index_cast %add3A_435 : i32 to index
      %get3A_437 = memref.load %arg11[%get3A_436] : memref<1024xi32, #tpu.memory_space<smem>>
      %mul3A_438 = arith.constant 512 : i32
      %mul3A_439 = arith.muli %get3A_437, %mul3A_438 : i32
      %add3A_440 = arith.constant 0 : i32
      %add3A_441 = arith.addi %add3A_440, %scan3A_409 : i32
      %mul3A_442 = arith.constant 16 : i32
      %mul3A_443 = arith.muli %add3A_441, %mul3A_442 : i32
      %mul3A_444 = arith.constant 512 : i32
      %mul3A_445 = arith.muli %mul3A_443, %mul3A_444 : i32
      %add3A_446 = arith.addi %mul3A_6, %mul3A_445 : i32
      %add3A_447 = arith.constant 512 : i32
      %add3A_448 = arith.addi %add3A_446, %add3A_447 : i32
      %dma_start3A_449 = tpu.memref_slice %arg6[%mul3A_439] : memref<18432xf32, #tpu.memory_space<vmem>> -> memref<512xf32, #tpu.memory_space<vmem>>
      %dma_start3A_450 = tpu.memref_slice %arg5[%add3A_448] : memref<33554432xf32, #tpu.memory_space<hbm>> -> memref<512xf32, #tpu.memory_space<hbm>>
      %dma_start3A_451 = tpu.memref_slice %arg5[%add3A_448] : memref<33554432xf32, #tpu.memory_space<hbm>> -> memref<512xf32, #tpu.memory_space<hbm>>
      %dma_start3A_452 = tpu.memref_slice %arg6[%mul3A_439] : memref<18432xf32, #tpu.memory_space<vmem>> -> memref<512xf32, #tpu.memory_space<vmem>>
      tpu.enqueue_dma source(%dma_start3A_452 : memref<512xf32, #tpu.memory_space<vmem>>) target(%dma_start3A_451 : memref<512xf32, #tpu.memory_space<hbm>>) target_semaphore(%arg12 : memref<!tpu.dma_semaphore, #tpu.memory_space<semaphore_mem>>)
      %mul3A_453 = arith.constant 16 : i32
      %mul3A_454 = arith.muli %scan3A_409, %mul3A_453 : i32
      %add3A_455 = arith.constant 2 : i32
      %add3A_456 = arith.addi %mul3A_454, %add3A_455 : i32
      %get3A_457 = arith.index_cast %add3A_456 : i32 to index
      %get3A_458 = memref.load %arg11[%get3A_457] : memref<1024xi32, #tpu.memory_space<smem>>
      %mul3A_459 = arith.constant 512 : i32
      %mul3A_460 = arith.muli %get3A_458, %mul3A_459 : i32
      %add3A_461 = arith.constant 0 : i32
      %add3A_462 = arith.addi %add3A_461, %scan3A_409 : i32
      %mul3A_463 = arith.constant 16 : i32
      %mul3A_464 = arith.muli %add3A_462, %mul3A_463 : i32
      %mul3A_465 = arith.constant 512 : i32
      %mul3A_466 = arith.muli %mul3A_464, %mul3A_465 : i32
      %add3A_467 = arith.addi %mul3A_6, %mul3A_466 : i32
      %add3A_468 = arith.constant 1024 : i32
      %add3A_469 = arith.addi %add3A_467, %add3A_468 : i32
      %dma_start3A_470 = tpu.memref_slice %arg6[%mul3A_460] : memref<18432xf32, #tpu.memory_space<vmem>> -> memref<512xf32, #tpu.memory_space<vmem>>
      %dma_start3A_471 = tpu.memref_slice %arg5[%add3A_469] : memref<33554432xf32, #tpu.memory_space<hbm>> -> memref<512xf32, #tpu.memory_space<hbm>>
      %dma_start3A_472 = tpu.memref_slice %arg5[%add3A_469] : memref<33554432xf32, #tpu.memory_space<hbm>> -> memref<512xf32, #tpu.memory_space<hbm>>
      %dma_start3A_473 = tpu.memref_slice %arg6[%mul3A_460] : memref<18432xf32, #tpu.memory_space<vmem>> -> memref<512xf32, #tpu.memory_space<vmem>>
      tpu.enqueue_dma source(%dma_start3A_473 : memref<512xf32, #tpu.memory_space<vmem>>) target(%dma_start3A_472 : memref<512xf32, #tpu.memory_space<hbm>>) target_semaphore(%arg12 : memref<!tpu.dma_semaphore, #tpu.memory_space<semaphore_mem>>)
      %mul3A_474 = arith.constant 16 : i32
      %mul3A_475 = arith.muli %scan3A_409, %mul3A_474 : i32
      %add3A_476 = arith.constant 3 : i32
      %add3A_477 = arith.addi %mul3A_475, %add3A_476 : i32
      %get3A_478 = arith.index_cast %add3A_477 : i32 to index
      %get3A_479 = memref.load %arg11[%get3A_478] : memref<1024xi32, #tpu.memory_space<smem>>
      %mul3A_480 = arith.constant 512 : i32
      %mul3A_481 = arith.muli %get3A_479, %mul3A_480 : i32
      %add3A_482 = arith.constant 0 : i32
      %add3A_483 = arith.addi %add3A_482, %scan3A_409 : i32
      %mul3A_484 = arith.constant 16 : i32
      %mul3A_485 = arith.muli %add3A_483, %mul3A_484 : i32
      %mul3A_486 = arith.constant 512 : i32
      %mul3A_487 = arith.muli %mul3A_485, %mul3A_486 : i32
      %add3A_488 = arith.addi %mul3A_6, %mul3A_487 : i32
      %add3A_489 = arith.constant 1536 : i32
      %add3A_490 = arith.addi %add3A_488, %add3A_489 : i32
      %dma_start3A_491 = tpu.memref_slice %arg6[%mul3A_481] : memref<18432xf32, #tpu.memory_space<vmem>> -> memref<512xf32, #tpu.memory_space<vmem>>
      %dma_start3A_492 = tpu.memref_slice %arg5[%add3A_490] : memref<33554432xf32, #tpu.memory_space<hbm>> -> memref<512xf32, #tpu.memory_space<hbm>>
      %dma_start3A_493 = tpu.memref_slice %arg5[%add3A_490] : memref<33554432xf32, #tpu.memory_space<hbm>> -> memref<512xf32, #tpu.memory_space<hbm>>
      %dma_start3A_494 = tpu.memref_slice %arg6[%mul3A_481] : memref<18432xf32, #tpu.memory_space<vmem>> -> memref<512xf32, #tpu.memory_space<vmem>>
      tpu.enqueue_dma source(%dma_start3A_494 : memref<512xf32, #tpu.memory_space<vmem>>) target(%dma_start3A_493 : memref<512xf32, #tpu.memory_space<hbm>>) target_semaphore(%arg12 : memref<!tpu.dma_semaphore, #tpu.memory_space<semaphore_mem>>)
      %mul3A_495 = arith.constant 16 : i32
      %mul3A_496 = arith.muli %scan3A_409, %mul3A_495 : i32
      %add3A_497 = arith.constant 4 : i32
      %add3A_498 = arith.addi %mul3A_496, %add3A_497 : i32
      %get3A_499 = arith.index_cast %add3A_498 : i32 to index
      %get3A_500 = memref.load %arg11[%get3A_499] : memref<1024xi32, #tpu.memory_space<smem>>
      %mul3A_501 = arith.constant 512 : i32
      %mul3A_502 = arith.muli %get3A_500, %mul3A_501 : i32
      %add3A_503 = arith.constant 0 : i32
      %add3A_504 = arith.addi %add3A_503, %scan3A_409 : i32
      %mul3A_505 = arith.constant 16 : i32
      %mul3A_506 = arith.muli %add3A_504, %mul3A_505 : i32
      %mul3A_507 = arith.constant 512 : i32
      %mul3A_508 = arith.muli %mul3A_506, %mul3A_507 : i32
      %add3A_509 = arith.addi %mul3A_6, %mul3A_508 : i32
      %add3A_510 = arith.constant 2048 : i32
      %add3A_511 = arith.addi %add3A_509, %add3A_510 : i32
      %dma_start3A_512 = tpu.memref_slice %arg6[%mul3A_502] : memref<18432xf32, #tpu.memory_space<vmem>> -> memref<512xf32, #tpu.memory_space<vmem>>
      %dma_start3A_513 = tpu.memref_slice %arg5[%add3A_511] : memref<33554432xf32, #tpu.memory_space<hbm>> -> memref<512xf32, #tpu.memory_space<hbm>>
      %dma_start3A_514 = tpu.memref_slice %arg5[%add3A_511] : memref<33554432xf32, #tpu.memory_space<hbm>> -> memref<512xf32, #tpu.memory_space<hbm>>
      %dma_start3A_515 = tpu.memref_slice %arg6[%mul3A_502] : memref<18432xf32, #tpu.memory_space<vmem>> -> memref<512xf32, #tpu.memory_space<vmem>>
      tpu.enqueue_dma source(%dma_start3A_515 : memref<512xf32, #tpu.memory_space<vmem>>) target(%dma_start3A_514 : memref<512xf32, #tpu.memory_space<hbm>>) target_semaphore(%arg12 : memref<!tpu.dma_semaphore, #tpu.memory_space<semaphore_mem>>)
      %mul3A_516 = arith.constant 16 : i32
      %mul3A_517 = arith.muli %scan3A_409, %mul3A_516 : i32
      %add3A_518 = arith.constant 5 : i32
      %add3A_519 = arith.addi %mul3A_517, %add3A_518 : i32
      %get3A_520 = arith.index_cast %add3A_519 : i32 to index
      %get3A_521 = memref.load %arg11[%get3A_520] : memref<1024xi32, #tpu.memory_space<smem>>
      %mul3A_522 = arith.constant 512 : i32
      %mul3A_523 = arith.muli %get3A_521, %mul3A_522 : i32
      %add3A_524 = arith.constant 0 : i32
      %add3A_525 = arith.addi %add3A_524, %scan3A_409 : i32
      %mul3A_526 = arith.constant 16 : i32
      %mul3A_527 = arith.muli %add3A_525, %mul3A_526 : i32
      %mul3A_528 = arith.constant 512 : i32
      %mul3A_529 = arith.muli %mul3A_527, %mul3A_528 : i32
      %add3A_530 = arith.addi %mul3A_6, %mul3A_529 : i32
      %add3A_531 = arith.constant 2560 : i32
      %add3A_532 = arith.addi %add3A_530, %add3A_531 : i32
      %dma_start3A_533 = tpu.memref_slice %arg6[%mul3A_523] : memref<18432xf32, #tpu.memory_space<vmem>> -> memref<512xf32, #tpu.memory_space<vmem>>
      %dma_start3A_534 = tpu.memref_slice %arg5[%add3A_532] : memref<33554432xf32, #tpu.memory_space<hbm>> -> memref<512xf32, #tpu.memory_space<hbm>>
      %dma_start3A_535 = tpu.memref_slice %arg5[%add3A_532] : memref<33554432xf32, #tpu.memory_space<hbm>> -> memref<512xf32, #tpu.memory_space<hbm>>
      %dma_start3A_536 = tpu.memref_slice %arg6[%mul3A_523] : memref<18432xf32, #tpu.memory_space<vmem>> -> memref<512xf32, #tpu.memory_space<vmem>>
      tpu.enqueue_dma source(%dma_start3A_536 : memref<512xf32, #tpu.memory_space<vmem>>) target(%dma_start3A_535 : memref<512xf32, #tpu.memory_space<hbm>>) target_semaphore(%arg12 : memref<!tpu.dma_semaphore, #tpu.memory_space<semaphore_mem>>)
      %mul3A_537 = arith.constant 16 : i32
      %mul3A_538 = arith.muli %scan3A_409, %mul3A_537 : i32
      %add3A_539 = arith.constant 6 : i32
      %add3A_540 = arith.addi %mul3A_538, %add3A_539 : i32
      %get3A_541 = arith.index_cast %add3A_540 : i32 to index
      %get3A_542 = memref.load %arg11[%get3A_541] : memref<1024xi32, #tpu.memory_space<smem>>
      %mul3A_543 = arith.constant 512 : i32
      %mul3A_544 = arith.muli %get3A_542, %mul3A_543 : i32
      %add3A_545 = arith.constant 0 : i32
      %add3A_546 = arith.addi %add3A_545, %scan3A_409 : i32
      %mul3A_547 = arith.constant 16 : i32
      %mul3A_548 = arith.muli %add3A_546, %mul3A_547 : i32
      %mul3A_549 = arith.constant 512 : i32
      %mul3A_550 = arith.muli %mul3A_548, %mul3A_549 : i32
      %add3A_551 = arith.addi %mul3A_6, %mul3A_550 : i32
      %add3A_552 = arith.constant 3072 : i32
      %add3A_553 = arith.addi %add3A_551, %add3A_552 : i32
      %dma_start3A_554 = tpu.memref_slice %arg6[%mul3A_544] : memref<18432xf32, #tpu.memory_space<vmem>> -> memref<512xf32, #tpu.memory_space<vmem>>
      %dma_start3A_555 = tpu.memref_slice %arg5[%add3A_553] : memref<33554432xf32, #tpu.memory_space<hbm>> -> memref<512xf32, #tpu.memory_space<hbm>>
      %dma_start3A_556 = tpu.memref_slice %arg5[%add3A_553] : memref<33554432xf32, #tpu.memory_space<hbm>> -> memref<512xf32, #tpu.memory_space<hbm>>
      %dma_start3A_557 = tpu.memref_slice %arg6[%mul3A_544] : memref<18432xf32, #tpu.memory_space<vmem>> -> memref<512xf32, #tpu.memory_space<vmem>>
      tpu.enqueue_dma source(%dma_start3A_557 : memref<512xf32, #tpu.memory_space<vmem>>) target(%dma_start3A_556 : memref<512xf32, #tpu.memory_space<hbm>>) target_semaphore(%arg12 : memref<!tpu.dma_semaphore, #tpu.memory_space<semaphore_mem>>)
      %mul3A_558 = arith.constant 16 : i32
      %mul3A_559 = arith.muli %scan3A_409, %mul3A_558 : i32
      %add3A_560 = arith.constant 7 : i32
      %add3A_561 = arith.addi %mul3A_559, %add3A_560 : i32
      %get3A_562 = arith.index_cast %add3A_561 : i32 to index
      %get3A_563 = memref.load %arg11[%get3A_562] : memref<1024xi32, #tpu.memory_space<smem>>
      %mul3A_564 = arith.constant 512 : i32
      %mul3A_565 = arith.muli %get3A_563, %mul3A_564 : i32
      %add3A_566 = arith.constant 0 : i32
      %add3A_567 = arith.addi %add3A_566, %scan3A_409 : i32
      %mul3A_568 = arith.constant 16 : i32
      %mul3A_569 = arith.muli %add3A_567, %mul3A_568 : i32
      %mul3A_570 = arith.constant 512 : i32
      %mul3A_571 = arith.muli %mul3A_569, %mul3A_570 : i32
      %add3A_572 = arith.addi %mul3A_6, %mul3A_571 : i32
      %add3A_573 = arith.constant 3584 : i32
      %add3A_574 = arith.addi %add3A_572, %add3A_573 : i32
      %dma_start3A_575 = tpu.memref_slice %arg6[%mul3A_565] : memref<18432xf32, #tpu.memory_space<vmem>> -> memref<512xf32, #tpu.memory_space<vmem>>
      %dma_start3A_576 = tpu.memref_slice %arg5[%add3A_574] : memref<33554432xf32, #tpu.memory_space<hbm>> -> memref<512xf32, #tpu.memory_space<hbm>>
      %dma_start3A_577 = tpu.memref_slice %arg5[%add3A_574] : memref<33554432xf32, #tpu.memory_space<hbm>> -> memref<512xf32, #tpu.memory_space<hbm>>
      %dma_start3A_578 = tpu.memref_slice %arg6[%mul3A_565] : memref<18432xf32, #tpu.memory_space<vmem>> -> memref<512xf32, #tpu.memory_space<vmem>>
      tpu.enqueue_dma source(%dma_start3A_578 : memref<512xf32, #tpu.memory_space<vmem>>) target(%dma_start3A_577 : memref<512xf32, #tpu.memory_space<hbm>>) target_semaphore(%arg12 : memref<!tpu.dma_semaphore, #tpu.memory_space<semaphore_mem>>)
      %mul3A_579 = arith.constant 16 : i32
      %mul3A_580 = arith.muli %scan3A_409, %mul3A_579 : i32
      %add3A_581 = arith.constant 8 : i32
      %add3A_582 = arith.addi %mul3A_580, %add3A_581 : i32
      %get3A_583 = arith.index_cast %add3A_582 : i32 to index
      %get3A_584 = memref.load %arg11[%get3A_583] : memref<1024xi32, #tpu.memory_space<smem>>
      %mul3A_585 = arith.constant 512 : i32
      %mul3A_586 = arith.muli %get3A_584, %mul3A_585 : i32
      %add3A_587 = arith.constant 0 : i32
      %add3A_588 = arith.addi %add3A_587, %scan3A_409 : i32
      %mul3A_589 = arith.constant 16 : i32
      %mul3A_590 = arith.muli %add3A_588, %mul3A_589 : i32
      %mul3A_591 = arith.constant 512 : i32
      %mul3A_592 = arith.muli %mul3A_590, %mul3A_591 : i32
      %add3A_593 = arith.addi %mul3A_6, %mul3A_592 : i32
      %add3A_594 = arith.constant 4096 : i32
      %add3A_595 = arith.addi %add3A_593, %add3A_594 : i32
      %dma_start3A_596 = tpu.memref_slice %arg6[%mul3A_586] : memref<18432xf32, #tpu.memory_space<vmem>> -> memref<512xf32, #tpu.memory_space<vmem>>
      %dma_start3A_597 = tpu.memref_slice %arg5[%add3A_595] : memref<33554432xf32, #tpu.memory_space<hbm>> -> memref<512xf32, #tpu.memory_space<hbm>>
      %dma_start3A_598 = tpu.memref_slice %arg5[%add3A_595] : memref<33554432xf32, #tpu.memory_space<hbm>> -> memref<512xf32, #tpu.memory_space<hbm>>
      %dma_start3A_599 = tpu.memref_slice %arg6[%mul3A_586] : memref<18432xf32, #tpu.memory_space<vmem>> -> memref<512xf32, #tpu.memory_space<vmem>>
      tpu.enqueue_dma source(%dma_start3A_599 : memref<512xf32, #tpu.memory_space<vmem>>) target(%dma_start3A_598 : memref<512xf32, #tpu.memory_space<hbm>>) target_semaphore(%arg12 : memref<!tpu.dma_semaphore, #tpu.memory_space<semaphore_mem>>)
      %mul3A_600 = arith.constant 16 : i32
      %mul3A_601 = arith.muli %scan3A_409, %mul3A_600 : i32
      %add3A_602 = arith.constant 9 : i32
      %add3A_603 = arith.addi %mul3A_601, %add3A_602 : i32
      %get3A_604 = arith.index_cast %add3A_603 : i32 to index
      %get3A_605 = memref.load %arg11[%get3A_604] : memref<1024xi32, #tpu.memory_space<smem>>
      %mul3A_606 = arith.constant 512 : i32
      %mul3A_607 = arith.muli %get3A_605, %mul3A_606 : i32
      %add3A_608 = arith.constant 0 : i32
      %add3A_609 = arith.addi %add3A_608, %scan3A_409 : i32
      %mul3A_610 = arith.constant 16 : i32
      %mul3A_611 = arith.muli %add3A_609, %mul3A_610 : i32
      %mul3A_612 = arith.constant 512 : i32
      %mul3A_613 = arith.muli %mul3A_611, %mul3A_612 : i32
      %add3A_614 = arith.addi %mul3A_6, %mul3A_613 : i32
      %add3A_615 = arith.constant 4608 : i32
      %add3A_616 = arith.addi %add3A_614, %add3A_615 : i32
      %dma_start3A_617 = tpu.memref_slice %arg6[%mul3A_607] : memref<18432xf32, #tpu.memory_space<vmem>> -> memref<512xf32, #tpu.memory_space<vmem>>
      %dma_start3A_618 = tpu.memref_slice %arg5[%add3A_616] : memref<33554432xf32, #tpu.memory_space<hbm>> -> memref<512xf32, #tpu.memory_space<hbm>>
      %dma_start3A_619 = tpu.memref_slice %arg5[%add3A_616] : memref<33554432xf32, #tpu.memory_space<hbm>> -> memref<512xf32, #tpu.memory_space<hbm>>
      %dma_start3A_620 = tpu.memref_slice %arg6[%mul3A_607] : memref<18432xf32, #tpu.memory_space<vmem>> -> memref<512xf32, #tpu.memory_space<vmem>>
      tpu.enqueue_dma source(%dma_start3A_620 : memref<512xf32, #tpu.memory_space<vmem>>) target(%dma_start3A_619 : memref<512xf32, #tpu.memory_space<hbm>>) target_semaphore(%arg12 : memref<!tpu.dma_semaphore, #tpu.memory_space<semaphore_mem>>)
      %mul3A_621 = arith.constant 16 : i32
      %mul3A_622 = arith.muli %scan3A_409, %mul3A_621 : i32
      %add3A_623 = arith.constant 10 : i32
      %add3A_624 = arith.addi %mul3A_622, %add3A_623 : i32
      %get3A_625 = arith.index_cast %add3A_624 : i32 to index
      %get3A_626 = memref.load %arg11[%get3A_625] : memref<1024xi32, #tpu.memory_space<smem>>
      %mul3A_627 = arith.constant 512 : i32
      %mul3A_628 = arith.muli %get3A_626, %mul3A_627 : i32
      %add3A_629 = arith.constant 0 : i32
      %add3A_630 = arith.addi %add3A_629, %scan3A_409 : i32
      %mul3A_631 = arith.constant 16 : i32
      %mul3A_632 = arith.muli %add3A_630, %mul3A_631 : i32
      %mul3A_633 = arith.constant 512 : i32
      %mul3A_634 = arith.muli %mul3A_632, %mul3A_633 : i32
      %add3A_635 = arith.addi %mul3A_6, %mul3A_634 : i32
      %add3A_636 = arith.constant 5120 : i32
      %add3A_637 = arith.addi %add3A_635, %add3A_636 : i32
      %dma_start3A_638 = tpu.memref_slice %arg6[%mul3A_628] : memref<18432xf32, #tpu.memory_space<vmem>> -> memref<512xf32, #tpu.memory_space<vmem>>
      %dma_start3A_639 = tpu.memref_slice %arg5[%add3A_637] : memref<33554432xf32, #tpu.memory_space<hbm>> -> memref<512xf32, #tpu.memory_space<hbm>>
      %dma_start3A_640 = tpu.memref_slice %arg5[%add3A_637] : memref<33554432xf32, #tpu.memory_space<hbm>> -> memref<512xf32, #tpu.memory_space<hbm>>
      %dma_start3A_641 = tpu.memref_slice %arg6[%mul3A_628] : memref<18432xf32, #tpu.memory_space<vmem>> -> memref<512xf32, #tpu.memory_space<vmem>>
      tpu.enqueue_dma source(%dma_start3A_641 : memref<512xf32, #tpu.memory_space<vmem>>) target(%dma_start3A_640 : memref<512xf32, #tpu.memory_space<hbm>>) target_semaphore(%arg12 : memref<!tpu.dma_semaphore, #tpu.memory_space<semaphore_mem>>)
      %mul3A_642 = arith.constant 16 : i32
      %mul3A_643 = arith.muli %scan3A_409, %mul3A_642 : i32
      %add3A_644 = arith.constant 11 : i32
      %add3A_645 = arith.addi %mul3A_643, %add3A_644 : i32
      %get3A_646 = arith.index_cast %add3A_645 : i32 to index
      %get3A_647 = memref.load %arg11[%get3A_646] : memref<1024xi32, #tpu.memory_space<smem>>
      %mul3A_648 = arith.constant 512 : i32
      %mul3A_649 = arith.muli %get3A_647, %mul3A_648 : i32
      %add3A_650 = arith.constant 0 : i32
      %add3A_651 = arith.addi %add3A_650, %scan3A_409 : i32
      %mul3A_652 = arith.constant 16 : i32
      %mul3A_653 = arith.muli %add3A_651, %mul3A_652 : i32
      %mul3A_654 = arith.constant 512 : i32
      %mul3A_655 = arith.muli %mul3A_653, %mul3A_654 : i32
      %add3A_656 = arith.addi %mul3A_6, %mul3A_655 : i32
      %add3A_657 = arith.constant 5632 : i32
      %add3A_658 = arith.addi %add3A_656, %add3A_657 : i32
      %dma_start3A_659 = tpu.memref_slice %arg6[%mul3A_649] : memref<18432xf32, #tpu.memory_space<vmem>> -> memref<512xf32, #tpu.memory_space<vmem>>
      %dma_start3A_660 = tpu.memref_slice %arg5[%add3A_658] : memref<33554432xf32, #tpu.memory_space<hbm>> -> memref<512xf32, #tpu.memory_space<hbm>>
      %dma_start3A_661 = tpu.memref_slice %arg5[%add3A_658] : memref<33554432xf32, #tpu.memory_space<hbm>> -> memref<512xf32, #tpu.memory_space<hbm>>
      %dma_start3A_662 = tpu.memref_slice %arg6[%mul3A_649] : memref<18432xf32, #tpu.memory_space<vmem>> -> memref<512xf32, #tpu.memory_space<vmem>>
      tpu.enqueue_dma source(%dma_start3A_662 : memref<512xf32, #tpu.memory_space<vmem>>) target(%dma_start3A_661 : memref<512xf32, #tpu.memory_space<hbm>>) target_semaphore(%arg12 : memref<!tpu.dma_semaphore, #tpu.memory_space<semaphore_mem>>)
      %mul3A_663 = arith.constant 16 : i32
      %mul3A_664 = arith.muli %scan3A_409, %mul3A_663 : i32
      %add3A_665 = arith.constant 12 : i32
      %add3A_666 = arith.addi %mul3A_664, %add3A_665 : i32
      %get3A_667 = arith.index_cast %add3A_666 : i32 to index
      %get3A_668 = memref.load %arg11[%get3A_667] : memref<1024xi32, #tpu.memory_space<smem>>
      %mul3A_669 = arith.constant 512 : i32
      %mul3A_670 = arith.muli %get3A_668, %mul3A_669 : i32
      %add3A_671 = arith.constant 0 : i32
      %add3A_672 = arith.addi %add3A_671, %scan3A_409 : i32
      %mul3A_673 = arith.constant 16 : i32
      %mul3A_674 = arith.muli %add3A_672, %mul3A_673 : i32
      %mul3A_675 = arith.constant 512 : i32
      %mul3A_676 = arith.muli %mul3A_674, %mul3A_675 : i32
      %add3A_677 = arith.addi %mul3A_6, %mul3A_676 : i32
      %add3A_678 = arith.constant 6144 : i32
      %add3A_679 = arith.addi %add3A_677, %add3A_678 : i32
      %dma_start3A_680 = tpu.memref_slice %arg6[%mul3A_670] : memref<18432xf32, #tpu.memory_space<vmem>> -> memref<512xf32, #tpu.memory_space<vmem>>
      %dma_start3A_681 = tpu.memref_slice %arg5[%add3A_679] : memref<33554432xf32, #tpu.memory_space<hbm>> -> memref<512xf32, #tpu.memory_space<hbm>>
      %dma_start3A_682 = tpu.memref_slice %arg5[%add3A_679] : memref<33554432xf32, #tpu.memory_space<hbm>> -> memref<512xf32, #tpu.memory_space<hbm>>
      %dma_start3A_683 = tpu.memref_slice %arg6[%mul3A_670] : memref<18432xf32, #tpu.memory_space<vmem>> -> memref<512xf32, #tpu.memory_space<vmem>>
      tpu.enqueue_dma source(%dma_start3A_683 : memref<512xf32, #tpu.memory_space<vmem>>) target(%dma_start3A_682 : memref<512xf32, #tpu.memory_space<hbm>>) target_semaphore(%arg12 : memref<!tpu.dma_semaphore, #tpu.memory_space<semaphore_mem>>)
      %mul3A_684 = arith.constant 16 : i32
      %mul3A_685 = arith.muli %scan3A_409, %mul3A_684 : i32
      %add3A_686 = arith.constant 13 : i32
      %add3A_687 = arith.addi %mul3A_685, %add3A_686 : i32
      %get3A_688 = arith.index_cast %add3A_687 : i32 to index
      %get3A_689 = memref.load %arg11[%get3A_688] : memref<1024xi32, #tpu.memory_space<smem>>
      %mul3A_690 = arith.constant 512 : i32
      %mul3A_691 = arith.muli %get3A_689, %mul3A_690 : i32
      %add3A_692 = arith.constant 0 : i32
      %add3A_693 = arith.addi %add3A_692, %scan3A_409 : i32
      %mul3A_694 = arith.constant 16 : i32
      %mul3A_695 = arith.muli %add3A_693, %mul3A_694 : i32
      %mul3A_696 = arith.constant 512 : i32
      %mul3A_697 = arith.muli %mul3A_695, %mul3A_696 : i32
      %add3A_698 = arith.addi %mul3A_6, %mul3A_697 : i32
      %add3A_699 = arith.constant 6656 : i32
      %add3A_700 = arith.addi %add3A_698, %add3A_699 : i32
      %dma_start3A_701 = tpu.memref_slice %arg6[%mul3A_691] : memref<18432xf32, #tpu.memory_space<vmem>> -> memref<512xf32, #tpu.memory_space<vmem>>
      %dma_start3A_702 = tpu.memref_slice %arg5[%add3A_700] : memref<33554432xf32, #tpu.memory_space<hbm>> -> memref<512xf32, #tpu.memory_space<hbm>>
      %dma_start3A_703 = tpu.memref_slice %arg5[%add3A_700] : memref<33554432xf32, #tpu.memory_space<hbm>> -> memref<512xf32, #tpu.memory_space<hbm>>
      %dma_start3A_704 = tpu.memref_slice %arg6[%mul3A_691] : memref<18432xf32, #tpu.memory_space<vmem>> -> memref<512xf32, #tpu.memory_space<vmem>>
      tpu.enqueue_dma source(%dma_start3A_704 : memref<512xf32, #tpu.memory_space<vmem>>) target(%dma_start3A_703 : memref<512xf32, #tpu.memory_space<hbm>>) target_semaphore(%arg12 : memref<!tpu.dma_semaphore, #tpu.memory_space<semaphore_mem>>)
      %mul3A_705 = arith.constant 16 : i32
      %mul3A_706 = arith.muli %scan3A_409, %mul3A_705 : i32
      %add3A_707 = arith.constant 14 : i32
      %add3A_708 = arith.addi %mul3A_706, %add3A_707 : i32
      %get3A_709 = arith.index_cast %add3A_708 : i32 to index
      %get3A_710 = memref.load %arg11[%get3A_709] : memref<1024xi32, #tpu.memory_space<smem>>
      %mul3A_711 = arith.constant 512 : i32
      %mul3A_712 = arith.muli %get3A_710, %mul3A_711 : i32
      %add3A_713 = arith.constant 0 : i32
      %add3A_714 = arith.addi %add3A_713, %scan3A_409 : i32
      %mul3A_715 = arith.constant 16 : i32
      %mul3A_716 = arith.muli %add3A_714, %mul3A_715 : i32
      %mul3A_717 = arith.constant 512 : i32
      %mul3A_718 = arith.muli %mul3A_716, %mul3A_717 : i32
      %add3A_719 = arith.addi %mul3A_6, %mul3A_718 : i32
      %add3A_720 = arith.constant 7168 : i32
      %add3A_721 = arith.addi %add3A_719, %add3A_720 : i32
      %dma_start3A_722 = tpu.memref_slice %arg6[%mul3A_712] : memref<18432xf32, #tpu.memory_space<vmem>> -> memref<512xf32, #tpu.memory_space<vmem>>
      %dma_start3A_723 = tpu.memref_slice %arg5[%add3A_721] : memref<33554432xf32, #tpu.memory_space<hbm>> -> memref<512xf32, #tpu.memory_space<hbm>>
      %dma_start3A_724 = tpu.memref_slice %arg5[%add3A_721] : memref<33554432xf32, #tpu.memory_space<hbm>> -> memref<512xf32, #tpu.memory_space<hbm>>
      %dma_start3A_725 = tpu.memref_slice %arg6[%mul3A_712] : memref<18432xf32, #tpu.memory_space<vmem>> -> memref<512xf32, #tpu.memory_space<vmem>>
      tpu.enqueue_dma source(%dma_start3A_725 : memref<512xf32, #tpu.memory_space<vmem>>) target(%dma_start3A_724 : memref<512xf32, #tpu.memory_space<hbm>>) target_semaphore(%arg12 : memref<!tpu.dma_semaphore, #tpu.memory_space<semaphore_mem>>)
      %mul3A_726 = arith.constant 16 : i32
      %mul3A_727 = arith.muli %scan3A_409, %mul3A_726 : i32
      %add3A_728 = arith.constant 15 : i32
      %add3A_729 = arith.addi %mul3A_727, %add3A_728 : i32
      %get3A_730 = arith.index_cast %add3A_729 : i32 to index
      %get3A_731 = memref.load %arg11[%get3A_730] : memref<1024xi32, #tpu.memory_space<smem>>
      %mul3A_732 = arith.constant 512 : i32
      %mul3A_733 = arith.muli %get3A_731, %mul3A_732 : i32
      %add3A_734 = arith.constant 0 : i32
      %add3A_735 = arith.addi %add3A_734, %scan3A_409 : i32
      %mul3A_736 = arith.constant 16 : i32
      %mul3A_737 = arith.muli %add3A_735, %mul3A_736 : i32
      %mul3A_738 = arith.constant 512 : i32
      %mul3A_739 = arith.muli %mul3A_737, %mul3A_738 : i32
      %add3A_740 = arith.addi %mul3A_6, %mul3A_739 : i32
      %add3A_741 = arith.constant 7680 : i32
      %add3A_742 = arith.addi %add3A_740, %add3A_741 : i32
      %dma_start3A_743 = tpu.memref_slice %arg6[%mul3A_733] : memref<18432xf32, #tpu.memory_space<vmem>> -> memref<512xf32, #tpu.memory_space<vmem>>
      %dma_start3A_744 = tpu.memref_slice %arg5[%add3A_742] : memref<33554432xf32, #tpu.memory_space<hbm>> -> memref<512xf32, #tpu.memory_space<hbm>>
      %dma_start3A_745 = tpu.memref_slice %arg5[%add3A_742] : memref<33554432xf32, #tpu.memory_space<hbm>> -> memref<512xf32, #tpu.memory_space<hbm>>
      %dma_start3A_746 = tpu.memref_slice %arg6[%mul3A_733] : memref<18432xf32, #tpu.memory_space<vmem>> -> memref<512xf32, #tpu.memory_space<vmem>>
      tpu.enqueue_dma source(%dma_start3A_746 : memref<512xf32, #tpu.memory_space<vmem>>) target(%dma_start3A_745 : memref<512xf32, #tpu.memory_space<hbm>>) target_semaphore(%arg12 : memref<!tpu.dma_semaphore, #tpu.memory_space<semaphore_mem>>)
    }
    %scan3A_19 = arith.constant 64 : i32
    %dma_wait3A = arith.constant 0 : i32
    %dma_wait3A_20 = tpu.memref_slice %arg6[%dma_wait3A] : memref<18432xf32, #tpu.memory_space<vmem>> -> memref<512xf32, #tpu.memory_space<vmem>>
    %dma_wait3A_21 = tpu.memref_slice %arg5[%mul3A_6] : memref<33554432xf32, #tpu.memory_space<hbm>> -> memref<512xf32, #tpu.memory_space<hbm>>
    %dma_wait3A_22 = tpu.memref_slice %arg5[%mul3A_6] : memref<33554432xf32, #tpu.memory_space<hbm>> -> memref<512xf32, #tpu.memory_space<hbm>>
    %dma_wait3A_23 = arith.constant 0 : i32
    %dma_wait3A_24 = tpu.memref_slice %arg6[%dma_wait3A_23] : memref<18432xf32, #tpu.memory_space<vmem>> -> memref<512xf32, #tpu.memory_space<vmem>>
    tpu.wait_dma2 semaphore(%arg12 : memref<!tpu.dma_semaphore, #tpu.memory_space<semaphore_mem>>) src(%dma_wait3A_24 : memref<512xf32, #tpu.memory_space<vmem>>) dst(%dma_wait3A_22 : memref<512xf32, #tpu.memory_space<hbm>>)
    %dma_wait3A_25 = arith.constant 0 : i32
    %dma_wait3A_26 = tpu.memref_slice %arg6[%dma_wait3A_25] : memref<18432xf32, #tpu.memory_space<vmem>> -> memref<512xf32, #tpu.memory_space<vmem>>
    %dma_wait3A_27 = tpu.memref_slice %arg5[%mul3A_6] : memref<33554432xf32, #tpu.memory_space<hbm>> -> memref<512xf32, #tpu.memory_space<hbm>>
    %dma_wait3A_28 = tpu.memref_slice %arg5[%mul3A_6] : memref<33554432xf32, #tpu.memory_space<hbm>> -> memref<512xf32, #tpu.memory_space<hbm>>
    %dma_wait3A_29 = arith.constant 0 : i32
    %dma_wait3A_30 = tpu.memref_slice %arg6[%dma_wait3A_29] : memref<18432xf32, #tpu.memory_space<vmem>> -> memref<512xf32, #tpu.memory_space<vmem>>
    tpu.wait_dma2 semaphore(%arg12 : memref<!tpu.dma_semaphore, #tpu.memory_space<semaphore_mem>>) src(%dma_wait3A_30 : memref<512xf32, #tpu.memory_space<vmem>>) dst(%dma_wait3A_28 : memref<512xf32, #tpu.memory_space<hbm>>)
    %dma_wait3A_31 = arith.constant 0 : i32
    %dma_wait3A_32 = tpu.memref_slice %arg6[%dma_wait3A_31] : memref<18432xf32, #tpu.memory_space<vmem>> -> memref<512xf32, #tpu.memory_space<vmem>>
    %dma_wait3A_33 = tpu.memref_slice %arg5[%mul3A_6] : memref<33554432xf32, #tpu.memory_space<hbm>> -> memref<512xf32, #tpu.memory_space<hbm>>
    %dma_wait3A_34 = tpu.memref_slice %arg5[%mul3A_6] : memref<33554432xf32, #tpu.memory_space<hbm>> -> memref<512xf32, #tpu.memory_space<hbm>>
    %dma_wait3A_35 = arith.constant 0 : i32
    %dma_wait3A_36 = tpu.memref_slice %arg6[%dma_wait3A_35] : memref<18432xf32, #tpu.memory_space<vmem>> -> memref<512xf32, #tpu.memory_space<vmem>>
    tpu.wait_dma2 semaphore(%arg12 : memref<!tpu.dma_semaphore, #tpu.memory_space<semaphore_mem>>) src(%dma_wait3A_36 : memref<512xf32, #tpu.memory_space<vmem>>) dst(%dma_wait3A_34 : memref<512xf32, #tpu.memory_space<hbm>>)
    %dma_wait3A_37 = arith.constant 0 : i32
    %dma_wait3A_38 = tpu.memref_slice %arg6[%dma_wait3A_37] : memref<18432xf32, #tpu.memory_space<vmem>> -> memref<512xf32, #tpu.memory_space<vmem>>
    %dma_wait3A_39 = tpu.memref_slice %arg5[%mul3A_6] : memref<33554432xf32, #tpu.memory_space<hbm>> -> memref<512xf32, #tpu.memory_space<hbm>>
    %dma_wait3A_40 = tpu.memref_slice %arg5[%mul3A_6] : memref<33554432xf32, #tpu.memory_space<hbm>> -> memref<512xf32, #tpu.memory_space<hbm>>
    %dma_wait3A_41 = arith.constant 0 : i32
    %dma_wait3A_42 = tpu.memref_slice %arg6[%dma_wait3A_41] : memref<18432xf32, #tpu.memory_space<vmem>> -> memref<512xf32, #tpu.memory_space<vmem>>
    tpu.wait_dma2 semaphore(%arg12 : memref<!tpu.dma_semaphore, #tpu.memory_space<semaphore_mem>>) src(%dma_wait3A_42 : memref<512xf32, #tpu.memory_space<vmem>>) dst(%dma_wait3A_40 : memref<512xf32, #tpu.memory_space<hbm>>)
    %dma_wait3A_43 = arith.constant 0 : i32
    %dma_wait3A_44 = tpu.memref_slice %arg6[%dma_wait3A_43] : memref<18432xf32, #tpu.memory_space<vmem>> -> memref<512xf32, #tpu.memory_space<vmem>>
    %dma_wait3A_45 = tpu.memref_slice %arg5[%mul3A_6] : memref<33554432xf32, #tpu.memory_space<hbm>> -> memref<512xf32, #tpu.memory_space<hbm>>
    %dma_wait3A_46 = tpu.memref_slice %arg5[%mul3A_6] : memref<33554432xf32, #tpu.memory_space<hbm>> -> memref<512xf32, #tpu.memory_space<hbm>>
    %dma_wait3A_47 = arith.constant 0 : i32
    %dma_wait3A_48 = tpu.memref_slice %arg6[%dma_wait3A_47] : memref<18432xf32, #tpu.memory_space<vmem>> -> memref<512xf32, #tpu.memory_space<vmem>>
    tpu.wait_dma2 semaphore(%arg12 : memref<!tpu.dma_semaphore, #tpu.memory_space<semaphore_mem>>) src(%dma_wait3A_48 : memref<512xf32, #tpu.memory_space<vmem>>) dst(%dma_wait3A_46 : memref<512xf32, #tpu.memory_space<hbm>>)
    %dma_wait3A_49 = arith.constant 0 : i32
    %dma_wait3A_50 = tpu.memref_slice %arg6[%dma_wait3A_49] : memref<18432xf32, #tpu.memory_space<vmem>> -> memref<512xf32, #tpu.memory_space<vmem>>
    %dma_wait3A_51 = tpu.memref_slice %arg5[%mul3A_6] : memref<33554432xf32, #tpu.memory_space<hbm>> -> memref<512xf32, #tpu.memory_space<hbm>>
    %dma_wait3A_52 = tpu.memref_slice %arg5[%mul3A_6] : memref<33554432xf32, #tpu.memory_space<hbm>> -> memref<512xf32, #tpu.memory_space<hbm>>
    %dma_wait3A_53 = arith.constant 0 : i32
    %dma_wait3A_54 = tpu.memref_slice %arg6[%dma_wait3A_53] : memref<18432xf32, #tpu.memory_space<vmem>> -> memref<512xf32, #tpu.memory_space<vmem>>
    tpu.wait_dma2 semaphore(%arg12 : memref<!tpu.dma_semaphore, #tpu.memory_space<semaphore_mem>>) src(%dma_wait3A_54 : memref<512xf32, #tpu.memory_space<vmem>>) dst(%dma_wait3A_52 : memref<512xf32, #tpu.memory_space<hbm>>)
    %dma_wait3A_55 = arith.constant 0 : i32
    %dma_wait3A_56 = tpu.memref_slice %arg6[%dma_wait3A_55] : memref<18432xf32, #tpu.memory_space<vmem>> -> memref<512xf32, #tpu.memory_space<vmem>>
    %dma_wait3A_57 = tpu.memref_slice %arg5[%mul3A_6] : memref<33554432xf32, #tpu.memory_space<hbm>> -> memref<512xf32, #tpu.memory_space<hbm>>
    %dma_wait3A_58 = tpu.memref_slice %arg5[%mul3A_6] : memref<33554432xf32, #tpu.memory_space<hbm>> -> memref<512xf32, #tpu.memory_space<hbm>>
    %dma_wait3A_59 = arith.constant 0 : i32
    %dma_wait3A_60 = tpu.memref_slice %arg6[%dma_wait3A_59] : memref<18432xf32, #tpu.memory_space<vmem>> -> memref<512xf32, #tpu.memory_space<vmem>>
    tpu.wait_dma2 semaphore(%arg12 : memref<!tpu.dma_semaphore, #tpu.memory_space<semaphore_mem>>) src(%dma_wait3A_60 : memref<512xf32, #tpu.memory_space<vmem>>) dst(%dma_wait3A_58 : memref<512xf32, #tpu.memory_space<hbm>>)
    %dma_wait3A_61 = arith.constant 0 : i32
    %dma_wait3A_62 = tpu.memref_slice %arg6[%dma_wait3A_61] : memref<18432xf32, #tpu.memory_space<vmem>> -> memref<512xf32, #tpu.memory_space<vmem>>
    %dma_wait3A_63 = tpu.memref_slice %arg5[%mul3A_6] : memref<33554432xf32, #tpu.memory_space<hbm>> -> memref<512xf32, #tpu.memory_space<hbm>>
    %dma_wait3A_64 = tpu.memref_slice %arg5[%mul3A_6] : memref<33554432xf32, #tpu.memory_space<hbm>> -> memref<512xf32, #tpu.memory_space<hbm>>
    %dma_wait3A_65 = arith.constant 0 : i32
    %dma_wait3A_66 = tpu.memref_slice %arg6[%dma_wait3A_65] : memref<18432xf32, #tpu.memory_space<vmem>> -> memref<512xf32, #tpu.memory_space<vmem>>
    tpu.wait_dma2 semaphore(%arg12 : memref<!tpu.dma_semaphore, #tpu.memory_space<semaphore_mem>>) src(%dma_wait3A_66 : memref<512xf32, #tpu.memory_space<vmem>>) dst(%dma_wait3A_64 : memref<512xf32, #tpu.memory_space<hbm>>)
    %dma_wait3A_67 = arith.constant 0 : i32
    %dma_wait3A_68 = tpu.memref_slice %arg6[%dma_wait3A_67] : memref<18432xf32, #tpu.memory_space<vmem>> -> memref<512xf32, #tpu.memory_space<vmem>>
    %dma_wait3A_69 = tpu.memref_slice %arg5[%mul3A_6] : memref<33554432xf32, #tpu.memory_space<hbm>> -> memref<512xf32, #tpu.memory_space<hbm>>
    %dma_wait3A_70 = tpu.memref_slice %arg5[%mul3A_6] : memref<33554432xf32, #tpu.memory_space<hbm>> -> memref<512xf32, #tpu.memory_space<hbm>>
    %dma_wait3A_71 = arith.constant 0 : i32
    %dma_wait3A_72 = tpu.memref_slice %arg6[%dma_wait3A_71] : memref<18432xf32, #tpu.memory_space<vmem>> -> memref<512xf32, #tpu.memory_space<vmem>>
    tpu.wait_dma2 semaphore(%arg12 : memref<!tpu.dma_semaphore, #tpu.memory_space<semaphore_mem>>) src(%dma_wait3A_72 : memref<512xf32, #tpu.memory_space<vmem>>) dst(%dma_wait3A_70 : memref<512xf32, #tpu.memory_space<hbm>>)
    %dma_wait3A_73 = arith.constant 0 : i32
    %dma_wait3A_74 = tpu.memref_slice %arg6[%dma_wait3A_73] : memref<18432xf32, #tpu.memory_space<vmem>> -> memref<512xf32, #tpu.memory_space<vmem>>
    %dma_wait3A_75 = tpu.memref_slice %arg5[%mul3A_6] : memref<33554432xf32, #tpu.memory_space<hbm>> -> memref<512xf32, #tpu.memory_space<hbm>>
    %dma_wait3A_76 = tpu.memref_slice %arg5[%mul3A_6] : memref<33554432xf32, #tpu.memory_space<hbm>> -> memref<512xf32, #tpu.memory_space<hbm>>
    %dma_wait3A_77 = arith.constant 0 : i32
    %dma_wait3A_78 = tpu.memref_slice %arg6[%dma_wait3A_77] : memref<18432xf32, #tpu.memory_space<vmem>> -> memref<512xf32, #tpu.memory_space<vmem>>
    tpu.wait_dma2 semaphore(%arg12 : memref<!tpu.dma_semaphore, #tpu.memory_space<semaphore_mem>>) src(%dma_wait3A_78 : memref<512xf32, #tpu.memory_space<vmem>>) dst(%dma_wait3A_76 : memref<512xf32, #tpu.memory_space<hbm>>)
    %dma_wait3A_79 = arith.constant 0 : i32
    %dma_wait3A_80 = tpu.memref_slice %arg6[%dma_wait3A_79] : memref<18432xf32, #tpu.memory_space<vmem>> -> memref<512xf32, #tpu.memory_space<vmem>>
    %dma_wait3A_81 = tpu.memref_slice %arg5[%mul3A_6] : memref<33554432xf32, #tpu.memory_space<hbm>> -> memref<512xf32, #tpu.memory_space<hbm>>
    %dma_wait3A_82 = tpu.memref_slice %arg5[%mul3A_6] : memref<33554432xf32, #tpu.memory_space<hbm>> -> memref<512xf32, #tpu.memory_space<hbm>>
    %dma_wait3A_83 = arith.constant 0 : i32
    %dma_wait3A_84 = tpu.memref_slice %arg6[%dma_wait3A_83] : memref<18432xf32, #tpu.memory_space<vmem>> -> memref<512xf32, #tpu.memory_space<vmem>>
    tpu.wait_dma2 semaphore(%arg12 : memref<!tpu.dma_semaphore, #tpu.memory_space<semaphore_mem>>) src(%dma_wait3A_84 : memref<512xf32, #tpu.memory_space<vmem>>) dst(%dma_wait3A_82 : memref<512xf32, #tpu.memory_space<hbm>>)
    %dma_wait3A_85 = arith.constant 0 : i32
    %dma_wait3A_86 = tpu.memref_slice %arg6[%dma_wait3A_85] : memref<18432xf32, #tpu.memory_space<vmem>> -> memref<512xf32, #tpu.memory_space<vmem>>
    %dma_wait3A_87 = tpu.memref_slice %arg5[%mul3A_6] : memref<33554432xf32, #tpu.memory_space<hbm>> -> memref<512xf32, #tpu.memory_space<hbm>>
    %dma_wait3A_88 = tpu.memref_slice %arg5[%mul3A_6] : memref<33554432xf32, #tpu.memory_space<hbm>> -> memref<512xf32, #tpu.memory_space<hbm>>
    %dma_wait3A_89 = arith.constant 0 : i32
    %dma_wait3A_90 = tpu.memref_slice %arg6[%dma_wait3A_89] : memref<18432xf32, #tpu.memory_space<vmem>> -> memref<512xf32, #tpu.memory_space<vmem>>
    tpu.wait_dma2 semaphore(%arg12 : memref<!tpu.dma_semaphore, #tpu.memory_space<semaphore_mem>>) src(%dma_wait3A_90 : memref<512xf32, #tpu.memory_space<vmem>>) dst(%dma_wait3A_88 : memref<512xf32, #tpu.memory_space<hbm>>)
    %dma_wait3A_91 = arith.constant 0 : i32
    %dma_wait3A_92 = tpu.memref_slice %arg6[%dma_wait3A_91] : memref<18432xf32, #tpu.memory_space<vmem>> -> memref<512xf32, #tpu.memory_space<vmem>>
    %dma_wait3A_93 = tpu.memref_slice %arg5[%mul3A_6] : memref<33554432xf32, #tpu.memory_space<hbm>> -> memref<512xf32, #tpu.memory_space<hbm>>
    %dma_wait3A_94 = tpu.memref_slice %arg5[%mul3A_6] : memref<33554432xf32, #tpu.memory_space<hbm>> -> memref<512xf32, #tpu.memory_space<hbm>>
    %dma_wait3A_95 = arith.constant 0 : i32
    %dma_wait3A_96 = tpu.memref_slice %arg6[%dma_wait3A_95] : memref<18432xf32, #tpu.memory_space<vmem>> -> memref<512xf32, #tpu.memory_space<vmem>>
    tpu.wait_dma2 semaphore(%arg12 : memref<!tpu.dma_semaphore, #tpu.memory_space<semaphore_mem>>) src(%dma_wait3A_96 : memref<512xf32, #tpu.memory_space<vmem>>) dst(%dma_wait3A_94 : memref<512xf32, #tpu.memory_space<hbm>>)
    %dma_wait3A_97 = arith.constant 0 : i32
    %dma_wait3A_98 = tpu.memref_slice %arg6[%dma_wait3A_97] : memref<18432xf32, #tpu.memory_space<vmem>> -> memref<512xf32, #tpu.memory_space<vmem>>
    %dma_wait3A_99 = tpu.memref_slice %arg5[%mul3A_6] : memref<33554432xf32, #tpu.memory_space<hbm>> -> memref<512xf32, #tpu.memory_space<hbm>>
    %dma_wait3A_100 = tpu.memref_slice %arg5[%mul3A_6] : memref<33554432xf32, #tpu.memory_space<hbm>> -> memref<512xf32, #tpu.memory_space<hbm>>
    %dma_wait3A_101 = arith.constant 0 : i32
    %dma_wait3A_102 = tpu.memref_slice %arg6[%dma_wait3A_101] : memref<18432xf32, #tpu.memory_space<vmem>> -> memref<512xf32, #tpu.memory_space<vmem>>
    tpu.wait_dma2 semaphore(%arg12 : memref<!tpu.dma_semaphore, #tpu.memory_space<semaphore_mem>>) src(%dma_wait3A_102 : memref<512xf32, #tpu.memory_space<vmem>>) dst(%dma_wait3A_100 : memref<512xf32, #tpu.memory_space<hbm>>)
    %dma_wait3A_103 = arith.constant 0 : i32
    %dma_wait3A_104 = tpu.memref_slice %arg6[%dma_wait3A_103] : memref<18432xf32, #tpu.memory_space<vmem>> -> memref<512xf32, #tpu.memory_space<vmem>>
    %dma_wait3A_105 = tpu.memref_slice %arg5[%mul3A_6] : memref<33554432xf32, #tpu.memory_space<hbm>> -> memref<512xf32, #tpu.memory_space<hbm>>
    %dma_wait3A_106 = tpu.memref_slice %arg5[%mul3A_6] : memref<33554432xf32, #tpu.memory_space<hbm>> -> memref<512xf32, #tpu.memory_space<hbm>>
    %dma_wait3A_107 = arith.constant 0 : i32
    %dma_wait3A_108 = tpu.memref_slice %arg6[%dma_wait3A_107] : memref<18432xf32, #tpu.memory_space<vmem>> -> memref<512xf32, #tpu.memory_space<vmem>>
    tpu.wait_dma2 semaphore(%arg12 : memref<!tpu.dma_semaphore, #tpu.memory_space<semaphore_mem>>) src(%dma_wait3A_108 : memref<512xf32, #tpu.memory_space<vmem>>) dst(%dma_wait3A_106 : memref<512xf32, #tpu.memory_space<hbm>>)
    %dma_wait3A_109 = arith.constant 0 : i32
    %dma_wait3A_110 = tpu.memref_slice %arg6[%dma_wait3A_109] : memref<18432xf32, #tpu.memory_space<vmem>> -> memref<512xf32, #tpu.memory_space<vmem>>
    %dma_wait3A_111 = tpu.memref_slice %arg5[%mul3A_6] : memref<33554432xf32, #tpu.memory_space<hbm>> -> memref<512xf32, #tpu.memory_space<hbm>>
    %dma_wait3A_112 = tpu.memref_slice %arg5[%mul3A_6] : memref<33554432xf32, #tpu.memory_space<hbm>> -> memref<512xf32, #tpu.memory_space<hbm>>
    %dma_wait3A_113 = arith.constant 0 : i32
    %dma_wait3A_114 = tpu.memref_slice %arg6[%dma_wait3A_113] : memref<18432xf32, #tpu.memory_space<vmem>> -> memref<512xf32, #tpu.memory_space<vmem>>
    tpu.wait_dma2 semaphore(%arg12 : memref<!tpu.dma_semaphore, #tpu.memory_space<semaphore_mem>>) src(%dma_wait3A_114 : memref<512xf32, #tpu.memory_space<vmem>>) dst(%dma_wait3A_112 : memref<512xf32, #tpu.memory_space<hbm>>)
    %dma_wait3A_115 = arith.constant 0 : i32
    %dma_wait3A_116 = tpu.memref_slice %arg6[%dma_wait3A_115] : memref<18432xf32, #tpu.memory_space<vmem>> -> memref<512xf32, #tpu.memory_space<vmem>>
    %dma_wait3A_117 = tpu.memref_slice %arg5[%mul3A_6] : memref<33554432xf32, #tpu.memory_space<hbm>> -> memref<512xf32, #tpu.memory_space<hbm>>
    %dma_wait3A_118 = tpu.memref_slice %arg5[%mul3A_6] : memref<33554432xf32, #tpu.memory_space<hbm>> -> memref<512xf32, #tpu.memory_space<hbm>>
    %dma_wait3A_119 = arith.constant 0 : i32
    %dma_wait3A_120 = tpu.memref_slice %arg6[%dma_wait3A_119] : memref<18432xf32, #tpu.memory_space<vmem>> -> memref<512xf32, #tpu.memory_space<vmem>>
    tpu.wait_dma2 semaphore(%arg12 : memref<!tpu.dma_semaphore, #tpu.memory_space<semaphore_mem>>) src(%dma_wait3A_120 : memref<512xf32, #tpu.memory_space<vmem>>) dst(%dma_wait3A_118 : memref<512xf32, #tpu.memory_space<hbm>>)
    %dma_wait3A_121 = arith.constant 0 : i32
    %dma_wait3A_122 = tpu.memref_slice %arg6[%dma_wait3A_121] : memref<18432xf32, #tpu.memory_space<vmem>> -> memref<512xf32, #tpu.memory_space<vmem>>
    %dma_wait3A_123 = tpu.memref_slice %arg5[%mul3A_6] : memref<33554432xf32, #tpu.memory_space<hbm>> -> memref<512xf32, #tpu.memory_space<hbm>>
    %dma_wait3A_124 = tpu.memref_slice %arg5[%mul3A_6] : memref<33554432xf32, #tpu.memory_space<hbm>> -> memref<512xf32, #tpu.memory_space<hbm>>
    %dma_wait3A_125 = arith.constant 0 : i32
    %dma_wait3A_126 = tpu.memref_slice %arg6[%dma_wait3A_125] : memref<18432xf32, #tpu.memory_space<vmem>> -> memref<512xf32, #tpu.memory_space<vmem>>
    tpu.wait_dma2 semaphore(%arg12 : memref<!tpu.dma_semaphore, #tpu.memory_space<semaphore_mem>>) src(%dma_wait3A_126 : memref<512xf32, #tpu.memory_space<vmem>>) dst(%dma_wait3A_124 : memref<512xf32, #tpu.memory_space<hbm>>)
    %dma_wait3A_127 = arith.constant 0 : i32
    %dma_wait3A_128 = tpu.memref_slice %arg6[%dma_wait3A_127] : memref<18432xf32, #tpu.memory_space<vmem>> -> memref<512xf32, #tpu.memory_space<vmem>>
    %dma_wait3A_129 = tpu.memref_slice %arg5[%mul3A_6] : memref<33554432xf32, #tpu.memory_space<hbm>> -> memref<512xf32, #tpu.memory_space<hbm>>
    %dma_wait3A_130 = tpu.memref_slice %arg5[%mul3A_6] : memref<33554432xf32, #tpu.memory_space<hbm>> -> memref<512xf32, #tpu.memory_space<hbm>>
    %dma_wait3A_131 = arith.constant 0 : i32
    %dma_wait3A_132 = tpu.memref_slice %arg6[%dma_wait3A_131] : memref<18432xf32, #tpu.memory_space<vmem>> -> memref<512xf32, #tpu.memory_space<vmem>>
    tpu.wait_dma2 semaphore(%arg12 : memref<!tpu.dma_semaphore, #tpu.memory_space<semaphore_mem>>) src(%dma_wait3A_132 : memref<512xf32, #tpu.memory_space<vmem>>) dst(%dma_wait3A_130 : memref<512xf32, #tpu.memory_space<hbm>>)
    %dma_wait3A_133 = arith.constant 0 : i32
    %dma_wait3A_134 = tpu.memref_slice %arg6[%dma_wait3A_133] : memref<18432xf32, #tpu.memory_space<vmem>> -> memref<512xf32, #tpu.memory_space<vmem>>
    %dma_wait3A_135 = tpu.memref_slice %arg5[%mul3A_6] : memref<33554432xf32, #tpu.memory_space<hbm>> -> memref<512xf32, #tpu.memory_space<hbm>>
    %dma_wait3A_136 = tpu.memref_slice %arg5[%mul3A_6] : memref<33554432xf32, #tpu.memory_space<hbm>> -> memref<512xf32, #tpu.memory_space<hbm>>
    %dma_wait3A_137 = arith.constant 0 : i32
    %dma_wait3A_138 = tpu.memref_slice %arg6[%dma_wait3A_137] : memref<18432xf32, #tpu.memory_space<vmem>> -> memref<512xf32, #tpu.memory_space<vmem>>
    tpu.wait_dma2 semaphore(%arg12 : memref<!tpu.dma_semaphore, #tpu.memory_space<semaphore_mem>>) src(%dma_wait3A_138 : memref<512xf32, #tpu.memory_space<vmem>>) dst(%dma_wait3A_136 : memref<512xf32, #tpu.memory_space<hbm>>)
    %dma_wait3A_139 = arith.constant 0 : i32
    %dma_wait3A_140 = tpu.memref_slice %arg6[%dma_wait3A_139] : memref<18432xf32, #tpu.memory_space<vmem>> -> memref<512xf32, #tpu.memory_space<vmem>>
    %dma_wait3A_141 = tpu.memref_slice %arg5[%mul3A_6] : memref<33554432xf32, #tpu.memory_space<hbm>> -> memref<512xf32, #tpu.memory_space<hbm>>
    %dma_wait3A_142 = tpu.memref_slice %arg5[%mul3A_6] : memref<33554432xf32, #tpu.memory_space<hbm>> -> memref<512xf32, #tpu.memory_space<hbm>>
    %dma_wait3A_143 = arith.constant 0 : i32
    %dma_wait3A_144 = tpu.memref_slice %arg6[%dma_wait3A_143] : memref<18432xf32, #tpu.memory_space<vmem>> -> memref<512xf32, #tpu.memory_space<vmem>>
    tpu.wait_dma2 semaphore(%arg12 : memref<!tpu.dma_semaphore, #tpu.memory_space<semaphore_mem>>) src(%dma_wait3A_144 : memref<512xf32, #tpu.memory_space<vmem>>) dst(%dma_wait3A_142 : memref<512xf32, #tpu.memory_space<hbm>>)
    %dma_wait3A_145 = arith.constant 0 : i32
    %dma_wait3A_146 = tpu.memref_slice %arg6[%dma_wait3A_145] : memref<18432xf32, #tpu.memory_space<vmem>> -> memref<512xf32, #tpu.memory_space<vmem>>
    %dma_wait3A_147 = tpu.memref_slice %arg5[%mul3A_6] : memref<33554432xf32, #tpu.memory_space<hbm>> -> memref<512xf32, #tpu.memory_space<hbm>>
    %dma_wait3A_148 = tpu.memref_slice %arg5[%mul3A_6] : memref<33554432xf32, #tpu.memory_space<hbm>> -> memref<512xf32, #tpu.memory_space<hbm>>
    %dma_wait3A_149 = arith.constant 0 : i32
    %dma_wait3A_150 = tpu.memref_slice %arg6[%dma_wait3A_149] : memref<18432xf32, #tpu.memory_space<vmem>> -> memref<512xf32, #tpu.memory_space<vmem>>
    tpu.wait_dma2 semaphore(%arg12 : memref<!tpu.dma_semaphore, #tpu.memory_space<semaphore_mem>>) src(%dma_wait3A_150 : memref<512xf32, #tpu.memory_space<vmem>>) dst(%dma_wait3A_148 : memref<512xf32, #tpu.memory_space<hbm>>)
    %dma_wait3A_151 = arith.constant 0 : i32
    %dma_wait3A_152 = tpu.memref_slice %arg6[%dma_wait3A_151] : memref<18432xf32, #tpu.memory_space<vmem>> -> memref<512xf32, #tpu.memory_space<vmem>>
    %dma_wait3A_153 = tpu.memref_slice %arg5[%mul3A_6] : memref<33554432xf32, #tpu.memory_space<hbm>> -> memref<512xf32, #tpu.memory_space<hbm>>
    %dma_wait3A_154 = tpu.memref_slice %arg5[%mul3A_6] : memref<33554432xf32, #tpu.memory_space<hbm>> -> memref<512xf32, #tpu.memory_space<hbm>>
    %dma_wait3A_155 = arith.constant 0 : i32
    %dma_wait3A_156 = tpu.memref_slice %arg6[%dma_wait3A_155] : memref<18432xf32, #tpu.memory_space<vmem>> -> memref<512xf32, #tpu.memory_space<vmem>>
    tpu.wait_dma2 semaphore(%arg12 : memref<!tpu.dma_semaphore, #tpu.memory_space<semaphore_mem>>) src(%dma_wait3A_156 : memref<512xf32, #tpu.memory_space<vmem>>) dst(%dma_wait3A_154 : memref<512xf32, #tpu.memory_space<hbm>>)
    %dma_wait3A_157 = arith.constant 0 : i32
    %dma_wait3A_158 = tpu.memref_slice %arg6[%dma_wait3A_157] : memref<18432xf32, #tpu.memory_space<vmem>> -> memref<512xf32, #tpu.memory_space<vmem>>
    %dma_wait3A_159 = tpu.memref_slice %arg5[%mul3A_6] : memref<33554432xf32, #tpu.memory_space<hbm>> -> memref<512xf32, #tpu.memory_space<hbm>>
    %dma_wait3A_160 = tpu.memref_slice %arg5[%mul3A_6] : memref<33554432xf32, #tpu.memory_space<hbm>> -> memref<512xf32, #tpu.memory_space<hbm>>
    %dma_wait3A_161 = arith.constant 0 : i32
    %dma_wait3A_162 = tpu.memref_slice %arg6[%dma_wait3A_161] : memref<18432xf32, #tpu.memory_space<vmem>> -> memref<512xf32, #tpu.memory_space<vmem>>
    tpu.wait_dma2 semaphore(%arg12 : memref<!tpu.dma_semaphore, #tpu.memory_space<semaphore_mem>>) src(%dma_wait3A_162 : memref<512xf32, #tpu.memory_space<vmem>>) dst(%dma_wait3A_160 : memref<512xf32, #tpu.memory_space<hbm>>)
    %dma_wait3A_163 = arith.constant 0 : i32
    %dma_wait3A_164 = tpu.memref_slice %arg6[%dma_wait3A_163] : memref<18432xf32, #tpu.memory_space<vmem>> -> memref<512xf32, #tpu.memory_space<vmem>>
    %dma_wait3A_165 = tpu.memref_slice %arg5[%mul3A_6] : memref<33554432xf32, #tpu.memory_space<hbm>> -> memref<512xf32, #tpu.memory_space<hbm>>
    %dma_wait3A_166 = tpu.memref_slice %arg5[%mul3A_6] : memref<33554432xf32, #tpu.memory_space<hbm>> -> memref<512xf32, #tpu.memory_space<hbm>>
    %dma_wait3A_167 = arith.constant 0 : i32
    %dma_wait3A_168 = tpu.memref_slice %arg6[%dma_wait3A_167] : memref<18432xf32, #tpu.memory_space<vmem>> -> memref<512xf32, #tpu.memory_space<vmem>>
    tpu.wait_dma2 semaphore(%arg12 : memref<!tpu.dma_semaphore, #tpu.memory_space<semaphore_mem>>) src(%dma_wait3A_168 : memref<512xf32, #tpu.memory_space<vmem>>) dst(%dma_wait3A_166 : memref<512xf32, #tpu.memory_space<hbm>>)
    %dma_wait3A_169 = arith.constant 0 : i32
    %dma_wait3A_170 = tpu.memref_slice %arg6[%dma_wait3A_169] : memref<18432xf32, #tpu.memory_space<vmem>> -> memref<512xf32, #tpu.memory_space<vmem>>
    %dma_wait3A_171 = tpu.memref_slice %arg5[%mul3A_6] : memref<33554432xf32, #tpu.memory_space<hbm>> -> memref<512xf32, #tpu.memory_space<hbm>>
    %dma_wait3A_172 = tpu.memref_slice %arg5[%mul3A_6] : memref<33554432xf32, #tpu.memory_space<hbm>> -> memref<512xf32, #tpu.memory_space<hbm>>
    %dma_wait3A_173 = arith.constant 0 : i32
    %dma_wait3A_174 = tpu.memref_slice %arg6[%dma_wait3A_173] : memref<18432xf32, #tpu.memory_space<vmem>> -> memref<512xf32, #tpu.memory_space<vmem>>
    tpu.wait_dma2 semaphore(%arg12 : memref<!tpu.dma_semaphore, #tpu.memory_space<semaphore_mem>>) src(%dma_wait3A_174 : memref<512xf32, #tpu.memory_space<vmem>>) dst(%dma_wait3A_172 : memref<512xf32, #tpu.memory_space<hbm>>)
    %dma_wait3A_175 = arith.constant 0 : i32
    %dma_wait3A_176 = tpu.memref_slice %arg6[%dma_wait3A_175] : memref<18432xf32, #tpu.memory_space<vmem>> -> memref<512xf32, #tpu.memory_space<vmem>>
    %dma_wait3A_177 = tpu.memref_slice %arg5[%mul3A_6] : memref<33554432xf32, #tpu.memory_space<hbm>> -> memref<512xf32, #tpu.memory_space<hbm>>
    %dma_wait3A_178 = tpu.memref_slice %arg5[%mul3A_6] : memref<33554432xf32, #tpu.memory_space<hbm>> -> memref<512xf32, #tpu.memory_space<hbm>>
    %dma_wait3A_179 = arith.constant 0 : i32
    %dma_wait3A_180 = tpu.memref_slice %arg6[%dma_wait3A_179] : memref<18432xf32, #tpu.memory_space<vmem>> -> memref<512xf32, #tpu.memory_space<vmem>>
    tpu.wait_dma2 semaphore(%arg12 : memref<!tpu.dma_semaphore, #tpu.memory_space<semaphore_mem>>) src(%dma_wait3A_180 : memref<512xf32, #tpu.memory_space<vmem>>) dst(%dma_wait3A_178 : memref<512xf32, #tpu.memory_space<hbm>>)
    %dma_wait3A_181 = arith.constant 0 : i32
    %dma_wait3A_182 = tpu.memref_slice %arg6[%dma_wait3A_181] : memref<18432xf32, #tpu.memory_space<vmem>> -> memref<512xf32, #tpu.memory_space<vmem>>
    %dma_wait3A_183 = tpu.memref_slice %arg5[%mul3A_6] : memref<33554432xf32, #tpu.memory_space<hbm>> -> memref<512xf32, #tpu.memory_space<hbm>>
    %dma_wait3A_184 = tpu.memref_slice %arg5[%mul3A_6] : memref<33554432xf32, #tpu.memory_space<hbm>> -> memref<512xf32, #tpu.memory_space<hbm>>
    %dma_wait3A_185 = arith.constant 0 : i32
    %dma_wait3A_186 = tpu.memref_slice %arg6[%dma_wait3A_185] : memref<18432xf32, #tpu.memory_space<vmem>> -> memref<512xf32, #tpu.memory_space<vmem>>
    tpu.wait_dma2 semaphore(%arg12 : memref<!tpu.dma_semaphore, #tpu.memory_space<semaphore_mem>>) src(%dma_wait3A_186 : memref<512xf32, #tpu.memory_space<vmem>>) dst(%dma_wait3A_184 : memref<512xf32, #tpu.memory_space<hbm>>)
    %dma_wait3A_187 = arith.constant 0 : i32
    %dma_wait3A_188 = tpu.memref_slice %arg6[%dma_wait3A_187] : memref<18432xf32, #tpu.memory_space<vmem>> -> memref<512xf32, #tpu.memory_space<vmem>>
    %dma_wait3A_189 = tpu.memref_slice %arg5[%mul3A_6] : memref<33554432xf32, #tpu.memory_space<hbm>> -> memref<512xf32, #tpu.memory_space<hbm>>
    %dma_wait3A_190 = tpu.memref_slice %arg5[%mul3A_6] : memref<33554432xf32, #tpu.memory_space<hbm>> -> memref<512xf32, #tpu.memory_space<hbm>>
    %dma_wait3A_191 = arith.constant 0 : i32
    %dma_wait3A_192 = tpu.memref_slice %arg6[%dma_wait3A_191] : memref<18432xf32, #tpu.memory_space<vmem>> -> memref<512xf32, #tpu.memory_space<vmem>>
    tpu.wait_dma2 semaphore(%arg12 : memref<!tpu.dma_semaphore, #tpu.memory_space<semaphore_mem>>) src(%dma_wait3A_192 : memref<512xf32, #tpu.memory_space<vmem>>) dst(%dma_wait3A_190 : memref<512xf32, #tpu.memory_space<hbm>>)
    %dma_wait3A_193 = arith.constant 0 : i32
    %dma_wait3A_194 = tpu.memref_slice %arg6[%dma_wait3A_193] : memref<18432xf32, #tpu.memory_space<vmem>> -> memref<512xf32, #tpu.memory_space<vmem>>
    %dma_wait3A_195 = tpu.memref_slice %arg5[%mul3A_6] : memref<33554432xf32, #tpu.memory_space<hbm>> -> memref<512xf32, #tpu.memory_space<hbm>>
    %dma_wait3A_196 = tpu.memref_slice %arg5[%mul3A_6] : memref<33554432xf32, #tpu.memory_space<hbm>> -> memref<512xf32, #tpu.memory_space<hbm>>
    %dma_wait3A_197 = arith.constant 0 : i32
    %dma_wait3A_198 = tpu.memref_slice %arg6[%dma_wait3A_197] : memref<18432xf32, #tpu.memory_space<vmem>> -> memref<512xf32, #tpu.memory_space<vmem>>
    tpu.wait_dma2 semaphore(%arg12 : memref<!tpu.dma_semaphore, #tpu.memory_space<semaphore_mem>>) src(%dma_wait3A_198 : memref<512xf32, #tpu.memory_space<vmem>>) dst(%dma_wait3A_196 : memref<512xf32, #tpu.memory_space<hbm>>)
    %dma_wait3A_199 = arith.constant 0 : i32
    %dma_wait3A_200 = tpu.memref_slice %arg6[%dma_wait3A_199] : memref<18432xf32, #tpu.memory_space<vmem>> -> memref<512xf32, #tpu.memory_space<vmem>>
    %dma_wait3A_201 = tpu.memref_slice %arg5[%mul3A_6] : memref<33554432xf32, #tpu.memory_space<hbm>> -> memref<512xf32, #tpu.memory_space<hbm>>
    %dma_wait3A_202 = tpu.memref_slice %arg5[%mul3A_6] : memref<33554432xf32, #tpu.memory_space<hbm>> -> memref<512xf32, #tpu.memory_space<hbm>>
    %dma_wait3A_203 = arith.constant 0 : i32
    %dma_wait3A_204 = tpu.memref_slice %arg6[%dma_wait3A_203] : memref<18432xf32, #tpu.memory_space<vmem>> -> memref<512xf32, #tpu.memory_space<vmem>>
    tpu.wait_dma2 semaphore(%arg12 : memref<!tpu.dma_semaphore, #tpu.memory_space<semaphore_mem>>) src(%dma_wait3A_204 : memref<512xf32, #tpu.memory_space<vmem>>) dst(%dma_wait3A_202 : memref<512xf32, #tpu.memory_space<hbm>>)
    %dma_wait3A_205 = arith.constant 0 : i32
    %dma_wait3A_206 = tpu.memref_slice %arg6[%dma_wait3A_205] : memref<18432xf32, #tpu.memory_space<vmem>> -> memref<512xf32, #tpu.memory_space<vmem>>
    %dma_wait3A_207 = tpu.memref_slice %arg5[%mul3A_6] : memref<33554432xf32, #tpu.memory_space<hbm>> -> memref<512xf32, #tpu.memory_space<hbm>>
    %dma_wait3A_208 = tpu.memref_slice %arg5[%mul3A_6] : memref<33554432xf32, #tpu.memory_space<hbm>> -> memref<512xf32, #tpu.memory_space<hbm>>
    %dma_wait3A_209 = arith.constant 0 : i32
    %dma_wait3A_210 = tpu.memref_slice %arg6[%dma_wait3A_209] : memref<18432xf32, #tpu.memory_space<vmem>> -> memref<512xf32, #tpu.memory_space<vmem>>
    tpu.wait_dma2 semaphore(%arg12 : memref<!tpu.dma_semaphore, #tpu.memory_space<semaphore_mem>>) src(%dma_wait3A_210 : memref<512xf32, #tpu.memory_space<vmem>>) dst(%dma_wait3A_208 : memref<512xf32, #tpu.memory_space<hbm>>)
    "tpu.region"() ({
      %run_scoped3A = tpu.sem_alloc : memref<!tpu.dma_semaphore, #tpu.memory_space<semaphore_mem>>
      %dma_start3A = arith.constant 1024 : i32
      %dma_start3A_409 = tpu.memref_slice %arg10[%arg1, %dma_start3A] : memref<16x2048xi32, #tpu.memory_space<vmem_shared>> -> memref<1x1024xi32, #tpu.memory_space<vmem_shared>>
      %dma_start3A_410 = tpu.memref_squeeze %dma_start3A_409 : memref<1x1024xi32, #tpu.memory_space<vmem_shared>> -> memref<1024xi32, #tpu.memory_space<vmem_shared>>
      tpu.enqueue_dma source(%dma_start3A_410 : memref<1024xi32, #tpu.memory_space<vmem_shared>>) target(%arg11 : memref<1024xi32, #tpu.memory_space<smem>>) target_semaphore(%run_scoped3A : memref<!tpu.dma_semaphore, #tpu.memory_space<semaphore_mem>>)
      %dma_wait3A_411 = arith.constant 1024 : i32
      %dma_wait3A_412 = tpu.memref_slice %arg10[%arg1, %dma_wait3A_411] : memref<16x2048xi32, #tpu.memory_space<vmem_shared>> -> memref<1x1024xi32, #tpu.memory_space<vmem_shared>>
      %dma_wait3A_413 = tpu.memref_squeeze %dma_wait3A_412 : memref<1x1024xi32, #tpu.memory_space<vmem_shared>> -> memref<1024xi32, #tpu.memory_space<vmem_shared>>
      tpu.wait_dma2 semaphore(%run_scoped3A : memref<!tpu.dma_semaphore, #tpu.memory_space<semaphore_mem>>) src(%dma_wait3A_413 : memref<1024xi32, #tpu.memory_space<vmem_shared>>) dst(%arg11 : memref<1024xi32, #tpu.memory_space<smem>>)
      tpu.yield
    }) : () -> ()
    %scan3A_211 = arith.constant 0 : i32
    %scan3A_212 = arith.constant 0 : i32
    %scan3A_213 = arith.constant 64 : i32
    %scan3A_214 = arith.addi %scan3A_212, %scan3A_213 : i32
    %scan3A_215 = arith.constant 1 : i32
    scf.for %scan3A_409 = %scan3A_212 to %scan3A_214 step %scan3A_215  : i32 {
      %ge3A = arith.constant 2 : i32
      %ge3A_410 = arith.cmpi sge, %scan3A_409, %ge3A : i32
      %convert_element_type3A = arith.extui %ge3A_410 : i1 to i32
      %cond3A = arith.constant 0 : i32
      %cond3A_411 = arith.cmpi ne, %convert_element_type3A, %cond3A : i32
      scf.if %cond3A_411 {
        %dma_wait3A_747 = arith.constant 0 : i32
        %dma_wait3A_748 = tpu.memref_slice %arg6[%dma_wait3A_747] : memref<18432xf32, #tpu.memory_space<vmem>> -> memref<512xf32, #tpu.memory_space<vmem>>
        %dma_wait3A_749 = tpu.memref_slice %arg5[%mul3A_6] : memref<33554432xf32, #tpu.memory_space<hbm>> -> memref<512xf32, #tpu.memory_space<hbm>>
        %dma_wait3A_750 = tpu.memref_slice %arg5[%mul3A_6] : memref<33554432xf32, #tpu.memory_space<hbm>> -> memref<512xf32, #tpu.memory_space<hbm>>
        %dma_wait3A_751 = arith.constant 0 : i32
        %dma_wait3A_752 = tpu.memref_slice %arg6[%dma_wait3A_751] : memref<18432xf32, #tpu.memory_space<vmem>> -> memref<512xf32, #tpu.memory_space<vmem>>
        tpu.wait_dma2 semaphore(%arg12 : memref<!tpu.dma_semaphore, #tpu.memory_space<semaphore_mem>>) src(%dma_wait3A_752 : memref<512xf32, #tpu.memory_space<vmem>>) dst(%dma_wait3A_750 : memref<512xf32, #tpu.memory_space<hbm>>)
        %dma_wait3A_753 = arith.constant 0 : i32
        %dma_wait3A_754 = tpu.memref_slice %arg6[%dma_wait3A_753] : memref<18432xf32, #tpu.memory_space<vmem>> -> memref<512xf32, #tpu.memory_space<vmem>>
        %dma_wait3A_755 = tpu.memref_slice %arg5[%mul3A_6] : memref<33554432xf32, #tpu.memory_space<hbm>> -> memref<512xf32, #tpu.memory_space<hbm>>
        %dma_wait3A_756 = tpu.memref_slice %arg5[%mul3A_6] : memref<33554432xf32, #tpu.memory_space<hbm>> -> memref<512xf32, #tpu.memory_space<hbm>>
        %dma_wait3A_757 = arith.constant 0 : i32
        %dma_wait3A_758 = tpu.memref_slice %arg6[%dma_wait3A_757] : memref<18432xf32, #tpu.memory_space<vmem>> -> memref<512xf32, #tpu.memory_space<vmem>>
        tpu.wait_dma2 semaphore(%arg12 : memref<!tpu.dma_semaphore, #tpu.memory_space<semaphore_mem>>) src(%dma_wait3A_758 : memref<512xf32, #tpu.memory_space<vmem>>) dst(%dma_wait3A_756 : memref<512xf32, #tpu.memory_space<hbm>>)
        %dma_wait3A_759 = arith.constant 0 : i32
        %dma_wait3A_760 = tpu.memref_slice %arg6[%dma_wait3A_759] : memref<18432xf32, #tpu.memory_space<vmem>> -> memref<512xf32, #tpu.memory_space<vmem>>
        %dma_wait3A_761 = tpu.memref_slice %arg5[%mul3A_6] : memref<33554432xf32, #tpu.memory_space<hbm>> -> memref<512xf32, #tpu.memory_space<hbm>>
        %dma_wait3A_762 = tpu.memref_slice %arg5[%mul3A_6] : memref<33554432xf32, #tpu.memory_space<hbm>> -> memref<512xf32, #tpu.memory_space<hbm>>
        %dma_wait3A_763 = arith.constant 0 : i32
        %dma_wait3A_764 = tpu.memref_slice %arg6[%dma_wait3A_763] : memref<18432xf32, #tpu.memory_space<vmem>> -> memref<512xf32, #tpu.memory_space<vmem>>
        tpu.wait_dma2 semaphore(%arg12 : memref<!tpu.dma_semaphore, #tpu.memory_space<semaphore_mem>>) src(%dma_wait3A_764 : memref<512xf32, #tpu.memory_space<vmem>>) dst(%dma_wait3A_762 : memref<512xf32, #tpu.memory_space<hbm>>)
        %dma_wait3A_765 = arith.constant 0 : i32
        %dma_wait3A_766 = tpu.memref_slice %arg6[%dma_wait3A_765] : memref<18432xf32, #tpu.memory_space<vmem>> -> memref<512xf32, #tpu.memory_space<vmem>>
        %dma_wait3A_767 = tpu.memref_slice %arg5[%mul3A_6] : memref<33554432xf32, #tpu.memory_space<hbm>> -> memref<512xf32, #tpu.memory_space<hbm>>
        %dma_wait3A_768 = tpu.memref_slice %arg5[%mul3A_6] : memref<33554432xf32, #tpu.memory_space<hbm>> -> memref<512xf32, #tpu.memory_space<hbm>>
        %dma_wait3A_769 = arith.constant 0 : i32
        %dma_wait3A_770 = tpu.memref_slice %arg6[%dma_wait3A_769] : memref<18432xf32, #tpu.memory_space<vmem>> -> memref<512xf32, #tpu.memory_space<vmem>>
        tpu.wait_dma2 semaphore(%arg12 : memref<!tpu.dma_semaphore, #tpu.memory_space<semaphore_mem>>) src(%dma_wait3A_770 : memref<512xf32, #tpu.memory_space<vmem>>) dst(%dma_wait3A_768 : memref<512xf32, #tpu.memory_space<hbm>>)
        %dma_wait3A_771 = arith.constant 0 : i32
        %dma_wait3A_772 = tpu.memref_slice %arg6[%dma_wait3A_771] : memref<18432xf32, #tpu.memory_space<vmem>> -> memref<512xf32, #tpu.memory_space<vmem>>
        %dma_wait3A_773 = tpu.memref_slice %arg5[%mul3A_6] : memref<33554432xf32, #tpu.memory_space<hbm>> -> memref<512xf32, #tpu.memory_space<hbm>>
        %dma_wait3A_774 = tpu.memref_slice %arg5[%mul3A_6] : memref<33554432xf32, #tpu.memory_space<hbm>> -> memref<512xf32, #tpu.memory_space<hbm>>
        %dma_wait3A_775 = arith.constant 0 : i32
        %dma_wait3A_776 = tpu.memref_slice %arg6[%dma_wait3A_775] : memref<18432xf32, #tpu.memory_space<vmem>> -> memref<512xf32, #tpu.memory_space<vmem>>
        tpu.wait_dma2 semaphore(%arg12 : memref<!tpu.dma_semaphore, #tpu.memory_space<semaphore_mem>>) src(%dma_wait3A_776 : memref<512xf32, #tpu.memory_space<vmem>>) dst(%dma_wait3A_774 : memref<512xf32, #tpu.memory_space<hbm>>)
        %dma_wait3A_777 = arith.constant 0 : i32
        %dma_wait3A_778 = tpu.memref_slice %arg6[%dma_wait3A_777] : memref<18432xf32, #tpu.memory_space<vmem>> -> memref<512xf32, #tpu.memory_space<vmem>>
        %dma_wait3A_779 = tpu.memref_slice %arg5[%mul3A_6] : memref<33554432xf32, #tpu.memory_space<hbm>> -> memref<512xf32, #tpu.memory_space<hbm>>
        %dma_wait3A_780 = tpu.memref_slice %arg5[%mul3A_6] : memref<33554432xf32, #tpu.memory_space<hbm>> -> memref<512xf32, #tpu.memory_space<hbm>>
        %dma_wait3A_781 = arith.constant 0 : i32
        %dma_wait3A_782 = tpu.memref_slice %arg6[%dma_wait3A_781] : memref<18432xf32, #tpu.memory_space<vmem>> -> memref<512xf32, #tpu.memory_space<vmem>>
        tpu.wait_dma2 semaphore(%arg12 : memref<!tpu.dma_semaphore, #tpu.memory_space<semaphore_mem>>) src(%dma_wait3A_782 : memref<512xf32, #tpu.memory_space<vmem>>) dst(%dma_wait3A_780 : memref<512xf32, #tpu.memory_space<hbm>>)
        %dma_wait3A_783 = arith.constant 0 : i32
        %dma_wait3A_784 = tpu.memref_slice %arg6[%dma_wait3A_783] : memref<18432xf32, #tpu.memory_space<vmem>> -> memref<512xf32, #tpu.memory_space<vmem>>
        %dma_wait3A_785 = tpu.memref_slice %arg5[%mul3A_6] : memref<33554432xf32, #tpu.memory_space<hbm>> -> memref<512xf32, #tpu.memory_space<hbm>>
        %dma_wait3A_786 = tpu.memref_slice %arg5[%mul3A_6] : memref<33554432xf32, #tpu.memory_space<hbm>> -> memref<512xf32, #tpu.memory_space<hbm>>
        %dma_wait3A_787 = arith.constant 0 : i32
        %dma_wait3A_788 = tpu.memref_slice %arg6[%dma_wait3A_787] : memref<18432xf32, #tpu.memory_space<vmem>> -> memref<512xf32, #tpu.memory_space<vmem>>
        tpu.wait_dma2 semaphore(%arg12 : memref<!tpu.dma_semaphore, #tpu.memory_space<semaphore_mem>>) src(%dma_wait3A_788 : memref<512xf32, #tpu.memory_space<vmem>>) dst(%dma_wait3A_786 : memref<512xf32, #tpu.memory_space<hbm>>)
        %dma_wait3A_789 = arith.constant 0 : i32
        %dma_wait3A_790 = tpu.memref_slice %arg6[%dma_wait3A_789] : memref<18432xf32, #tpu.memory_space<vmem>> -> memref<512xf32, #tpu.memory_space<vmem>>
        %dma_wait3A_791 = tpu.memref_slice %arg5[%mul3A_6] : memref<33554432xf32, #tpu.memory_space<hbm>> -> memref<512xf32, #tpu.memory_space<hbm>>
        %dma_wait3A_792 = tpu.memref_slice %arg5[%mul3A_6] : memref<33554432xf32, #tpu.memory_space<hbm>> -> memref<512xf32, #tpu.memory_space<hbm>>
        %dma_wait3A_793 = arith.constant 0 : i32
        %dma_wait3A_794 = tpu.memref_slice %arg6[%dma_wait3A_793] : memref<18432xf32, #tpu.memory_space<vmem>> -> memref<512xf32, #tpu.memory_space<vmem>>
        tpu.wait_dma2 semaphore(%arg12 : memref<!tpu.dma_semaphore, #tpu.memory_space<semaphore_mem>>) src(%dma_wait3A_794 : memref<512xf32, #tpu.memory_space<vmem>>) dst(%dma_wait3A_792 : memref<512xf32, #tpu.memory_space<hbm>>)
        %dma_wait3A_795 = arith.constant 0 : i32
        %dma_wait3A_796 = tpu.memref_slice %arg6[%dma_wait3A_795] : memref<18432xf32, #tpu.memory_space<vmem>> -> memref<512xf32, #tpu.memory_space<vmem>>
        %dma_wait3A_797 = tpu.memref_slice %arg5[%mul3A_6] : memref<33554432xf32, #tpu.memory_space<hbm>> -> memref<512xf32, #tpu.memory_space<hbm>>
        %dma_wait3A_798 = tpu.memref_slice %arg5[%mul3A_6] : memref<33554432xf32, #tpu.memory_space<hbm>> -> memref<512xf32, #tpu.memory_space<hbm>>
        %dma_wait3A_799 = arith.constant 0 : i32
        %dma_wait3A_800 = tpu.memref_slice %arg6[%dma_wait3A_799] : memref<18432xf32, #tpu.memory_space<vmem>> -> memref<512xf32, #tpu.memory_space<vmem>>
        tpu.wait_dma2 semaphore(%arg12 : memref<!tpu.dma_semaphore, #tpu.memory_space<semaphore_mem>>) src(%dma_wait3A_800 : memref<512xf32, #tpu.memory_space<vmem>>) dst(%dma_wait3A_798 : memref<512xf32, #tpu.memory_space<hbm>>)
        %dma_wait3A_801 = arith.constant 0 : i32
        %dma_wait3A_802 = tpu.memref_slice %arg6[%dma_wait3A_801] : memref<18432xf32, #tpu.memory_space<vmem>> -> memref<512xf32, #tpu.memory_space<vmem>>
        %dma_wait3A_803 = tpu.memref_slice %arg5[%mul3A_6] : memref<33554432xf32, #tpu.memory_space<hbm>> -> memref<512xf32, #tpu.memory_space<hbm>>
        %dma_wait3A_804 = tpu.memref_slice %arg5[%mul3A_6] : memref<33554432xf32, #tpu.memory_space<hbm>> -> memref<512xf32, #tpu.memory_space<hbm>>
        %dma_wait3A_805 = arith.constant 0 : i32
        %dma_wait3A_806 = tpu.memref_slice %arg6[%dma_wait3A_805] : memref<18432xf32, #tpu.memory_space<vmem>> -> memref<512xf32, #tpu.memory_space<vmem>>
        tpu.wait_dma2 semaphore(%arg12 : memref<!tpu.dma_semaphore, #tpu.memory_space<semaphore_mem>>) src(%dma_wait3A_806 : memref<512xf32, #tpu.memory_space<vmem>>) dst(%dma_wait3A_804 : memref<512xf32, #tpu.memory_space<hbm>>)
        %dma_wait3A_807 = arith.constant 0 : i32
        %dma_wait3A_808 = tpu.memref_slice %arg6[%dma_wait3A_807] : memref<18432xf32, #tpu.memory_space<vmem>> -> memref<512xf32, #tpu.memory_space<vmem>>
        %dma_wait3A_809 = tpu.memref_slice %arg5[%mul3A_6] : memref<33554432xf32, #tpu.memory_space<hbm>> -> memref<512xf32, #tpu.memory_space<hbm>>
        %dma_wait3A_810 = tpu.memref_slice %arg5[%mul3A_6] : memref<33554432xf32, #tpu.memory_space<hbm>> -> memref<512xf32, #tpu.memory_space<hbm>>
        %dma_wait3A_811 = arith.constant 0 : i32
        %dma_wait3A_812 = tpu.memref_slice %arg6[%dma_wait3A_811] : memref<18432xf32, #tpu.memory_space<vmem>> -> memref<512xf32, #tpu.memory_space<vmem>>
        tpu.wait_dma2 semaphore(%arg12 : memref<!tpu.dma_semaphore, #tpu.memory_space<semaphore_mem>>) src(%dma_wait3A_812 : memref<512xf32, #tpu.memory_space<vmem>>) dst(%dma_wait3A_810 : memref<512xf32, #tpu.memory_space<hbm>>)
        %dma_wait3A_813 = arith.constant 0 : i32
        %dma_wait3A_814 = tpu.memref_slice %arg6[%dma_wait3A_813] : memref<18432xf32, #tpu.memory_space<vmem>> -> memref<512xf32, #tpu.memory_space<vmem>>
        %dma_wait3A_815 = tpu.memref_slice %arg5[%mul3A_6] : memref<33554432xf32, #tpu.memory_space<hbm>> -> memref<512xf32, #tpu.memory_space<hbm>>
        %dma_wait3A_816 = tpu.memref_slice %arg5[%mul3A_6] : memref<33554432xf32, #tpu.memory_space<hbm>> -> memref<512xf32, #tpu.memory_space<hbm>>
        %dma_wait3A_817 = arith.constant 0 : i32
        %dma_wait3A_818 = tpu.memref_slice %arg6[%dma_wait3A_817] : memref<18432xf32, #tpu.memory_space<vmem>> -> memref<512xf32, #tpu.memory_space<vmem>>
        tpu.wait_dma2 semaphore(%arg12 : memref<!tpu.dma_semaphore, #tpu.memory_space<semaphore_mem>>) src(%dma_wait3A_818 : memref<512xf32, #tpu.memory_space<vmem>>) dst(%dma_wait3A_816 : memref<512xf32, #tpu.memory_space<hbm>>)
        %dma_wait3A_819 = arith.constant 0 : i32
        %dma_wait3A_820 = tpu.memref_slice %arg6[%dma_wait3A_819] : memref<18432xf32, #tpu.memory_space<vmem>> -> memref<512xf32, #tpu.memory_space<vmem>>
        %dma_wait3A_821 = tpu.memref_slice %arg5[%mul3A_6] : memref<33554432xf32, #tpu.memory_space<hbm>> -> memref<512xf32, #tpu.memory_space<hbm>>
        %dma_wait3A_822 = tpu.memref_slice %arg5[%mul3A_6] : memref<33554432xf32, #tpu.memory_space<hbm>> -> memref<512xf32, #tpu.memory_space<hbm>>
        %dma_wait3A_823 = arith.constant 0 : i32
        %dma_wait3A_824 = tpu.memref_slice %arg6[%dma_wait3A_823] : memref<18432xf32, #tpu.memory_space<vmem>> -> memref<512xf32, #tpu.memory_space<vmem>>
        tpu.wait_dma2 semaphore(%arg12 : memref<!tpu.dma_semaphore, #tpu.memory_space<semaphore_mem>>) src(%dma_wait3A_824 : memref<512xf32, #tpu.memory_space<vmem>>) dst(%dma_wait3A_822 : memref<512xf32, #tpu.memory_space<hbm>>)
        %dma_wait3A_825 = arith.constant 0 : i32
        %dma_wait3A_826 = tpu.memref_slice %arg6[%dma_wait3A_825] : memref<18432xf32, #tpu.memory_space<vmem>> -> memref<512xf32, #tpu.memory_space<vmem>>
        %dma_wait3A_827 = tpu.memref_slice %arg5[%mul3A_6] : memref<33554432xf32, #tpu.memory_space<hbm>> -> memref<512xf32, #tpu.memory_space<hbm>>
        %dma_wait3A_828 = tpu.memref_slice %arg5[%mul3A_6] : memref<33554432xf32, #tpu.memory_space<hbm>> -> memref<512xf32, #tpu.memory_space<hbm>>
        %dma_wait3A_829 = arith.constant 0 : i32
        %dma_wait3A_830 = tpu.memref_slice %arg6[%dma_wait3A_829] : memref<18432xf32, #tpu.memory_space<vmem>> -> memref<512xf32, #tpu.memory_space<vmem>>
        tpu.wait_dma2 semaphore(%arg12 : memref<!tpu.dma_semaphore, #tpu.memory_space<semaphore_mem>>) src(%dma_wait3A_830 : memref<512xf32, #tpu.memory_space<vmem>>) dst(%dma_wait3A_828 : memref<512xf32, #tpu.memory_space<hbm>>)
        %dma_wait3A_831 = arith.constant 0 : i32
        %dma_wait3A_832 = tpu.memref_slice %arg6[%dma_wait3A_831] : memref<18432xf32, #tpu.memory_space<vmem>> -> memref<512xf32, #tpu.memory_space<vmem>>
        %dma_wait3A_833 = tpu.memref_slice %arg5[%mul3A_6] : memref<33554432xf32, #tpu.memory_space<hbm>> -> memref<512xf32, #tpu.memory_space<hbm>>
        %dma_wait3A_834 = tpu.memref_slice %arg5[%mul3A_6] : memref<33554432xf32, #tpu.memory_space<hbm>> -> memref<512xf32, #tpu.memory_space<hbm>>
        %dma_wait3A_835 = arith.constant 0 : i32
        %dma_wait3A_836 = tpu.memref_slice %arg6[%dma_wait3A_835] : memref<18432xf32, #tpu.memory_space<vmem>> -> memref<512xf32, #tpu.memory_space<vmem>>
        tpu.wait_dma2 semaphore(%arg12 : memref<!tpu.dma_semaphore, #tpu.memory_space<semaphore_mem>>) src(%dma_wait3A_836 : memref<512xf32, #tpu.memory_space<vmem>>) dst(%dma_wait3A_834 : memref<512xf32, #tpu.memory_space<hbm>>)
        %dma_wait3A_837 = arith.constant 0 : i32
        %dma_wait3A_838 = tpu.memref_slice %arg6[%dma_wait3A_837] : memref<18432xf32, #tpu.memory_space<vmem>> -> memref<512xf32, #tpu.memory_space<vmem>>
        %dma_wait3A_839 = tpu.memref_slice %arg5[%mul3A_6] : memref<33554432xf32, #tpu.memory_space<hbm>> -> memref<512xf32, #tpu.memory_space<hbm>>
        %dma_wait3A_840 = tpu.memref_slice %arg5[%mul3A_6] : memref<33554432xf32, #tpu.memory_space<hbm>> -> memref<512xf32, #tpu.memory_space<hbm>>
        %dma_wait3A_841 = arith.constant 0 : i32
        %dma_wait3A_842 = tpu.memref_slice %arg6[%dma_wait3A_841] : memref<18432xf32, #tpu.memory_space<vmem>> -> memref<512xf32, #tpu.memory_space<vmem>>
        tpu.wait_dma2 semaphore(%arg12 : memref<!tpu.dma_semaphore, #tpu.memory_space<semaphore_mem>>) src(%dma_wait3A_842 : memref<512xf32, #tpu.memory_space<vmem>>) dst(%dma_wait3A_840 : memref<512xf32, #tpu.memory_space<hbm>>)
      } else {
      }
      %mul3A_412 = arith.constant 16 : i32
      %mul3A_413 = arith.muli %scan3A_409, %mul3A_412 : i32
      %add3A_414 = arith.constant 0 : i32
      %add3A_415 = arith.addi %mul3A_413, %add3A_414 : i32
      %get3A_416 = arith.index_cast %add3A_415 : i32 to index
      %get3A_417 = memref.load %arg11[%get3A_416] : memref<1024xi32, #tpu.memory_space<smem>>
      %mul3A_418 = arith.constant 512 : i32
      %mul3A_419 = arith.muli %get3A_417, %mul3A_418 : i32
      %add3A_420 = arith.constant 64 : i32
      %add3A_421 = arith.addi %add3A_420, %scan3A_409 : i32
      %mul3A_422 = arith.constant 16 : i32
      %mul3A_423 = arith.muli %add3A_421, %mul3A_422 : i32
      %mul3A_424 = arith.constant 512 : i32
      %mul3A_425 = arith.muli %mul3A_423, %mul3A_424 : i32
      %add3A_426 = arith.addi %mul3A_6, %mul3A_425 : i32
      %add3A_427 = arith.constant 0 : i32
      %add3A_428 = arith.addi %add3A_426, %add3A_427 : i32
      %dma_start3A = tpu.memref_slice %arg6[%mul3A_419] : memref<18432xf32, #tpu.memory_space<vmem>> -> memref<512xf32, #tpu.memory_space<vmem>>
      %dma_start3A_429 = tpu.memref_slice %arg5[%add3A_428] : memref<33554432xf32, #tpu.memory_space<hbm>> -> memref<512xf32, #tpu.memory_space<hbm>>
      %dma_start3A_430 = tpu.memref_slice %arg5[%add3A_428] : memref<33554432xf32, #tpu.memory_space<hbm>> -> memref<512xf32, #tpu.memory_space<hbm>>
      %dma_start3A_431 = tpu.memref_slice %arg6[%mul3A_419] : memref<18432xf32, #tpu.memory_space<vmem>> -> memref<512xf32, #tpu.memory_space<vmem>>
      tpu.enqueue_dma source(%dma_start3A_431 : memref<512xf32, #tpu.memory_space<vmem>>) target(%dma_start3A_430 : memref<512xf32, #tpu.memory_space<hbm>>) target_semaphore(%arg12 : memref<!tpu.dma_semaphore, #tpu.memory_space<semaphore_mem>>)
      %mul3A_432 = arith.constant 16 : i32
      %mul3A_433 = arith.muli %scan3A_409, %mul3A_432 : i32
      %add3A_434 = arith.constant 1 : i32
      %add3A_435 = arith.addi %mul3A_433, %add3A_434 : i32
      %get3A_436 = arith.index_cast %add3A_435 : i32 to index
      %get3A_437 = memref.load %arg11[%get3A_436] : memref<1024xi32, #tpu.memory_space<smem>>
      %mul3A_438 = arith.constant 512 : i32
      %mul3A_439 = arith.muli %get3A_437, %mul3A_438 : i32
      %add3A_440 = arith.constant 64 : i32
      %add3A_441 = arith.addi %add3A_440, %scan3A_409 : i32
      %mul3A_442 = arith.constant 16 : i32
      %mul3A_443 = arith.muli %add3A_441, %mul3A_442 : i32
      %mul3A_444 = arith.constant 512 : i32
      %mul3A_445 = arith.muli %mul3A_443, %mul3A_444 : i32
      %add3A_446 = arith.addi %mul3A_6, %mul3A_445 : i32
      %add3A_447 = arith.constant 512 : i32
      %add3A_448 = arith.addi %add3A_446, %add3A_447 : i32
      %dma_start3A_449 = tpu.memref_slice %arg6[%mul3A_439] : memref<18432xf32, #tpu.memory_space<vmem>> -> memref<512xf32, #tpu.memory_space<vmem>>
      %dma_start3A_450 = tpu.memref_slice %arg5[%add3A_448] : memref<33554432xf32, #tpu.memory_space<hbm>> -> memref<512xf32, #tpu.memory_space<hbm>>
      %dma_start3A_451 = tpu.memref_slice %arg5[%add3A_448] : memref<33554432xf32, #tpu.memory_space<hbm>> -> memref<512xf32, #tpu.memory_space<hbm>>
      %dma_start3A_452 = tpu.memref_slice %arg6[%mul3A_439] : memref<18432xf32, #tpu.memory_space<vmem>> -> memref<512xf32, #tpu.memory_space<vmem>>
      tpu.enqueue_dma source(%dma_start3A_452 : memref<512xf32, #tpu.memory_space<vmem>>) target(%dma_start3A_451 : memref<512xf32, #tpu.memory_space<hbm>>) target_semaphore(%arg12 : memref<!tpu.dma_semaphore, #tpu.memory_space<semaphore_mem>>)
      %mul3A_453 = arith.constant 16 : i32
      %mul3A_454 = arith.muli %scan3A_409, %mul3A_453 : i32
      %add3A_455 = arith.constant 2 : i32
      %add3A_456 = arith.addi %mul3A_454, %add3A_455 : i32
      %get3A_457 = arith.index_cast %add3A_456 : i32 to index
      %get3A_458 = memref.load %arg11[%get3A_457] : memref<1024xi32, #tpu.memory_space<smem>>
      %mul3A_459 = arith.constant 512 : i32
      %mul3A_460 = arith.muli %get3A_458, %mul3A_459 : i32
      %add3A_461 = arith.constant 64 : i32
      %add3A_462 = arith.addi %add3A_461, %scan3A_409 : i32
      %mul3A_463 = arith.constant 16 : i32
      %mul3A_464 = arith.muli %add3A_462, %mul3A_463 : i32
      %mul3A_465 = arith.constant 512 : i32
      %mul3A_466 = arith.muli %mul3A_464, %mul3A_465 : i32
      %add3A_467 = arith.addi %mul3A_6, %mul3A_466 : i32
      %add3A_468 = arith.constant 1024 : i32
      %add3A_469 = arith.addi %add3A_467, %add3A_468 : i32
      %dma_start3A_470 = tpu.memref_slice %arg6[%mul3A_460] : memref<18432xf32, #tpu.memory_space<vmem>> -> memref<512xf32, #tpu.memory_space<vmem>>
      %dma_start3A_471 = tpu.memref_slice %arg5[%add3A_469] : memref<33554432xf32, #tpu.memory_space<hbm>> -> memref<512xf32, #tpu.memory_space<hbm>>
      %dma_start3A_472 = tpu.memref_slice %arg5[%add3A_469] : memref<33554432xf32, #tpu.memory_space<hbm>> -> memref<512xf32, #tpu.memory_space<hbm>>
      %dma_start3A_473 = tpu.memref_slice %arg6[%mul3A_460] : memref<18432xf32, #tpu.memory_space<vmem>> -> memref<512xf32, #tpu.memory_space<vmem>>
      tpu.enqueue_dma source(%dma_start3A_473 : memref<512xf32, #tpu.memory_space<vmem>>) target(%dma_start3A_472 : memref<512xf32, #tpu.memory_space<hbm>>) target_semaphore(%arg12 : memref<!tpu.dma_semaphore, #tpu.memory_space<semaphore_mem>>)
      %mul3A_474 = arith.constant 16 : i32
      %mul3A_475 = arith.muli %scan3A_409, %mul3A_474 : i32
      %add3A_476 = arith.constant 3 : i32
      %add3A_477 = arith.addi %mul3A_475, %add3A_476 : i32
      %get3A_478 = arith.index_cast %add3A_477 : i32 to index
      %get3A_479 = memref.load %arg11[%get3A_478] : memref<1024xi32, #tpu.memory_space<smem>>
      %mul3A_480 = arith.constant 512 : i32
      %mul3A_481 = arith.muli %get3A_479, %mul3A_480 : i32
      %add3A_482 = arith.constant 64 : i32
      %add3A_483 = arith.addi %add3A_482, %scan3A_409 : i32
      %mul3A_484 = arith.constant 16 : i32
      %mul3A_485 = arith.muli %add3A_483, %mul3A_484 : i32
      %mul3A_486 = arith.constant 512 : i32
      %mul3A_487 = arith.muli %mul3A_485, %mul3A_486 : i32
      %add3A_488 = arith.addi %mul3A_6, %mul3A_487 : i32
      %add3A_489 = arith.constant 1536 : i32
      %add3A_490 = arith.addi %add3A_488, %add3A_489 : i32
      %dma_start3A_491 = tpu.memref_slice %arg6[%mul3A_481] : memref<18432xf32, #tpu.memory_space<vmem>> -> memref<512xf32, #tpu.memory_space<vmem>>
      %dma_start3A_492 = tpu.memref_slice %arg5[%add3A_490] : memref<33554432xf32, #tpu.memory_space<hbm>> -> memref<512xf32, #tpu.memory_space<hbm>>
      %dma_start3A_493 = tpu.memref_slice %arg5[%add3A_490] : memref<33554432xf32, #tpu.memory_space<hbm>> -> memref<512xf32, #tpu.memory_space<hbm>>
      %dma_start3A_494 = tpu.memref_slice %arg6[%mul3A_481] : memref<18432xf32, #tpu.memory_space<vmem>> -> memref<512xf32, #tpu.memory_space<vmem>>
      tpu.enqueue_dma source(%dma_start3A_494 : memref<512xf32, #tpu.memory_space<vmem>>) target(%dma_start3A_493 : memref<512xf32, #tpu.memory_space<hbm>>) target_semaphore(%arg12 : memref<!tpu.dma_semaphore, #tpu.memory_space<semaphore_mem>>)
      %mul3A_495 = arith.constant 16 : i32
      %mul3A_496 = arith.muli %scan3A_409, %mul3A_495 : i32
      %add3A_497 = arith.constant 4 : i32
      %add3A_498 = arith.addi %mul3A_496, %add3A_497 : i32
      %get3A_499 = arith.index_cast %add3A_498 : i32 to index
      %get3A_500 = memref.load %arg11[%get3A_499] : memref<1024xi32, #tpu.memory_space<smem>>
      %mul3A_501 = arith.constant 512 : i32
      %mul3A_502 = arith.muli %get3A_500, %mul3A_501 : i32
      %add3A_503 = arith.constant 64 : i32
      %add3A_504 = arith.addi %add3A_503, %scan3A_409 : i32
      %mul3A_505 = arith.constant 16 : i32
      %mul3A_506 = arith.muli %add3A_504, %mul3A_505 : i32
      %mul3A_507 = arith.constant 512 : i32
      %mul3A_508 = arith.muli %mul3A_506, %mul3A_507 : i32
      %add3A_509 = arith.addi %mul3A_6, %mul3A_508 : i32
      %add3A_510 = arith.constant 2048 : i32
      %add3A_511 = arith.addi %add3A_509, %add3A_510 : i32
      %dma_start3A_512 = tpu.memref_slice %arg6[%mul3A_502] : memref<18432xf32, #tpu.memory_space<vmem>> -> memref<512xf32, #tpu.memory_space<vmem>>
      %dma_start3A_513 = tpu.memref_slice %arg5[%add3A_511] : memref<33554432xf32, #tpu.memory_space<hbm>> -> memref<512xf32, #tpu.memory_space<hbm>>
      %dma_start3A_514 = tpu.memref_slice %arg5[%add3A_511] : memref<33554432xf32, #tpu.memory_space<hbm>> -> memref<512xf32, #tpu.memory_space<hbm>>
      %dma_start3A_515 = tpu.memref_slice %arg6[%mul3A_502] : memref<18432xf32, #tpu.memory_space<vmem>> -> memref<512xf32, #tpu.memory_space<vmem>>
      tpu.enqueue_dma source(%dma_start3A_515 : memref<512xf32, #tpu.memory_space<vmem>>) target(%dma_start3A_514 : memref<512xf32, #tpu.memory_space<hbm>>) target_semaphore(%arg12 : memref<!tpu.dma_semaphore, #tpu.memory_space<semaphore_mem>>)
      %mul3A_516 = arith.constant 16 : i32
      %mul3A_517 = arith.muli %scan3A_409, %mul3A_516 : i32
      %add3A_518 = arith.constant 5 : i32
      %add3A_519 = arith.addi %mul3A_517, %add3A_518 : i32
      %get3A_520 = arith.index_cast %add3A_519 : i32 to index
      %get3A_521 = memref.load %arg11[%get3A_520] : memref<1024xi32, #tpu.memory_space<smem>>
      %mul3A_522 = arith.constant 512 : i32
      %mul3A_523 = arith.muli %get3A_521, %mul3A_522 : i32
      %add3A_524 = arith.constant 64 : i32
      %add3A_525 = arith.addi %add3A_524, %scan3A_409 : i32
      %mul3A_526 = arith.constant 16 : i32
      %mul3A_527 = arith.muli %add3A_525, %mul3A_526 : i32
      %mul3A_528 = arith.constant 512 : i32
      %mul3A_529 = arith.muli %mul3A_527, %mul3A_528 : i32
      %add3A_530 = arith.addi %mul3A_6, %mul3A_529 : i32
      %add3A_531 = arith.constant 2560 : i32
      %add3A_532 = arith.addi %add3A_530, %add3A_531 : i32
      %dma_start3A_533 = tpu.memref_slice %arg6[%mul3A_523] : memref<18432xf32, #tpu.memory_space<vmem>> -> memref<512xf32, #tpu.memory_space<vmem>>
      %dma_start3A_534 = tpu.memref_slice %arg5[%add3A_532] : memref<33554432xf32, #tpu.memory_space<hbm>> -> memref<512xf32, #tpu.memory_space<hbm>>
      %dma_start3A_535 = tpu.memref_slice %arg5[%add3A_532] : memref<33554432xf32, #tpu.memory_space<hbm>> -> memref<512xf32, #tpu.memory_space<hbm>>
      %dma_start3A_536 = tpu.memref_slice %arg6[%mul3A_523] : memref<18432xf32, #tpu.memory_space<vmem>> -> memref<512xf32, #tpu.memory_space<vmem>>
      tpu.enqueue_dma source(%dma_start3A_536 : memref<512xf32, #tpu.memory_space<vmem>>) target(%dma_start3A_535 : memref<512xf32, #tpu.memory_space<hbm>>) target_semaphore(%arg12 : memref<!tpu.dma_semaphore, #tpu.memory_space<semaphore_mem>>)
      %mul3A_537 = arith.constant 16 : i32
      %mul3A_538 = arith.muli %scan3A_409, %mul3A_537 : i32
      %add3A_539 = arith.constant 6 : i32
      %add3A_540 = arith.addi %mul3A_538, %add3A_539 : i32
      %get3A_541 = arith.index_cast %add3A_540 : i32 to index
      %get3A_542 = memref.load %arg11[%get3A_541] : memref<1024xi32, #tpu.memory_space<smem>>
      %mul3A_543 = arith.constant 512 : i32
      %mul3A_544 = arith.muli %get3A_542, %mul3A_543 : i32
      %add3A_545 = arith.constant 64 : i32
      %add3A_546 = arith.addi %add3A_545, %scan3A_409 : i32
      %mul3A_547 = arith.constant 16 : i32
      %mul3A_548 = arith.muli %add3A_546, %mul3A_547 : i32
      %mul3A_549 = arith.constant 512 : i32
      %mul3A_550 = arith.muli %mul3A_548, %mul3A_549 : i32
      %add3A_551 = arith.addi %mul3A_6, %mul3A_550 : i32
      %add3A_552 = arith.constant 3072 : i32
      %add3A_553 = arith.addi %add3A_551, %add3A_552 : i32
      %dma_start3A_554 = tpu.memref_slice %arg6[%mul3A_544] : memref<18432xf32, #tpu.memory_space<vmem>> -> memref<512xf32, #tpu.memory_space<vmem>>
      %dma_start3A_555 = tpu.memref_slice %arg5[%add3A_553] : memref<33554432xf32, #tpu.memory_space<hbm>> -> memref<512xf32, #tpu.memory_space<hbm>>
      %dma_start3A_556 = tpu.memref_slice %arg5[%add3A_553] : memref<33554432xf32, #tpu.memory_space<hbm>> -> memref<512xf32, #tpu.memory_space<hbm>>
      %dma_start3A_557 = tpu.memref_slice %arg6[%mul3A_544] : memref<18432xf32, #tpu.memory_space<vmem>> -> memref<512xf32, #tpu.memory_space<vmem>>
      tpu.enqueue_dma source(%dma_start3A_557 : memref<512xf32, #tpu.memory_space<vmem>>) target(%dma_start3A_556 : memref<512xf32, #tpu.memory_space<hbm>>) target_semaphore(%arg12 : memref<!tpu.dma_semaphore, #tpu.memory_space<semaphore_mem>>)
      %mul3A_558 = arith.constant 16 : i32
      %mul3A_559 = arith.muli %scan3A_409, %mul3A_558 : i32
      %add3A_560 = arith.constant 7 : i32
      %add3A_561 = arith.addi %mul3A_559, %add3A_560 : i32
      %get3A_562 = arith.index_cast %add3A_561 : i32 to index
      %get3A_563 = memref.load %arg11[%get3A_562] : memref<1024xi32, #tpu.memory_space<smem>>
      %mul3A_564 = arith.constant 512 : i32
      %mul3A_565 = arith.muli %get3A_563, %mul3A_564 : i32
      %add3A_566 = arith.constant 64 : i32
      %add3A_567 = arith.addi %add3A_566, %scan3A_409 : i32
      %mul3A_568 = arith.constant 16 : i32
      %mul3A_569 = arith.muli %add3A_567, %mul3A_568 : i32
      %mul3A_570 = arith.constant 512 : i32
      %mul3A_571 = arith.muli %mul3A_569, %mul3A_570 : i32
      %add3A_572 = arith.addi %mul3A_6, %mul3A_571 : i32
      %add3A_573 = arith.constant 3584 : i32
      %add3A_574 = arith.addi %add3A_572, %add3A_573 : i32
      %dma_start3A_575 = tpu.memref_slice %arg6[%mul3A_565] : memref<18432xf32, #tpu.memory_space<vmem>> -> memref<512xf32, #tpu.memory_space<vmem>>
      %dma_start3A_576 = tpu.memref_slice %arg5[%add3A_574] : memref<33554432xf32, #tpu.memory_space<hbm>> -> memref<512xf32, #tpu.memory_space<hbm>>
      %dma_start3A_577 = tpu.memref_slice %arg5[%add3A_574] : memref<33554432xf32, #tpu.memory_space<hbm>> -> memref<512xf32, #tpu.memory_space<hbm>>
      %dma_start3A_578 = tpu.memref_slice %arg6[%mul3A_565] : memref<18432xf32, #tpu.memory_space<vmem>> -> memref<512xf32, #tpu.memory_space<vmem>>
      tpu.enqueue_dma source(%dma_start3A_578 : memref<512xf32, #tpu.memory_space<vmem>>) target(%dma_start3A_577 : memref<512xf32, #tpu.memory_space<hbm>>) target_semaphore(%arg12 : memref<!tpu.dma_semaphore, #tpu.memory_space<semaphore_mem>>)
      %mul3A_579 = arith.constant 16 : i32
      %mul3A_580 = arith.muli %scan3A_409, %mul3A_579 : i32
      %add3A_581 = arith.constant 8 : i32
      %add3A_582 = arith.addi %mul3A_580, %add3A_581 : i32
      %get3A_583 = arith.index_cast %add3A_582 : i32 to index
      %get3A_584 = memref.load %arg11[%get3A_583] : memref<1024xi32, #tpu.memory_space<smem>>
      %mul3A_585 = arith.constant 512 : i32
      %mul3A_586 = arith.muli %get3A_584, %mul3A_585 : i32
      %add3A_587 = arith.constant 64 : i32
      %add3A_588 = arith.addi %add3A_587, %scan3A_409 : i32
      %mul3A_589 = arith.constant 16 : i32
      %mul3A_590 = arith.muli %add3A_588, %mul3A_589 : i32
      %mul3A_591 = arith.constant 512 : i32
      %mul3A_592 = arith.muli %mul3A_590, %mul3A_591 : i32
      %add3A_593 = arith.addi %mul3A_6, %mul3A_592 : i32
      %add3A_594 = arith.constant 4096 : i32
      %add3A_595 = arith.addi %add3A_593, %add3A_594 : i32
      %dma_start3A_596 = tpu.memref_slice %arg6[%mul3A_586] : memref<18432xf32, #tpu.memory_space<vmem>> -> memref<512xf32, #tpu.memory_space<vmem>>
      %dma_start3A_597 = tpu.memref_slice %arg5[%add3A_595] : memref<33554432xf32, #tpu.memory_space<hbm>> -> memref<512xf32, #tpu.memory_space<hbm>>
      %dma_start3A_598 = tpu.memref_slice %arg5[%add3A_595] : memref<33554432xf32, #tpu.memory_space<hbm>> -> memref<512xf32, #tpu.memory_space<hbm>>
      %dma_start3A_599 = tpu.memref_slice %arg6[%mul3A_586] : memref<18432xf32, #tpu.memory_space<vmem>> -> memref<512xf32, #tpu.memory_space<vmem>>
      tpu.enqueue_dma source(%dma_start3A_599 : memref<512xf32, #tpu.memory_space<vmem>>) target(%dma_start3A_598 : memref<512xf32, #tpu.memory_space<hbm>>) target_semaphore(%arg12 : memref<!tpu.dma_semaphore, #tpu.memory_space<semaphore_mem>>)
      %mul3A_600 = arith.constant 16 : i32
      %mul3A_601 = arith.muli %scan3A_409, %mul3A_600 : i32
      %add3A_602 = arith.constant 9 : i32
      %add3A_603 = arith.addi %mul3A_601, %add3A_602 : i32
      %get3A_604 = arith.index_cast %add3A_603 : i32 to index
      %get3A_605 = memref.load %arg11[%get3A_604] : memref<1024xi32, #tpu.memory_space<smem>>
      %mul3A_606 = arith.constant 512 : i32
      %mul3A_607 = arith.muli %get3A_605, %mul3A_606 : i32
      %add3A_608 = arith.constant 64 : i32
      %add3A_609 = arith.addi %add3A_608, %scan3A_409 : i32
      %mul3A_610 = arith.constant 16 : i32
      %mul3A_611 = arith.muli %add3A_609, %mul3A_610 : i32
      %mul3A_612 = arith.constant 512 : i32
      %mul3A_613 = arith.muli %mul3A_611, %mul3A_612 : i32
      %add3A_614 = arith.addi %mul3A_6, %mul3A_613 : i32
      %add3A_615 = arith.constant 4608 : i32
      %add3A_616 = arith.addi %add3A_614, %add3A_615 : i32
      %dma_start3A_617 = tpu.memref_slice %arg6[%mul3A_607] : memref<18432xf32, #tpu.memory_space<vmem>> -> memref<512xf32, #tpu.memory_space<vmem>>
      %dma_start3A_618 = tpu.memref_slice %arg5[%add3A_616] : memref<33554432xf32, #tpu.memory_space<hbm>> -> memref<512xf32, #tpu.memory_space<hbm>>
      %dma_start3A_619 = tpu.memref_slice %arg5[%add3A_616] : memref<33554432xf32, #tpu.memory_space<hbm>> -> memref<512xf32, #tpu.memory_space<hbm>>
      %dma_start3A_620 = tpu.memref_slice %arg6[%mul3A_607] : memref<18432xf32, #tpu.memory_space<vmem>> -> memref<512xf32, #tpu.memory_space<vmem>>
      tpu.enqueue_dma source(%dma_start3A_620 : memref<512xf32, #tpu.memory_space<vmem>>) target(%dma_start3A_619 : memref<512xf32, #tpu.memory_space<hbm>>) target_semaphore(%arg12 : memref<!tpu.dma_semaphore, #tpu.memory_space<semaphore_mem>>)
      %mul3A_621 = arith.constant 16 : i32
      %mul3A_622 = arith.muli %scan3A_409, %mul3A_621 : i32
      %add3A_623 = arith.constant 10 : i32
      %add3A_624 = arith.addi %mul3A_622, %add3A_623 : i32
      %get3A_625 = arith.index_cast %add3A_624 : i32 to index
      %get3A_626 = memref.load %arg11[%get3A_625] : memref<1024xi32, #tpu.memory_space<smem>>
      %mul3A_627 = arith.constant 512 : i32
      %mul3A_628 = arith.muli %get3A_626, %mul3A_627 : i32
      %add3A_629 = arith.constant 64 : i32
      %add3A_630 = arith.addi %add3A_629, %scan3A_409 : i32
      %mul3A_631 = arith.constant 16 : i32
      %mul3A_632 = arith.muli %add3A_630, %mul3A_631 : i32
      %mul3A_633 = arith.constant 512 : i32
      %mul3A_634 = arith.muli %mul3A_632, %mul3A_633 : i32
      %add3A_635 = arith.addi %mul3A_6, %mul3A_634 : i32
      %add3A_636 = arith.constant 5120 : i32
      %add3A_637 = arith.addi %add3A_635, %add3A_636 : i32
      %dma_start3A_638 = tpu.memref_slice %arg6[%mul3A_628] : memref<18432xf32, #tpu.memory_space<vmem>> -> memref<512xf32, #tpu.memory_space<vmem>>
      %dma_start3A_639 = tpu.memref_slice %arg5[%add3A_637] : memref<33554432xf32, #tpu.memory_space<hbm>> -> memref<512xf32, #tpu.memory_space<hbm>>
      %dma_start3A_640 = tpu.memref_slice %arg5[%add3A_637] : memref<33554432xf32, #tpu.memory_space<hbm>> -> memref<512xf32, #tpu.memory_space<hbm>>
      %dma_start3A_641 = tpu.memref_slice %arg6[%mul3A_628] : memref<18432xf32, #tpu.memory_space<vmem>> -> memref<512xf32, #tpu.memory_space<vmem>>
      tpu.enqueue_dma source(%dma_start3A_641 : memref<512xf32, #tpu.memory_space<vmem>>) target(%dma_start3A_640 : memref<512xf32, #tpu.memory_space<hbm>>) target_semaphore(%arg12 : memref<!tpu.dma_semaphore, #tpu.memory_space<semaphore_mem>>)
      %mul3A_642 = arith.constant 16 : i32
      %mul3A_643 = arith.muli %scan3A_409, %mul3A_642 : i32
      %add3A_644 = arith.constant 11 : i32
      %add3A_645 = arith.addi %mul3A_643, %add3A_644 : i32
      %get3A_646 = arith.index_cast %add3A_645 : i32 to index
      %get3A_647 = memref.load %arg11[%get3A_646] : memref<1024xi32, #tpu.memory_space<smem>>
      %mul3A_648 = arith.constant 512 : i32
      %mul3A_649 = arith.muli %get3A_647, %mul3A_648 : i32
      %add3A_650 = arith.constant 64 : i32
      %add3A_651 = arith.addi %add3A_650, %scan3A_409 : i32
      %mul3A_652 = arith.constant 16 : i32
      %mul3A_653 = arith.muli %add3A_651, %mul3A_652 : i32
      %mul3A_654 = arith.constant 512 : i32
      %mul3A_655 = arith.muli %mul3A_653, %mul3A_654 : i32
      %add3A_656 = arith.addi %mul3A_6, %mul3A_655 : i32
      %add3A_657 = arith.constant 5632 : i32
      %add3A_658 = arith.addi %add3A_656, %add3A_657 : i32
      %dma_start3A_659 = tpu.memref_slice %arg6[%mul3A_649] : memref<18432xf32, #tpu.memory_space<vmem>> -> memref<512xf32, #tpu.memory_space<vmem>>
      %dma_start3A_660 = tpu.memref_slice %arg5[%add3A_658] : memref<33554432xf32, #tpu.memory_space<hbm>> -> memref<512xf32, #tpu.memory_space<hbm>>
      %dma_start3A_661 = tpu.memref_slice %arg5[%add3A_658] : memref<33554432xf32, #tpu.memory_space<hbm>> -> memref<512xf32, #tpu.memory_space<hbm>>
      %dma_start3A_662 = tpu.memref_slice %arg6[%mul3A_649] : memref<18432xf32, #tpu.memory_space<vmem>> -> memref<512xf32, #tpu.memory_space<vmem>>
      tpu.enqueue_dma source(%dma_start3A_662 : memref<512xf32, #tpu.memory_space<vmem>>) target(%dma_start3A_661 : memref<512xf32, #tpu.memory_space<hbm>>) target_semaphore(%arg12 : memref<!tpu.dma_semaphore, #tpu.memory_space<semaphore_mem>>)
      %mul3A_663 = arith.constant 16 : i32
      %mul3A_664 = arith.muli %scan3A_409, %mul3A_663 : i32
      %add3A_665 = arith.constant 12 : i32
      %add3A_666 = arith.addi %mul3A_664, %add3A_665 : i32
      %get3A_667 = arith.index_cast %add3A_666 : i32 to index
      %get3A_668 = memref.load %arg11[%get3A_667] : memref<1024xi32, #tpu.memory_space<smem>>
      %mul3A_669 = arith.constant 512 : i32
      %mul3A_670 = arith.muli %get3A_668, %mul3A_669 : i32
      %add3A_671 = arith.constant 64 : i32
      %add3A_672 = arith.addi %add3A_671, %scan3A_409 : i32
      %mul3A_673 = arith.constant 16 : i32
      %mul3A_674 = arith.muli %add3A_672, %mul3A_673 : i32
      %mul3A_675 = arith.constant 512 : i32
      %mul3A_676 = arith.muli %mul3A_674, %mul3A_675 : i32
      %add3A_677 = arith.addi %mul3A_6, %mul3A_676 : i32
      %add3A_678 = arith.constant 6144 : i32
      %add3A_679 = arith.addi %add3A_677, %add3A_678 : i32
      %dma_start3A_680 = tpu.memref_slice %arg6[%mul3A_670] : memref<18432xf32, #tpu.memory_space<vmem>> -> memref<512xf32, #tpu.memory_space<vmem>>
      %dma_start3A_681 = tpu.memref_slice %arg5[%add3A_679] : memref<33554432xf32, #tpu.memory_space<hbm>> -> memref<512xf32, #tpu.memory_space<hbm>>
      %dma_start3A_682 = tpu.memref_slice %arg5[%add3A_679] : memref<33554432xf32, #tpu.memory_space<hbm>> -> memref<512xf32, #tpu.memory_space<hbm>>
      %dma_start3A_683 = tpu.memref_slice %arg6[%mul3A_670] : memref<18432xf32, #tpu.memory_space<vmem>> -> memref<512xf32, #tpu.memory_space<vmem>>
      tpu.enqueue_dma source(%dma_start3A_683 : memref<512xf32, #tpu.memory_space<vmem>>) target(%dma_start3A_682 : memref<512xf32, #tpu.memory_space<hbm>>) target_semaphore(%arg12 : memref<!tpu.dma_semaphore, #tpu.memory_space<semaphore_mem>>)
      %mul3A_684 = arith.constant 16 : i32
      %mul3A_685 = arith.muli %scan3A_409, %mul3A_684 : i32
      %add3A_686 = arith.constant 13 : i32
      %add3A_687 = arith.addi %mul3A_685, %add3A_686 : i32
      %get3A_688 = arith.index_cast %add3A_687 : i32 to index
      %get3A_689 = memref.load %arg11[%get3A_688] : memref<1024xi32, #tpu.memory_space<smem>>
      %mul3A_690 = arith.constant 512 : i32
      %mul3A_691 = arith.muli %get3A_689, %mul3A_690 : i32
      %add3A_692 = arith.constant 64 : i32
      %add3A_693 = arith.addi %add3A_692, %scan3A_409 : i32
      %mul3A_694 = arith.constant 16 : i32
      %mul3A_695 = arith.muli %add3A_693, %mul3A_694 : i32
      %mul3A_696 = arith.constant 512 : i32
      %mul3A_697 = arith.muli %mul3A_695, %mul3A_696 : i32
      %add3A_698 = arith.addi %mul3A_6, %mul3A_697 : i32
      %add3A_699 = arith.constant 6656 : i32
      %add3A_700 = arith.addi %add3A_698, %add3A_699 : i32
      %dma_start3A_701 = tpu.memref_slice %arg6[%mul3A_691] : memref<18432xf32, #tpu.memory_space<vmem>> -> memref<512xf32, #tpu.memory_space<vmem>>
      %dma_start3A_702 = tpu.memref_slice %arg5[%add3A_700] : memref<33554432xf32, #tpu.memory_space<hbm>> -> memref<512xf32, #tpu.memory_space<hbm>>
      %dma_start3A_703 = tpu.memref_slice %arg5[%add3A_700] : memref<33554432xf32, #tpu.memory_space<hbm>> -> memref<512xf32, #tpu.memory_space<hbm>>
      %dma_start3A_704 = tpu.memref_slice %arg6[%mul3A_691] : memref<18432xf32, #tpu.memory_space<vmem>> -> memref<512xf32, #tpu.memory_space<vmem>>
      tpu.enqueue_dma source(%dma_start3A_704 : memref<512xf32, #tpu.memory_space<vmem>>) target(%dma_start3A_703 : memref<512xf32, #tpu.memory_space<hbm>>) target_semaphore(%arg12 : memref<!tpu.dma_semaphore, #tpu.memory_space<semaphore_mem>>)
      %mul3A_705 = arith.constant 16 : i32
      %mul3A_706 = arith.muli %scan3A_409, %mul3A_705 : i32
      %add3A_707 = arith.constant 14 : i32
      %add3A_708 = arith.addi %mul3A_706, %add3A_707 : i32
      %get3A_709 = arith.index_cast %add3A_708 : i32 to index
      %get3A_710 = memref.load %arg11[%get3A_709] : memref<1024xi32, #tpu.memory_space<smem>>
      %mul3A_711 = arith.constant 512 : i32
      %mul3A_712 = arith.muli %get3A_710, %mul3A_711 : i32
      %add3A_713 = arith.constant 64 : i32
      %add3A_714 = arith.addi %add3A_713, %scan3A_409 : i32
      %mul3A_715 = arith.constant 16 : i32
      %mul3A_716 = arith.muli %add3A_714, %mul3A_715 : i32
      %mul3A_717 = arith.constant 512 : i32
      %mul3A_718 = arith.muli %mul3A_716, %mul3A_717 : i32
      %add3A_719 = arith.addi %mul3A_6, %mul3A_718 : i32
      %add3A_720 = arith.constant 7168 : i32
      %add3A_721 = arith.addi %add3A_719, %add3A_720 : i32
      %dma_start3A_722 = tpu.memref_slice %arg6[%mul3A_712] : memref<18432xf32, #tpu.memory_space<vmem>> -> memref<512xf32, #tpu.memory_space<vmem>>
      %dma_start3A_723 = tpu.memref_slice %arg5[%add3A_721] : memref<33554432xf32, #tpu.memory_space<hbm>> -> memref<512xf32, #tpu.memory_space<hbm>>
      %dma_start3A_724 = tpu.memref_slice %arg5[%add3A_721] : memref<33554432xf32, #tpu.memory_space<hbm>> -> memref<512xf32, #tpu.memory_space<hbm>>
      %dma_start3A_725 = tpu.memref_slice %arg6[%mul3A_712] : memref<18432xf32, #tpu.memory_space<vmem>> -> memref<512xf32, #tpu.memory_space<vmem>>
      tpu.enqueue_dma source(%dma_start3A_725 : memref<512xf32, #tpu.memory_space<vmem>>) target(%dma_start3A_724 : memref<512xf32, #tpu.memory_space<hbm>>) target_semaphore(%arg12 : memref<!tpu.dma_semaphore, #tpu.memory_space<semaphore_mem>>)
      %mul3A_726 = arith.constant 16 : i32
      %mul3A_727 = arith.muli %scan3A_409, %mul3A_726 : i32
      %add3A_728 = arith.constant 15 : i32
      %add3A_729 = arith.addi %mul3A_727, %add3A_728 : i32
      %get3A_730 = arith.index_cast %add3A_729 : i32 to index
      %get3A_731 = memref.load %arg11[%get3A_730] : memref<1024xi32, #tpu.memory_space<smem>>
      %mul3A_732 = arith.constant 512 : i32
      %mul3A_733 = arith.muli %get3A_731, %mul3A_732 : i32
      %add3A_734 = arith.constant 64 : i32
      %add3A_735 = arith.addi %add3A_734, %scan3A_409 : i32
      %mul3A_736 = arith.constant 16 : i32
      %mul3A_737 = arith.muli %add3A_735, %mul3A_736 : i32
      %mul3A_738 = arith.constant 512 : i32
      %mul3A_739 = arith.muli %mul3A_737, %mul3A_738 : i32
      %add3A_740 = arith.addi %mul3A_6, %mul3A_739 : i32
      %add3A_741 = arith.constant 7680 : i32
      %add3A_742 = arith.addi %add3A_740, %add3A_741 : i32
      %dma_start3A_743 = tpu.memref_slice %arg6[%mul3A_733] : memref<18432xf32, #tpu.memory_space<vmem>> -> memref<512xf32, #tpu.memory_space<vmem>>
      %dma_start3A_744 = tpu.memref_slice %arg5[%add3A_742] : memref<33554432xf32, #tpu.memory_space<hbm>> -> memref<512xf32, #tpu.memory_space<hbm>>
      %dma_start3A_745 = tpu.memref_slice %arg5[%add3A_742] : memref<33554432xf32, #tpu.memory_space<hbm>> -> memref<512xf32, #tpu.memory_space<hbm>>
      %dma_start3A_746 = tpu.memref_slice %arg6[%mul3A_733] : memref<18432xf32, #tpu.memory_space<vmem>> -> memref<512xf32, #tpu.memory_space<vmem>>
      tpu.enqueue_dma source(%dma_start3A_746 : memref<512xf32, #tpu.memory_space<vmem>>) target(%dma_start3A_745 : memref<512xf32, #tpu.memory_space<hbm>>) target_semaphore(%arg12 : memref<!tpu.dma_semaphore, #tpu.memory_space<semaphore_mem>>)
    }
    %scan3A_216 = arith.constant 64 : i32
    %dma_wait3A_217 = arith.constant 0 : i32
    %dma_wait3A_218 = tpu.memref_slice %arg6[%dma_wait3A_217] : memref<18432xf32, #tpu.memory_space<vmem>> -> memref<512xf32, #tpu.memory_space<vmem>>
    %dma_wait3A_219 = tpu.memref_slice %arg5[%mul3A_6] : memref<33554432xf32, #tpu.memory_space<hbm>> -> memref<512xf32, #tpu.memory_space<hbm>>
    %dma_wait3A_220 = tpu.memref_slice %arg5[%mul3A_6] : memref<33554432xf32, #tpu.memory_space<hbm>> -> memref<512xf32, #tpu.memory_space<hbm>>
    %dma_wait3A_221 = arith.constant 0 : i32
    %dma_wait3A_222 = tpu.memref_slice %arg6[%dma_wait3A_221] : memref<18432xf32, #tpu.memory_space<vmem>> -> memref<512xf32, #tpu.memory_space<vmem>>
    tpu.wait_dma2 semaphore(%arg12 : memref<!tpu.dma_semaphore, #tpu.memory_space<semaphore_mem>>) src(%dma_wait3A_222 : memref<512xf32, #tpu.memory_space<vmem>>) dst(%dma_wait3A_220 : memref<512xf32, #tpu.memory_space<hbm>>)
    %dma_wait3A_223 = arith.constant 0 : i32
    %dma_wait3A_224 = tpu.memref_slice %arg6[%dma_wait3A_223] : memref<18432xf32, #tpu.memory_space<vmem>> -> memref<512xf32, #tpu.memory_space<vmem>>
    %dma_wait3A_225 = tpu.memref_slice %arg5[%mul3A_6] : memref<33554432xf32, #tpu.memory_space<hbm>> -> memref<512xf32, #tpu.memory_space<hbm>>
    %dma_wait3A_226 = tpu.memref_slice %arg5[%mul3A_6] : memref<33554432xf32, #tpu.memory_space<hbm>> -> memref<512xf32, #tpu.memory_space<hbm>>
    %dma_wait3A_227 = arith.constant 0 : i32
    %dma_wait3A_228 = tpu.memref_slice %arg6[%dma_wait3A_227] : memref<18432xf32, #tpu.memory_space<vmem>> -> memref<512xf32, #tpu.memory_space<vmem>>
    tpu.wait_dma2 semaphore(%arg12 : memref<!tpu.dma_semaphore, #tpu.memory_space<semaphore_mem>>) src(%dma_wait3A_228 : memref<512xf32, #tpu.memory_space<vmem>>) dst(%dma_wait3A_226 : memref<512xf32, #tpu.memory_space<hbm>>)
    %dma_wait3A_229 = arith.constant 0 : i32
    %dma_wait3A_230 = tpu.memref_slice %arg6[%dma_wait3A_229] : memref<18432xf32, #tpu.memory_space<vmem>> -> memref<512xf32, #tpu.memory_space<vmem>>
    %dma_wait3A_231 = tpu.memref_slice %arg5[%mul3A_6] : memref<33554432xf32, #tpu.memory_space<hbm>> -> memref<512xf32, #tpu.memory_space<hbm>>
    %dma_wait3A_232 = tpu.memref_slice %arg5[%mul3A_6] : memref<33554432xf32, #tpu.memory_space<hbm>> -> memref<512xf32, #tpu.memory_space<hbm>>
    %dma_wait3A_233 = arith.constant 0 : i32
    %dma_wait3A_234 = tpu.memref_slice %arg6[%dma_wait3A_233] : memref<18432xf32, #tpu.memory_space<vmem>> -> memref<512xf32, #tpu.memory_space<vmem>>
    tpu.wait_dma2 semaphore(%arg12 : memref<!tpu.dma_semaphore, #tpu.memory_space<semaphore_mem>>) src(%dma_wait3A_234 : memref<512xf32, #tpu.memory_space<vmem>>) dst(%dma_wait3A_232 : memref<512xf32, #tpu.memory_space<hbm>>)
    %dma_wait3A_235 = arith.constant 0 : i32
    %dma_wait3A_236 = tpu.memref_slice %arg6[%dma_wait3A_235] : memref<18432xf32, #tpu.memory_space<vmem>> -> memref<512xf32, #tpu.memory_space<vmem>>
    %dma_wait3A_237 = tpu.memref_slice %arg5[%mul3A_6] : memref<33554432xf32, #tpu.memory_space<hbm>> -> memref<512xf32, #tpu.memory_space<hbm>>
    %dma_wait3A_238 = tpu.memref_slice %arg5[%mul3A_6] : memref<33554432xf32, #tpu.memory_space<hbm>> -> memref<512xf32, #tpu.memory_space<hbm>>
    %dma_wait3A_239 = arith.constant 0 : i32
    %dma_wait3A_240 = tpu.memref_slice %arg6[%dma_wait3A_239] : memref<18432xf32, #tpu.memory_space<vmem>> -> memref<512xf32, #tpu.memory_space<vmem>>
    tpu.wait_dma2 semaphore(%arg12 : memref<!tpu.dma_semaphore, #tpu.memory_space<semaphore_mem>>) src(%dma_wait3A_240 : memref<512xf32, #tpu.memory_space<vmem>>) dst(%dma_wait3A_238 : memref<512xf32, #tpu.memory_space<hbm>>)
    %dma_wait3A_241 = arith.constant 0 : i32
    %dma_wait3A_242 = tpu.memref_slice %arg6[%dma_wait3A_241] : memref<18432xf32, #tpu.memory_space<vmem>> -> memref<512xf32, #tpu.memory_space<vmem>>
    %dma_wait3A_243 = tpu.memref_slice %arg5[%mul3A_6] : memref<33554432xf32, #tpu.memory_space<hbm>> -> memref<512xf32, #tpu.memory_space<hbm>>
    %dma_wait3A_244 = tpu.memref_slice %arg5[%mul3A_6] : memref<33554432xf32, #tpu.memory_space<hbm>> -> memref<512xf32, #tpu.memory_space<hbm>>
    %dma_wait3A_245 = arith.constant 0 : i32
    %dma_wait3A_246 = tpu.memref_slice %arg6[%dma_wait3A_245] : memref<18432xf32, #tpu.memory_space<vmem>> -> memref<512xf32, #tpu.memory_space<vmem>>
    tpu.wait_dma2 semaphore(%arg12 : memref<!tpu.dma_semaphore, #tpu.memory_space<semaphore_mem>>) src(%dma_wait3A_246 : memref<512xf32, #tpu.memory_space<vmem>>) dst(%dma_wait3A_244 : memref<512xf32, #tpu.memory_space<hbm>>)
    %dma_wait3A_247 = arith.constant 0 : i32
    %dma_wait3A_248 = tpu.memref_slice %arg6[%dma_wait3A_247] : memref<18432xf32, #tpu.memory_space<vmem>> -> memref<512xf32, #tpu.memory_space<vmem>>
    %dma_wait3A_249 = tpu.memref_slice %arg5[%mul3A_6] : memref<33554432xf32, #tpu.memory_space<hbm>> -> memref<512xf32, #tpu.memory_space<hbm>>
    %dma_wait3A_250 = tpu.memref_slice %arg5[%mul3A_6] : memref<33554432xf32, #tpu.memory_space<hbm>> -> memref<512xf32, #tpu.memory_space<hbm>>
    %dma_wait3A_251 = arith.constant 0 : i32
    %dma_wait3A_252 = tpu.memref_slice %arg6[%dma_wait3A_251] : memref<18432xf32, #tpu.memory_space<vmem>> -> memref<512xf32, #tpu.memory_space<vmem>>
    tpu.wait_dma2 semaphore(%arg12 : memref<!tpu.dma_semaphore, #tpu.memory_space<semaphore_mem>>) src(%dma_wait3A_252 : memref<512xf32, #tpu.memory_space<vmem>>) dst(%dma_wait3A_250 : memref<512xf32, #tpu.memory_space<hbm>>)
    %dma_wait3A_253 = arith.constant 0 : i32
    %dma_wait3A_254 = tpu.memref_slice %arg6[%dma_wait3A_253] : memref<18432xf32, #tpu.memory_space<vmem>> -> memref<512xf32, #tpu.memory_space<vmem>>
    %dma_wait3A_255 = tpu.memref_slice %arg5[%mul3A_6] : memref<33554432xf32, #tpu.memory_space<hbm>> -> memref<512xf32, #tpu.memory_space<hbm>>
    %dma_wait3A_256 = tpu.memref_slice %arg5[%mul3A_6] : memref<33554432xf32, #tpu.memory_space<hbm>> -> memref<512xf32, #tpu.memory_space<hbm>>
    %dma_wait3A_257 = arith.constant 0 : i32
    %dma_wait3A_258 = tpu.memref_slice %arg6[%dma_wait3A_257] : memref<18432xf32, #tpu.memory_space<vmem>> -> memref<512xf32, #tpu.memory_space<vmem>>
    tpu.wait_dma2 semaphore(%arg12 : memref<!tpu.dma_semaphore, #tpu.memory_space<semaphore_mem>>) src(%dma_wait3A_258 : memref<512xf32, #tpu.memory_space<vmem>>) dst(%dma_wait3A_256 : memref<512xf32, #tpu.memory_space<hbm>>)
    %dma_wait3A_259 = arith.constant 0 : i32
    %dma_wait3A_260 = tpu.memref_slice %arg6[%dma_wait3A_259] : memref<18432xf32, #tpu.memory_space<vmem>> -> memref<512xf32, #tpu.memory_space<vmem>>
    %dma_wait3A_261 = tpu.memref_slice %arg5[%mul3A_6] : memref<33554432xf32, #tpu.memory_space<hbm>> -> memref<512xf32, #tpu.memory_space<hbm>>
    %dma_wait3A_262 = tpu.memref_slice %arg5[%mul3A_6] : memref<33554432xf32, #tpu.memory_space<hbm>> -> memref<512xf32, #tpu.memory_space<hbm>>
    %dma_wait3A_263 = arith.constant 0 : i32
    %dma_wait3A_264 = tpu.memref_slice %arg6[%dma_wait3A_263] : memref<18432xf32, #tpu.memory_space<vmem>> -> memref<512xf32, #tpu.memory_space<vmem>>
    tpu.wait_dma2 semaphore(%arg12 : memref<!tpu.dma_semaphore, #tpu.memory_space<semaphore_mem>>) src(%dma_wait3A_264 : memref<512xf32, #tpu.memory_space<vmem>>) dst(%dma_wait3A_262 : memref<512xf32, #tpu.memory_space<hbm>>)
    %dma_wait3A_265 = arith.constant 0 : i32
    %dma_wait3A_266 = tpu.memref_slice %arg6[%dma_wait3A_265] : memref<18432xf32, #tpu.memory_space<vmem>> -> memref<512xf32, #tpu.memory_space<vmem>>
    %dma_wait3A_267 = tpu.memref_slice %arg5[%mul3A_6] : memref<33554432xf32, #tpu.memory_space<hbm>> -> memref<512xf32, #tpu.memory_space<hbm>>
    %dma_wait3A_268 = tpu.memref_slice %arg5[%mul3A_6] : memref<33554432xf32, #tpu.memory_space<hbm>> -> memref<512xf32, #tpu.memory_space<hbm>>
    %dma_wait3A_269 = arith.constant 0 : i32
    %dma_wait3A_270 = tpu.memref_slice %arg6[%dma_wait3A_269] : memref<18432xf32, #tpu.memory_space<vmem>> -> memref<512xf32, #tpu.memory_space<vmem>>
    tpu.wait_dma2 semaphore(%arg12 : memref<!tpu.dma_semaphore, #tpu.memory_space<semaphore_mem>>) src(%dma_wait3A_270 : memref<512xf32, #tpu.memory_space<vmem>>) dst(%dma_wait3A_268 : memref<512xf32, #tpu.memory_space<hbm>>)
    %dma_wait3A_271 = arith.constant 0 : i32
    %dma_wait3A_272 = tpu.memref_slice %arg6[%dma_wait3A_271] : memref<18432xf32, #tpu.memory_space<vmem>> -> memref<512xf32, #tpu.memory_space<vmem>>
    %dma_wait3A_273 = tpu.memref_slice %arg5[%mul3A_6] : memref<33554432xf32, #tpu.memory_space<hbm>> -> memref<512xf32, #tpu.memory_space<hbm>>
    %dma_wait3A_274 = tpu.memref_slice %arg5[%mul3A_6] : memref<33554432xf32, #tpu.memory_space<hbm>> -> memref<512xf32, #tpu.memory_space<hbm>>
    %dma_wait3A_275 = arith.constant 0 : i32
    %dma_wait3A_276 = tpu.memref_slice %arg6[%dma_wait3A_275] : memref<18432xf32, #tpu.memory_space<vmem>> -> memref<512xf32, #tpu.memory_space<vmem>>
    tpu.wait_dma2 semaphore(%arg12 : memref<!tpu.dma_semaphore, #tpu.memory_space<semaphore_mem>>) src(%dma_wait3A_276 : memref<512xf32, #tpu.memory_space<vmem>>) dst(%dma_wait3A_274 : memref<512xf32, #tpu.memory_space<hbm>>)
    %dma_wait3A_277 = arith.constant 0 : i32
    %dma_wait3A_278 = tpu.memref_slice %arg6[%dma_wait3A_277] : memref<18432xf32, #tpu.memory_space<vmem>> -> memref<512xf32, #tpu.memory_space<vmem>>
    %dma_wait3A_279 = tpu.memref_slice %arg5[%mul3A_6] : memref<33554432xf32, #tpu.memory_space<hbm>> -> memref<512xf32, #tpu.memory_space<hbm>>
    %dma_wait3A_280 = tpu.memref_slice %arg5[%mul3A_6] : memref<33554432xf32, #tpu.memory_space<hbm>> -> memref<512xf32, #tpu.memory_space<hbm>>
    %dma_wait3A_281 = arith.constant 0 : i32
    %dma_wait3A_282 = tpu.memref_slice %arg6[%dma_wait3A_281] : memref<18432xf32, #tpu.memory_space<vmem>> -> memref<512xf32, #tpu.memory_space<vmem>>
    tpu.wait_dma2 semaphore(%arg12 : memref<!tpu.dma_semaphore, #tpu.memory_space<semaphore_mem>>) src(%dma_wait3A_282 : memref<512xf32, #tpu.memory_space<vmem>>) dst(%dma_wait3A_280 : memref<512xf32, #tpu.memory_space<hbm>>)
    %dma_wait3A_283 = arith.constant 0 : i32
    %dma_wait3A_284 = tpu.memref_slice %arg6[%dma_wait3A_283] : memref<18432xf32, #tpu.memory_space<vmem>> -> memref<512xf32, #tpu.memory_space<vmem>>
    %dma_wait3A_285 = tpu.memref_slice %arg5[%mul3A_6] : memref<33554432xf32, #tpu.memory_space<hbm>> -> memref<512xf32, #tpu.memory_space<hbm>>
    %dma_wait3A_286 = tpu.memref_slice %arg5[%mul3A_6] : memref<33554432xf32, #tpu.memory_space<hbm>> -> memref<512xf32, #tpu.memory_space<hbm>>
    %dma_wait3A_287 = arith.constant 0 : i32
    %dma_wait3A_288 = tpu.memref_slice %arg6[%dma_wait3A_287] : memref<18432xf32, #tpu.memory_space<vmem>> -> memref<512xf32, #tpu.memory_space<vmem>>
    tpu.wait_dma2 semaphore(%arg12 : memref<!tpu.dma_semaphore, #tpu.memory_space<semaphore_mem>>) src(%dma_wait3A_288 : memref<512xf32, #tpu.memory_space<vmem>>) dst(%dma_wait3A_286 : memref<512xf32, #tpu.memory_space<hbm>>)
    %dma_wait3A_289 = arith.constant 0 : i32
    %dma_wait3A_290 = tpu.memref_slice %arg6[%dma_wait3A_289] : memref<18432xf32, #tpu.memory_space<vmem>> -> memref<512xf32, #tpu.memory_space<vmem>>
    %dma_wait3A_291 = tpu.memref_slice %arg5[%mul3A_6] : memref<33554432xf32, #tpu.memory_space<hbm>> -> memref<512xf32, #tpu.memory_space<hbm>>
    %dma_wait3A_292 = tpu.memref_slice %arg5[%mul3A_6] : memref<33554432xf32, #tpu.memory_space<hbm>> -> memref<512xf32, #tpu.memory_space<hbm>>
    %dma_wait3A_293 = arith.constant 0 : i32
    %dma_wait3A_294 = tpu.memref_slice %arg6[%dma_wait3A_293] : memref<18432xf32, #tpu.memory_space<vmem>> -> memref<512xf32, #tpu.memory_space<vmem>>
    tpu.wait_dma2 semaphore(%arg12 : memref<!tpu.dma_semaphore, #tpu.memory_space<semaphore_mem>>) src(%dma_wait3A_294 : memref<512xf32, #tpu.memory_space<vmem>>) dst(%dma_wait3A_292 : memref<512xf32, #tpu.memory_space<hbm>>)
    %dma_wait3A_295 = arith.constant 0 : i32
    %dma_wait3A_296 = tpu.memref_slice %arg6[%dma_wait3A_295] : memref<18432xf32, #tpu.memory_space<vmem>> -> memref<512xf32, #tpu.memory_space<vmem>>
    %dma_wait3A_297 = tpu.memref_slice %arg5[%mul3A_6] : memref<33554432xf32, #tpu.memory_space<hbm>> -> memref<512xf32, #tpu.memory_space<hbm>>
    %dma_wait3A_298 = tpu.memref_slice %arg5[%mul3A_6] : memref<33554432xf32, #tpu.memory_space<hbm>> -> memref<512xf32, #tpu.memory_space<hbm>>
    %dma_wait3A_299 = arith.constant 0 : i32
    %dma_wait3A_300 = tpu.memref_slice %arg6[%dma_wait3A_299] : memref<18432xf32, #tpu.memory_space<vmem>> -> memref<512xf32, #tpu.memory_space<vmem>>
    tpu.wait_dma2 semaphore(%arg12 : memref<!tpu.dma_semaphore, #tpu.memory_space<semaphore_mem>>) src(%dma_wait3A_300 : memref<512xf32, #tpu.memory_space<vmem>>) dst(%dma_wait3A_298 : memref<512xf32, #tpu.memory_space<hbm>>)
    %dma_wait3A_301 = arith.constant 0 : i32
    %dma_wait3A_302 = tpu.memref_slice %arg6[%dma_wait3A_301] : memref<18432xf32, #tpu.memory_space<vmem>> -> memref<512xf32, #tpu.memory_space<vmem>>
    %dma_wait3A_303 = tpu.memref_slice %arg5[%mul3A_6] : memref<33554432xf32, #tpu.memory_space<hbm>> -> memref<512xf32, #tpu.memory_space<hbm>>
    %dma_wait3A_304 = tpu.memref_slice %arg5[%mul3A_6] : memref<33554432xf32, #tpu.memory_space<hbm>> -> memref<512xf32, #tpu.memory_space<hbm>>
    %dma_wait3A_305 = arith.constant 0 : i32
    %dma_wait3A_306 = tpu.memref_slice %arg6[%dma_wait3A_305] : memref<18432xf32, #tpu.memory_space<vmem>> -> memref<512xf32, #tpu.memory_space<vmem>>
    tpu.wait_dma2 semaphore(%arg12 : memref<!tpu.dma_semaphore, #tpu.memory_space<semaphore_mem>>) src(%dma_wait3A_306 : memref<512xf32, #tpu.memory_space<vmem>>) dst(%dma_wait3A_304 : memref<512xf32, #tpu.memory_space<hbm>>)
    %dma_wait3A_307 = arith.constant 0 : i32
    %dma_wait3A_308 = tpu.memref_slice %arg6[%dma_wait3A_307] : memref<18432xf32, #tpu.memory_space<vmem>> -> memref<512xf32, #tpu.memory_space<vmem>>
    %dma_wait3A_309 = tpu.memref_slice %arg5[%mul3A_6] : memref<33554432xf32, #tpu.memory_space<hbm>> -> memref<512xf32, #tpu.memory_space<hbm>>
    %dma_wait3A_310 = tpu.memref_slice %arg5[%mul3A_6] : memref<33554432xf32, #tpu.memory_space<hbm>> -> memref<512xf32, #tpu.memory_space<hbm>>
    %dma_wait3A_311 = arith.constant 0 : i32
    %dma_wait3A_312 = tpu.memref_slice %arg6[%dma_wait3A_311] : memref<18432xf32, #tpu.memory_space<vmem>> -> memref<512xf32, #tpu.memory_space<vmem>>
    tpu.wait_dma2 semaphore(%arg12 : memref<!tpu.dma_semaphore, #tpu.memory_space<semaphore_mem>>) src(%dma_wait3A_312 : memref<512xf32, #tpu.memory_space<vmem>>) dst(%dma_wait3A_310 : memref<512xf32, #tpu.memory_space<hbm>>)
    %dma_wait3A_313 = arith.constant 0 : i32
    %dma_wait3A_314 = tpu.memref_slice %arg6[%dma_wait3A_313] : memref<18432xf32, #tpu.memory_space<vmem>> -> memref<512xf32, #tpu.memory_space<vmem>>
    %dma_wait3A_315 = tpu.memref_slice %arg5[%mul3A_6] : memref<33554432xf32, #tpu.memory_space<hbm>> -> memref<512xf32, #tpu.memory_space<hbm>>
    %dma_wait3A_316 = tpu.memref_slice %arg5[%mul3A_6] : memref<33554432xf32, #tpu.memory_space<hbm>> -> memref<512xf32, #tpu.memory_space<hbm>>
    %dma_wait3A_317 = arith.constant 0 : i32
    %dma_wait3A_318 = tpu.memref_slice %arg6[%dma_wait3A_317] : memref<18432xf32, #tpu.memory_space<vmem>> -> memref<512xf32, #tpu.memory_space<vmem>>
    tpu.wait_dma2 semaphore(%arg12 : memref<!tpu.dma_semaphore, #tpu.memory_space<semaphore_mem>>) src(%dma_wait3A_318 : memref<512xf32, #tpu.memory_space<vmem>>) dst(%dma_wait3A_316 : memref<512xf32, #tpu.memory_space<hbm>>)
    %dma_wait3A_319 = arith.constant 0 : i32
    %dma_wait3A_320 = tpu.memref_slice %arg6[%dma_wait3A_319] : memref<18432xf32, #tpu.memory_space<vmem>> -> memref<512xf32, #tpu.memory_space<vmem>>
    %dma_wait3A_321 = tpu.memref_slice %arg5[%mul3A_6] : memref<33554432xf32, #tpu.memory_space<hbm>> -> memref<512xf32, #tpu.memory_space<hbm>>
    %dma_wait3A_322 = tpu.memref_slice %arg5[%mul3A_6] : memref<33554432xf32, #tpu.memory_space<hbm>> -> memref<512xf32, #tpu.memory_space<hbm>>
    %dma_wait3A_323 = arith.constant 0 : i32
    %dma_wait3A_324 = tpu.memref_slice %arg6[%dma_wait3A_323] : memref<18432xf32, #tpu.memory_space<vmem>> -> memref<512xf32, #tpu.memory_space<vmem>>
    tpu.wait_dma2 semaphore(%arg12 : memref<!tpu.dma_semaphore, #tpu.memory_space<semaphore_mem>>) src(%dma_wait3A_324 : memref<512xf32, #tpu.memory_space<vmem>>) dst(%dma_wait3A_322 : memref<512xf32, #tpu.memory_space<hbm>>)
    %dma_wait3A_325 = arith.constant 0 : i32
    %dma_wait3A_326 = tpu.memref_slice %arg6[%dma_wait3A_325] : memref<18432xf32, #tpu.memory_space<vmem>> -> memref<512xf32, #tpu.memory_space<vmem>>
    %dma_wait3A_327 = tpu.memref_slice %arg5[%mul3A_6] : memref<33554432xf32, #tpu.memory_space<hbm>> -> memref<512xf32, #tpu.memory_space<hbm>>
    %dma_wait3A_328 = tpu.memref_slice %arg5[%mul3A_6] : memref<33554432xf32, #tpu.memory_space<hbm>> -> memref<512xf32, #tpu.memory_space<hbm>>
    %dma_wait3A_329 = arith.constant 0 : i32
    %dma_wait3A_330 = tpu.memref_slice %arg6[%dma_wait3A_329] : memref<18432xf32, #tpu.memory_space<vmem>> -> memref<512xf32, #tpu.memory_space<vmem>>
    tpu.wait_dma2 semaphore(%arg12 : memref<!tpu.dma_semaphore, #tpu.memory_space<semaphore_mem>>) src(%dma_wait3A_330 : memref<512xf32, #tpu.memory_space<vmem>>) dst(%dma_wait3A_328 : memref<512xf32, #tpu.memory_space<hbm>>)
    %dma_wait3A_331 = arith.constant 0 : i32
    %dma_wait3A_332 = tpu.memref_slice %arg6[%dma_wait3A_331] : memref<18432xf32, #tpu.memory_space<vmem>> -> memref<512xf32, #tpu.memory_space<vmem>>
    %dma_wait3A_333 = tpu.memref_slice %arg5[%mul3A_6] : memref<33554432xf32, #tpu.memory_space<hbm>> -> memref<512xf32, #tpu.memory_space<hbm>>
    %dma_wait3A_334 = tpu.memref_slice %arg5[%mul3A_6] : memref<33554432xf32, #tpu.memory_space<hbm>> -> memref<512xf32, #tpu.memory_space<hbm>>
    %dma_wait3A_335 = arith.constant 0 : i32
    %dma_wait3A_336 = tpu.memref_slice %arg6[%dma_wait3A_335] : memref<18432xf32, #tpu.memory_space<vmem>> -> memref<512xf32, #tpu.memory_space<vmem>>
    tpu.wait_dma2 semaphore(%arg12 : memref<!tpu.dma_semaphore, #tpu.memory_space<semaphore_mem>>) src(%dma_wait3A_336 : memref<512xf32, #tpu.memory_space<vmem>>) dst(%dma_wait3A_334 : memref<512xf32, #tpu.memory_space<hbm>>)
    %dma_wait3A_337 = arith.constant 0 : i32
    %dma_wait3A_338 = tpu.memref_slice %arg6[%dma_wait3A_337] : memref<18432xf32, #tpu.memory_space<vmem>> -> memref<512xf32, #tpu.memory_space<vmem>>
    %dma_wait3A_339 = tpu.memref_slice %arg5[%mul3A_6] : memref<33554432xf32, #tpu.memory_space<hbm>> -> memref<512xf32, #tpu.memory_space<hbm>>
    %dma_wait3A_340 = tpu.memref_slice %arg5[%mul3A_6] : memref<33554432xf32, #tpu.memory_space<hbm>> -> memref<512xf32, #tpu.memory_space<hbm>>
    %dma_wait3A_341 = arith.constant 0 : i32
    %dma_wait3A_342 = tpu.memref_slice %arg6[%dma_wait3A_341] : memref<18432xf32, #tpu.memory_space<vmem>> -> memref<512xf32, #tpu.memory_space<vmem>>
    tpu.wait_dma2 semaphore(%arg12 : memref<!tpu.dma_semaphore, #tpu.memory_space<semaphore_mem>>) src(%dma_wait3A_342 : memref<512xf32, #tpu.memory_space<vmem>>) dst(%dma_wait3A_340 : memref<512xf32, #tpu.memory_space<hbm>>)
    %dma_wait3A_343 = arith.constant 0 : i32
    %dma_wait3A_344 = tpu.memref_slice %arg6[%dma_wait3A_343] : memref<18432xf32, #tpu.memory_space<vmem>> -> memref<512xf32, #tpu.memory_space<vmem>>
    %dma_wait3A_345 = tpu.memref_slice %arg5[%mul3A_6] : memref<33554432xf32, #tpu.memory_space<hbm>> -> memref<512xf32, #tpu.memory_space<hbm>>
    %dma_wait3A_346 = tpu.memref_slice %arg5[%mul3A_6] : memref<33554432xf32, #tpu.memory_space<hbm>> -> memref<512xf32, #tpu.memory_space<hbm>>
    %dma_wait3A_347 = arith.constant 0 : i32
    %dma_wait3A_348 = tpu.memref_slice %arg6[%dma_wait3A_347] : memref<18432xf32, #tpu.memory_space<vmem>> -> memref<512xf32, #tpu.memory_space<vmem>>
    tpu.wait_dma2 semaphore(%arg12 : memref<!tpu.dma_semaphore, #tpu.memory_space<semaphore_mem>>) src(%dma_wait3A_348 : memref<512xf32, #tpu.memory_space<vmem>>) dst(%dma_wait3A_346 : memref<512xf32, #tpu.memory_space<hbm>>)
    %dma_wait3A_349 = arith.constant 0 : i32
    %dma_wait3A_350 = tpu.memref_slice %arg6[%dma_wait3A_349] : memref<18432xf32, #tpu.memory_space<vmem>> -> memref<512xf32, #tpu.memory_space<vmem>>
    %dma_wait3A_351 = tpu.memref_slice %arg5[%mul3A_6] : memref<33554432xf32, #tpu.memory_space<hbm>> -> memref<512xf32, #tpu.memory_space<hbm>>
    %dma_wait3A_352 = tpu.memref_slice %arg5[%mul3A_6] : memref<33554432xf32, #tpu.memory_space<hbm>> -> memref<512xf32, #tpu.memory_space<hbm>>
    %dma_wait3A_353 = arith.constant 0 : i32
    %dma_wait3A_354 = tpu.memref_slice %arg6[%dma_wait3A_353] : memref<18432xf32, #tpu.memory_space<vmem>> -> memref<512xf32, #tpu.memory_space<vmem>>
    tpu.wait_dma2 semaphore(%arg12 : memref<!tpu.dma_semaphore, #tpu.memory_space<semaphore_mem>>) src(%dma_wait3A_354 : memref<512xf32, #tpu.memory_space<vmem>>) dst(%dma_wait3A_352 : memref<512xf32, #tpu.memory_space<hbm>>)
    %dma_wait3A_355 = arith.constant 0 : i32
    %dma_wait3A_356 = tpu.memref_slice %arg6[%dma_wait3A_355] : memref<18432xf32, #tpu.memory_space<vmem>> -> memref<512xf32, #tpu.memory_space<vmem>>
    %dma_wait3A_357 = tpu.memref_slice %arg5[%mul3A_6] : memref<33554432xf32, #tpu.memory_space<hbm>> -> memref<512xf32, #tpu.memory_space<hbm>>
    %dma_wait3A_358 = tpu.memref_slice %arg5[%mul3A_6] : memref<33554432xf32, #tpu.memory_space<hbm>> -> memref<512xf32, #tpu.memory_space<hbm>>
    %dma_wait3A_359 = arith.constant 0 : i32
    %dma_wait3A_360 = tpu.memref_slice %arg6[%dma_wait3A_359] : memref<18432xf32, #tpu.memory_space<vmem>> -> memref<512xf32, #tpu.memory_space<vmem>>
    tpu.wait_dma2 semaphore(%arg12 : memref<!tpu.dma_semaphore, #tpu.memory_space<semaphore_mem>>) src(%dma_wait3A_360 : memref<512xf32, #tpu.memory_space<vmem>>) dst(%dma_wait3A_358 : memref<512xf32, #tpu.memory_space<hbm>>)
    %dma_wait3A_361 = arith.constant 0 : i32
    %dma_wait3A_362 = tpu.memref_slice %arg6[%dma_wait3A_361] : memref<18432xf32, #tpu.memory_space<vmem>> -> memref<512xf32, #tpu.memory_space<vmem>>
    %dma_wait3A_363 = tpu.memref_slice %arg5[%mul3A_6] : memref<33554432xf32, #tpu.memory_space<hbm>> -> memref<512xf32, #tpu.memory_space<hbm>>
    %dma_wait3A_364 = tpu.memref_slice %arg5[%mul3A_6] : memref<33554432xf32, #tpu.memory_space<hbm>> -> memref<512xf32, #tpu.memory_space<hbm>>
    %dma_wait3A_365 = arith.constant 0 : i32
    %dma_wait3A_366 = tpu.memref_slice %arg6[%dma_wait3A_365] : memref<18432xf32, #tpu.memory_space<vmem>> -> memref<512xf32, #tpu.memory_space<vmem>>
    tpu.wait_dma2 semaphore(%arg12 : memref<!tpu.dma_semaphore, #tpu.memory_space<semaphore_mem>>) src(%dma_wait3A_366 : memref<512xf32, #tpu.memory_space<vmem>>) dst(%dma_wait3A_364 : memref<512xf32, #tpu.memory_space<hbm>>)
    %dma_wait3A_367 = arith.constant 0 : i32
    %dma_wait3A_368 = tpu.memref_slice %arg6[%dma_wait3A_367] : memref<18432xf32, #tpu.memory_space<vmem>> -> memref<512xf32, #tpu.memory_space<vmem>>
    %dma_wait3A_369 = tpu.memref_slice %arg5[%mul3A_6] : memref<33554432xf32, #tpu.memory_space<hbm>> -> memref<512xf32, #tpu.memory_space<hbm>>
    %dma_wait3A_370 = tpu.memref_slice %arg5[%mul3A_6] : memref<33554432xf32, #tpu.memory_space<hbm>> -> memref<512xf32, #tpu.memory_space<hbm>>
    %dma_wait3A_371 = arith.constant 0 : i32
    %dma_wait3A_372 = tpu.memref_slice %arg6[%dma_wait3A_371] : memref<18432xf32, #tpu.memory_space<vmem>> -> memref<512xf32, #tpu.memory_space<vmem>>
    tpu.wait_dma2 semaphore(%arg12 : memref<!tpu.dma_semaphore, #tpu.memory_space<semaphore_mem>>) src(%dma_wait3A_372 : memref<512xf32, #tpu.memory_space<vmem>>) dst(%dma_wait3A_370 : memref<512xf32, #tpu.memory_space<hbm>>)
    %dma_wait3A_373 = arith.constant 0 : i32
    %dma_wait3A_374 = tpu.memref_slice %arg6[%dma_wait3A_373] : memref<18432xf32, #tpu.memory_space<vmem>> -> memref<512xf32, #tpu.memory_space<vmem>>
    %dma_wait3A_375 = tpu.memref_slice %arg5[%mul3A_6] : memref<33554432xf32, #tpu.memory_space<hbm>> -> memref<512xf32, #tpu.memory_space<hbm>>
    %dma_wait3A_376 = tpu.memref_slice %arg5[%mul3A_6] : memref<33554432xf32, #tpu.memory_space<hbm>> -> memref<512xf32, #tpu.memory_space<hbm>>
    %dma_wait3A_377 = arith.constant 0 : i32
    %dma_wait3A_378 = tpu.memref_slice %arg6[%dma_wait3A_377] : memref<18432xf32, #tpu.memory_space<vmem>> -> memref<512xf32, #tpu.memory_space<vmem>>
    tpu.wait_dma2 semaphore(%arg12 : memref<!tpu.dma_semaphore, #tpu.memory_space<semaphore_mem>>) src(%dma_wait3A_378 : memref<512xf32, #tpu.memory_space<vmem>>) dst(%dma_wait3A_376 : memref<512xf32, #tpu.memory_space<hbm>>)
    %dma_wait3A_379 = arith.constant 0 : i32
    %dma_wait3A_380 = tpu.memref_slice %arg6[%dma_wait3A_379] : memref<18432xf32, #tpu.memory_space<vmem>> -> memref<512xf32, #tpu.memory_space<vmem>>
    %dma_wait3A_381 = tpu.memref_slice %arg5[%mul3A_6] : memref<33554432xf32, #tpu.memory_space<hbm>> -> memref<512xf32, #tpu.memory_space<hbm>>
    %dma_wait3A_382 = tpu.memref_slice %arg5[%mul3A_6] : memref<33554432xf32, #tpu.memory_space<hbm>> -> memref<512xf32, #tpu.memory_space<hbm>>
    %dma_wait3A_383 = arith.constant 0 : i32
    %dma_wait3A_384 = tpu.memref_slice %arg6[%dma_wait3A_383] : memref<18432xf32, #tpu.memory_space<vmem>> -> memref<512xf32, #tpu.memory_space<vmem>>
    tpu.wait_dma2 semaphore(%arg12 : memref<!tpu.dma_semaphore, #tpu.memory_space<semaphore_mem>>) src(%dma_wait3A_384 : memref<512xf32, #tpu.memory_space<vmem>>) dst(%dma_wait3A_382 : memref<512xf32, #tpu.memory_space<hbm>>)
    %dma_wait3A_385 = arith.constant 0 : i32
    %dma_wait3A_386 = tpu.memref_slice %arg6[%dma_wait3A_385] : memref<18432xf32, #tpu.memory_space<vmem>> -> memref<512xf32, #tpu.memory_space<vmem>>
    %dma_wait3A_387 = tpu.memref_slice %arg5[%mul3A_6] : memref<33554432xf32, #tpu.memory_space<hbm>> -> memref<512xf32, #tpu.memory_space<hbm>>
    %dma_wait3A_388 = tpu.memref_slice %arg5[%mul3A_6] : memref<33554432xf32, #tpu.memory_space<hbm>> -> memref<512xf32, #tpu.memory_space<hbm>>
    %dma_wait3A_389 = arith.constant 0 : i32
    %dma_wait3A_390 = tpu.memref_slice %arg6[%dma_wait3A_389] : memref<18432xf32, #tpu.memory_space<vmem>> -> memref<512xf32, #tpu.memory_space<vmem>>
    tpu.wait_dma2 semaphore(%arg12 : memref<!tpu.dma_semaphore, #tpu.memory_space<semaphore_mem>>) src(%dma_wait3A_390 : memref<512xf32, #tpu.memory_space<vmem>>) dst(%dma_wait3A_388 : memref<512xf32, #tpu.memory_space<hbm>>)
    %dma_wait3A_391 = arith.constant 0 : i32
    %dma_wait3A_392 = tpu.memref_slice %arg6[%dma_wait3A_391] : memref<18432xf32, #tpu.memory_space<vmem>> -> memref<512xf32, #tpu.memory_space<vmem>>
    %dma_wait3A_393 = tpu.memref_slice %arg5[%mul3A_6] : memref<33554432xf32, #tpu.memory_space<hbm>> -> memref<512xf32, #tpu.memory_space<hbm>>
    %dma_wait3A_394 = tpu.memref_slice %arg5[%mul3A_6] : memref<33554432xf32, #tpu.memory_space<hbm>> -> memref<512xf32, #tpu.memory_space<hbm>>
    %dma_wait3A_395 = arith.constant 0 : i32
    %dma_wait3A_396 = tpu.memref_slice %arg6[%dma_wait3A_395] : memref<18432xf32, #tpu.memory_space<vmem>> -> memref<512xf32, #tpu.memory_space<vmem>>
    tpu.wait_dma2 semaphore(%arg12 : memref<!tpu.dma_semaphore, #tpu.memory_space<semaphore_mem>>) src(%dma_wait3A_396 : memref<512xf32, #tpu.memory_space<vmem>>) dst(%dma_wait3A_394 : memref<512xf32, #tpu.memory_space<hbm>>)
    %dma_wait3A_397 = arith.constant 0 : i32
    %dma_wait3A_398 = tpu.memref_slice %arg6[%dma_wait3A_397] : memref<18432xf32, #tpu.memory_space<vmem>> -> memref<512xf32, #tpu.memory_space<vmem>>
    %dma_wait3A_399 = tpu.memref_slice %arg5[%mul3A_6] : memref<33554432xf32, #tpu.memory_space<hbm>> -> memref<512xf32, #tpu.memory_space<hbm>>
    %dma_wait3A_400 = tpu.memref_slice %arg5[%mul3A_6] : memref<33554432xf32, #tpu.memory_space<hbm>> -> memref<512xf32, #tpu.memory_space<hbm>>
    %dma_wait3A_401 = arith.constant 0 : i32
    %dma_wait3A_402 = tpu.memref_slice %arg6[%dma_wait3A_401] : memref<18432xf32, #tpu.memory_space<vmem>> -> memref<512xf32, #tpu.memory_space<vmem>>
    tpu.wait_dma2 semaphore(%arg12 : memref<!tpu.dma_semaphore, #tpu.memory_space<semaphore_mem>>) src(%dma_wait3A_402 : memref<512xf32, #tpu.memory_space<vmem>>) dst(%dma_wait3A_400 : memref<512xf32, #tpu.memory_space<hbm>>)
    %dma_wait3A_403 = arith.constant 0 : i32
    %dma_wait3A_404 = tpu.memref_slice %arg6[%dma_wait3A_403] : memref<18432xf32, #tpu.memory_space<vmem>> -> memref<512xf32, #tpu.memory_space<vmem>>
    %dma_wait3A_405 = tpu.memref_slice %arg5[%mul3A_6] : memref<33554432xf32, #tpu.memory_space<hbm>> -> memref<512xf32, #tpu.memory_space<hbm>>
    %dma_wait3A_406 = tpu.memref_slice %arg5[%mul3A_6] : memref<33554432xf32, #tpu.memory_space<hbm>> -> memref<512xf32, #tpu.memory_space<hbm>>
    %dma_wait3A_407 = arith.constant 0 : i32
    %dma_wait3A_408 = tpu.memref_slice %arg6[%dma_wait3A_407] : memref<18432xf32, #tpu.memory_space<vmem>> -> memref<512xf32, #tpu.memory_space<vmem>>
    tpu.wait_dma2 semaphore(%arg12 : memref<!tpu.dma_semaphore, #tpu.memory_space<semaphore_mem>>) src(%dma_wait3A_408 : memref<512xf32, #tpu.memory_space<vmem>>) dst(%dma_wait3A_406 : memref<512xf32, #tpu.memory_space<hbm>>)
    return
  }
}

</mosaic_0001>

<sc_bundles>
// kernel: kernel.3.cloned.1.call-start
scs
__scs_entry_jumppad:
0x0: {  	(pc) =	sbr.rel $0x88, $3  }
0x1: {  	(tag) =	ssettag $0x0;
	lr =	simm.s32 $0x1  }
0x2: {  	[smem:$0x3F9E] =	sst lr;
	_ =	strace $0xD0000000  }
0x3: {  	_ = 	snop  }
0x4: {  	_ = 	snop  }
0x5: {  	_ = 	snop  }
0x6: {  	_ = 	snop  }
0x7: {  	_ = 	snop  }
__scs_overlays_trampoline_lowered:
0x8: {  	[smem:$0x3FAD] =	sst s0  }
0x9: {  	[smem:$0x3FAE] =	sst s1  }
0xa: {  	[smem:$0x3FAF] =	sst s2  }
0xb: {  	[smem:$0x3FB0] =	sst s3  }
0xc: {  	[smem:$0x3FB1] =	sst s4  }
0xd: {  	[smem:$0x3FB2] =	sst s5  }
0xe: {  	[smem:$0x3FB3] =	sst s6  }
0xf: {  	[smem:$0x3FB4] =	sst s7  }
0x10: {  	[smem:$0x3FB5] =	sst s8  }
0x11: {  	[smem:$0x3FB6] =	sst s9;
	s0 =	simm.s32 @!p0 $0x0  }
0x12: {  	s1 =	sld [smem:$0x3F9C];
	s0 =	simm.s32 @p0 $0x1  }
0x13: {  	[smem:$0x3FB7] =	sst s0;
	s0 =	simm.s32 @!p1 $0x0  }
0x14: {  	s2 =	sld [smem:$0x3F9B];
	s0 =	simm.s32 @p1 $0x1  }
0x15: {  	[smem:$0x3FB8] =	sst s0;
	s0 =	simm.s32 @!p2 $0x0  }
0x16: {  	s3 =	sld [smem:$0x3FDB];
	s0 =	simm.s32 @p2 $0x1  }
0x17: {  	s4 =	simm.s32 $0x1BF5;
	[smem:$0x3FBA] =	sst s0  }
0x18: {  	s0 =	sld [smem:$0x3F9D];
	_ =	swait.ge [sflag:s4], $0x0  }
0x19: {  	s7 =	sld [smem:$0x3F9E]  }
0x1a: {  	s8 =	sadd.s32 $0xFFFFE003, lr  }
0x1b: {  	s9 =	sadd.s32 $0xFFFFFEF7, lr;
	s5 =	simm.s32 $0xFFFFFFFF;
	p2 =	slt.u32 s8, $0xFFFFF086  }
0x1c: {  	p1 =	slt.u32 s9, $0xF7A;
	s5 =	simm.s32 @!p2 $0x0  }
0x1d: {  	s5 =	simm.s32 @p1 $0x1;
	p0 =	seq.s32 s7, s2  }
0x1e: {  	s7 =	smul.u32 @!p0 $0xF7A, s2;
	p2 =	seq.s32 @!p0 s5, $0x0  }
0x1f: {  	s9 =	smul.u32 $0xF7A, s1;
	s8 =	simm.s32 @!p0 $0x1BF5;
	p2 =	por !p2, p0  }
0x20: {  	[sflag:s8] =	ssyncset.s32 @!p0 $0xFFFFF086;
	s6 =	sadd.s32 @!p0 s3, s7;
	s7 =	simm.s32 @!p0 $0x108  }
0x21: {  	s3 =	sadd.s32 s3, s9;
	s6 =	sadd.s32 @!p0 $0x88, s6;
	s7 =	simm.s32 @p2 $0x1082  }
0x22: {  	[simem:s7], [sflag:s8] =	dma.local @!p0 [hbm:s6], $0xF7A  }
0x23: {  	s9 =	sor.u32 $0xD0000000, s2;
	s6 =	simm.s32 $0x108;
	_ =	swait.ge @!p0 [sflag:s8], $0x0  }
0x24: {  	s3 =	sadd.s32 $0x88, s3;
	s6 =	simm.s32 @!p1 $0x1082;
	[sflag:s4] =	ssyncset.s32 $0xFFFFF086  }
0x25: {  	[simem:s6], [sflag:s4] =	dma.local [hbm:s3], $0xF7A  }
0x26: {  	[smem:$0x3F9E] =	sst s1;
	(tag) =	ssettag s2;
	_ =	strace s9  }
0x27: {  	s1 =	sld [smem:$0x3FAE]  }
0x28: {  	s2 =	sld [smem:$0x3FAF]  }
0x29: {  	s4 =	sld [smem:$0x3FB1]  }
0x2a: {  	p0 =	seq.s32 s5, $0x0;
	s5 =	sld [smem:$0x3FB2]  }
0x2b: {  	s6 =	sld [smem:$0x3FB3]  }
0x2c: {  	s7 =	sld [smem:$0x3FB4]  }
0x2d: {  	s3 =	simm.s32 $0x108;
	s8 =	sld [smem:$0x3FB5]  }
0x2e: {  	s3 =	simm.s32 @!p0 $0x1082;
	s9 =	sld [smem:$0x3FB6]  }
0x2f: {  	lr =	sadd.s32 s0, s3;
	s0 =	sld [smem:$0x3FAD]  }
0x30: {  	s3 =	sld [smem:$0x3FB0]  }
0x31: {  	[smem:$0x3FB9] =	sst s10  }
0x32: {  	s10 =	sld [smem:$0x3FB7];
	_ =	sdelay $0x3  }
0x33: {  	p0 =	seq.s32 s10, $0x1;
	s10 =	sld [smem:$0x3FB9];
	_ =	sdelay $0x3  }
0x34: {  	[smem:$0x3FB9] =	sst s10  }
0x35: {  	s10 =	sld [smem:$0x3FB8];
	_ =	sdelay $0x3  }
0x36: {  	p1 =	seq.s32 s10, $0x1;
	s10 =	sld [smem:$0x3FB9];
	_ =	sdelay $0x3  }
0x37: {  	[smem:$0x3FB9] =	sst s10  }
0x38: {  	s10 =	sld [smem:$0x3FBA]  }
0x39: {  	_ = 	snop;
	(pc) =	sbr.ind lr, $3  }
0x3a: {  	_ = 	snop  }
0x3b: {  	_ = 	snop  }
0x3c: {  	p2 =	seq.s32 s10, $0x1;
	s10 =	sld [smem:$0x3FB9]  }
0x3d: {  	_ =	shalt  }
0x3e: {  	_ =	shalt  }
0x3f: {  	_ =	shalt  }
0x40: {  	_ =	shalt  }
0x41: {  	_ =	shalt  }
0x42: {  	_ =	shalt  }
0x43: {  	_ =	shalt  }
0x44: {  	_ =	shalt  }
0x45: {  	_ =	shalt  }
0x46: {  	_ =	shalt  }
0x47: {  	_ =	shalt  }
0x48: {  	_ =	shalt  }
0x49: {  	_ =	shalt  }
0x4a: {  	_ =	shalt  }
0x4b: {  	_ =	shalt  }
0x4c: {  	_ =	shalt  }
0x4d: {  	_ =	shalt  }
0x4e: {  	_ =	shalt  }
0x4f: {  	_ =	shalt  }
0x50: {  	_ =	shalt  }
0x51: {  	_ =	shalt  }
0x52: {  	_ =	shalt  }
0x53: {  	_ =	shalt  }
0x54: {  	_ =	shalt  }
0x55: {  	_ =	shalt  }
0x56: {  	_ =	shalt  }
0x57: {  	_ =	shalt  }
0x58: {  	_ =	shalt  }
0x59: {  	_ =	shalt  }
0x5a: {  	_ =	shalt  }
0x5b: {  	_ =	shalt  }
0x5c: {  	_ =	shalt  }
0x5d: {  	_ =	shalt  }
0x5e: {  	_ =	shalt  }
0x5f: {  	_ =	shalt  }
0x60: {  	_ =	shalt  }
0x61: {  	_ =	shalt  }
0x62: {  	_ =	shalt  }
0x63: {  	_ =	shalt  }
0x64: {  	_ =	shalt  }
0x65: {  	_ =	shalt  }
0x66: {  	_ =	shalt  }
0x67: {  	_ =	shalt  }
0x68: {  	_ =	shalt  }
0x69: {  	_ =	shalt  }
0x6a: {  	_ =	shalt  }
0x6b: {  	_ =	shalt  }
0x6c: {  	_ =	shalt  }
0x6d: {  	_ =	shalt  }
0x6e: {  	_ =	shalt  }
0x6f: {  	_ =	shalt  }
0x70: {  	_ =	shalt  }
0x71: {  	_ =	shalt  }
0x72: {  	_ =	shalt  }
0x73: {  	_ =	shalt  }
0x74: {  	_ =	shalt  }
0x75: {  	_ =	shalt  }
0x76: {  	_ =	shalt  }
0x77: {  	_ =	shalt  }
0x78: {  	_ =	shalt  }
0x79: {  	_ =	shalt  }
0x7a: {  	_ =	shalt  }
0x7b: {  	_ =	shalt  }
0x7c: {  	_ =	shalt  }
0x7d: {  	_ =	shalt  }
0x7e: {  	_ =	shalt  }
0x7f: {  	_ =	shalt  }
0x80: {  	_ =	shalt  }
0x81: {  	_ =	shalt  }
0x82: {  	_ =	shalt  }
0x83: {  	_ =	shalt  }
0x84: {  	_ =	shalt  }
0x85: {  	_ =	shalt  }
0x86: {  	_ =	shalt  }
0x87: {  	_ =	shalt  }
.Lfunc_end0:
.L_simem_size_0:
called_computation_lowered:
.L_overlay_start_0:
0x88: {  	s2 =	sld [smem:$0x3FD9]  }
0x89: {  	s3 =	sld [smem:$0x3FFE];
	_ =	sdelay $0x1  }
0x8a: {  	s1 =	srdreg.scid  }
0x8b: {  	s0 =	sand.u32 $0x1, s1  }
0x8c: {  	s17 =	sshll.u32 s0, $0xA;
	s2 =	sadd.s32 s3, s2  }
0x8d: {  	s2 =	sadd.s32 s2, s17  }
0x8e: {  	[smem:$0x3FC5] =	sst s2  }
0x8f: {  	_ = 	snop  }
0x90: {  	s2 =	sld [smem:$0x3FC8]  }
0x91: {  	s18 =	sld [smem:$0x3FD0];
	(tm) =	ssettm $0x1  }
0x92: {  	s4 =	sld [smem:$0x3FFB];
	_ =	sdelay $0x3  }
0x93: {  	_ =	strace s4  }
0x94: {  	s4 =	sld [smem:$0x3FFC];
	_ =	sdelay $0x3  }
0x95: {  	_ =	strace s4  }
0x96: {  	s4 =	sld [smem:$0x3FFD];
	_ =	sdelay $0x3  }
0x97: {  	_ =	strace s4  }
0x98: {  	_ =	strace $0x8FFFFFFF  }
0x99: {  	s19 =	sld [smem:$0x3FDB];
	_ =	sdelay $0x1  }
0x9a: {  	s5 =	simm.s32 $_scs_section_size  }
0x9b: {  	s6 =	simm.s32 $_size__tile_overlayer_lowered;
	s7 =	simm.s32 $_tile_overlayer_lowered  }
0x9c: {  	s22 =	simm.s32 $0x1BFF;
	s21 =	sshll.u32 s7, $0x1;
	s4 =	sadd.s32 s5, s19  }
0x9d: {  	s8 =	simm.s32 $0x0;
	s20 =	sshll.u32 s6, $0x1;
	s6 =	sadd.s32 s21, s4  }
0x9e: {  	[timem:s8], [sflag:s22] =	dma.local [hbm:s6], s20  }
0x9f: {  	_ =	swait.ge [sflag:s22], s20  }
0xa0: {  	s5 =	ssub.s32 $0x0, s20;
	[sflag:s22] =	ssyncset.done $0x0  }
0xa1: {  	[sflag:s22] =	ssyncadd.s32 s5;
	_ =	sdelay $0x1  }
0xa2: {  	s23 =	simm.s32 $0x1B8B  }
0xa3: {  	_ =	swait.ge [sflag:s23], $0x1  }
0xa4: {  	[sflag:s23] =	ssyncset.done $0x0  }
0xa5: {  	s25 =	simm.s32 $0x1B8E;
	s24 =	sld [smem:$0x3FFE];
	[sflag:s23] =	ssyncadd.s32 $0xFFFFFFFF  }
0xa6: {  	s26 =	simm.s32 $execute0_lowered;
	[smem:$0x3FD2] =	sst s25  }
0xa7: {  	s6 =	sshll.u32 s26, $0x1;
	_ =	strace $0x80000046;
	[dreg:$0x1] =	wrdreg $0xFFFFFFFF  }
0xa8: {  	s28 =	simm.s32 $_size_execute0_lowered;
	s4 =	sadd.s32 s4, s6;
	[dreg:$0x0] =	wrdreg $0x0  }
0xa9: {  	s6 =	sshll.u32 s28, $0x1;
	[dreg:$0x2] =	wrdreg s4  }
0xaa: {  	[dreg:$0x3] =	wrdreg s6  }
0xab: {  	[dreg:$0x4] =	wrdreg $0xC0  }
0xac: {  	_ =	task [dreg:s8], $0x5FFFF  }
0xad: {  	[dreg:$0x1] =	wrdreg $0xFFFFFFFF  }
0xae: {  	[dreg:$0x0] =	wrdreg $0x60  }
0xaf: {  	[dreg:$0x2] =	wrdreg s18  }
0xb0: {  	[dreg:$0x3] =	wrdreg s2  }
0xb1: {  	[dreg:$0x4] =	wrdreg s24  }
0xb2: {  	[dreg:$0x5] =	wrdreg $0x90800  }
0xb3: {  	[dreg:$0x6] =	wrdreg $0x9  }
0xb4: {  	_ =	task.clear_ibuf [dreg:s8], $0x7FFFF;
	_ =	strace $0x90000046  }
0xb5: {  	s29 =	simm.s32 $0x9;
	_ =	strace $0x80000048  }
0xb6: {  	_ =	swait.ge [sflag:s29], $0x1  }
0xb7: {  	[sflag:s29] =	ssyncadd.s32 $0xFFFFFFFF  }
0xb8: {  	_ =	strace $0x90000048  }
0xb9: {  	_ =	sfence  }
0xba: {  	s30 =	sld [smem:$0x0];
	_ =	sdelay $0x2  }
0xbb: {  	s31 =	sshll.u32 s1, $0xD;
	s1 =	sshrl.u32 s1, $0x2  }
0xbc: {  	s3 =	sand.u32 $0x4000, s31;
	s1 =	sadd.s32 s1, s30  }
0xbd: {  	s0 =	sor.u32 s3, s0;
	s1 =	sshll.u32 s1, $0x11  }
0xbe: {  	s0 =	sor.u32 s1, s0  }
0xbf: {  	s0 =	sadd.s32 $0x8F2B, s0  }
0xc0: {  	[sflag:s0] =	ssyncadd.remote.s32 $0x1  }
0xc1: {  	_ =	sfence.sel $0xFFFF  }
0xc2: {  	[dreg:$0x0] =	wrdreg $0xFFFFFFFF;
	(pc) =	sbr.abs _section_cstart, $3  }
0xc3: {  	[dreg:$0x1] =	wrdreg $0xFFFFFFFF  }
0xc4: {  	_ =	task.clear_ibuf [dreg:s8], $0x2FFFF;
	_ =	strace $0x9FFFFFFF  }
0xc5: {  	(tm) =	ssettm $0x7FFFFFFF  }
tec
execute0_lowered:
.L_overlay_start_1:
0x0: {  	(tag) =	ssettag $0x1  }
0x1: {  	s0 =	rddreg [dreg:$0x0]  }
0x2: {  	s1 =	rddreg [dreg:$0x2]  }
0x3: {  	s3 =	rddreg [dreg:$0x3]  }
0x4: {  	s2 =	simm.s32 $0x0;
	s4 =	srdreg.scid;
	s11 =	stileid.u32  }
0x5: {  	[smem:$0x7FF] =	sst s2;
	s5 =	sadd.s32 $0x400, s1;
	s4 =	sand.u32 $0x1, s4  }
0x6: {  	s7 =	sshll.u32 s11, $0xC;
	s8 =	sshll.u32 s11, $0xB;
	s10 =	sshll.u32 s11, $0x7  }
0x7: {  	_ =	strace $0x80000047;
	[dreg:$0x7] =	wrdreg s5;
	s26 =	ssub.s32 $0x2, s4  }
0x8: {  	s9 =	sshll.u32 s4, $0xB;
	s8 =	sand.u32 $0x4000, s8;
	s30 =	sand.u32 $0x380, s10  }
0x9: {  	s6 =	sshrl.u32 s26, $0x1;
	s7 =	sor.u32 s9, s7;
	s3 =	sadd.s32 s8, s3  }
0xa: {  	s5 =	ssub.s32 s26, s6;
	s0 =	sadd.s32 s0, s7;
	s6 =	sadd.s32 s30, s3  }
0xb: {  	[dreg:$0x8] =	wrdreg s0;
	s7 =	sadd.s32 $0x2000, s6  }
0xc: {  	s8 =	smax.u32 s5, $0x1;
	[dreg:$0x9] =	wrdreg s7  }
0xd: {  	s9 =	sadd.s32 $0x400, s6;
	[dreg:$0xa] =	wrdreg s8  }
0xe: {  	s10 =	sadd.s32 $0x800, s6;
	[dreg:$0xb] =	wrdreg s9  }
0xf: {  	s12 =	sadd.s32 $0xC00, s6;
	[dreg:$0xc] =	wrdreg s10  }
0x10: {  	s31 =	simm.s32 $0x180;
	s13 =	sadd.s32 $0x1000, s6;
	[dreg:$0xd] =	wrdreg s12  }
0x11: {  	s28 =	simm.s32 $0x1;
	s14 =	sadd.s32 $0x1400, s6;
	[dreg:$0xe] =	wrdreg s13  }
0x12: {  	s29 =	simm.s32 $0x0;
	s15 =	sadd.s32 $0x1800, s6;
	[dreg:$0xf] =	wrdreg s14  }
0x13: {  	s1 =	sadd.s32 $0xE00, s1;
	s16 =	sadd.s32 $0x1C00, s6;
	[dreg:$0x10] =	wrdreg s15  }
0x14: {  	s18 =	sshll.u32 s11, $0x15;
	s17 =	sadd.s32 $0x2400, s6;
	[dreg:$0x11] =	wrdreg s16  }
0x15: {  	s19 =	sshll.u32 s4, $0x14;
	s20 =	sadd.s32 $0x2800, s6;
	[dreg:$0x12] =	wrdreg s17  }
0x16: {  	s26 =	sshll.u32 s11, $0x8;
	s21 =	sadd.s32 $0x2C00, s6;
	[dreg:$0x13] =	wrdreg s20  }
0x17: {  	s30 =	sshll.u32 s4, $0x7;
	s22 =	sadd.s32 $0x3000, s6;
	[dreg:$0x14] =	wrdreg s21  }
0x18: {  	s0 =	sor.u32 s19, s18;
	s23 =	sadd.s32 $0x3400, s6;
	[dreg:$0x15] =	wrdreg s22  }
0x19: {  	s25 =	sadd.s32 $0x3800, s6;
	[dreg:$0x16] =	wrdreg s23;
	s24 =	sshrl.u32 s0, $0x3  }
0x1a: {  	[dreg:$0x17] =	wrdreg s25;
	s0 =	sor.u32 $0x80000, s0;
	s22 =	sadd.s32 $0x3C00, s6  }
0x1b: {  	s23 =	sor.u32 s30, s26;
	s26 =	simm.s32 $0x80;
	s25 =	simm.s32 $0x380  }
0x1c: {  	s3 =	sadd.s32 s24, s1;
	s0 =	sshrl.u32 s0, $0x3;
	s24 =	simm.s32 $0x2  }
0x1d: {  	[dreg:$0x5] =	wrdreg s3;
	s0 =	sadd.s32 s0, s1;
	s3 =	simm.s32 $0x280  }
0x1e: {  	s1 =	simm.s32 $0x300;
	[dreg:$0x6] =	wrdreg s0;
	s0 =	simm.s32 $0x200  }
.LBB2_1:
0x1f: {  	s4 =	rddreg [dreg:$0x7]  }
0x20: {  	[tilespmem:s2], [sflag:$0x2] =	stream.linear.gather [hbm4b:s4+s2], $0x4800, $0x38;
	[tilespmem:$0x9880] =	vst v63  }
0x21: {  	_ =	swait.ge [sflag:s24], $0x4800  }
0x22: {  	[sflag:s24] =	ssyncset.done $0x0  }
0x23: {  	s20 =	simm.s32 $0x4800;
	s5 =	rddreg [dreg:$0x8];
	[sflag:s24] =	ssyncadd.s32 $0xFFFFB800  }
0x24: {  	[tilespmem:s20], [sflag:$0x2] =	stream.linear.gather [hbm4b:s5+s2], $0x4000, $0x38;
	[tilespmem:$0x9880] =	vst v63  }
0x25: {  	_ =	swait.ge [sflag:s24], $0x4000  }
0x26: {  	[sflag:s24] =	ssyncset.done $0x0  }
0x27: {  	[sflag:s24] =	ssyncadd.s32 $0xFFFFC000  }
0x28: {  	s7 =	simm.s32 $0x8800;
	s21 =	rddreg [dreg:$0x1]  }
0x29: {  	[tilespmem:s7], [sflag:$0x2] =	stream.linear.gather [hbm4b:s21+s2], $0x80, $0x38;
	[tilespmem:$0x9880] =	vst v63  }
0x2a: {  	_ =	swait.ge [sflag:s24], $0x80  }
0x2b: {  	[sflag:s24] =	ssyncset.done $0x0  }
0x2c: {  	[sflag:s24] =	ssyncadd.s32 $0xFFFFFF80  }
0x2d: {  	v0 =	vld [tilespmem:$0x8800]  }
0x2e: {  	v1 =	vld [tilespmem:s20+$0x0];
	_ =	sdelay $0x2  }
0x2f: {  	v2 =	vmov s23  }
0x30: {  	vm0 =	vlt.s32 v2, v0  }
0x31: {  	s30 =	simm.s32 $0x0;
	v1 =	vnsel vm0, $0x23, v1  }
0x32: {  	s5 =	simm.s32 $0x4880;
	[tilespmem:s30+$0x8880] =	vst v1  }
0x33: {  	s8 =	simm.s32 $0x80;
	s4 =	simm.s32 $0x40;
	s7 =	smov.u32 s23;
	v1 =	vld [tilespmem:s5+$0x0]  }
.LBB2_2:
0x34: {  	p0 =	sne.s32 s8, $0x1FC0  }
0x35: {  	s7 =	sadd.s32 $0x1, s7  }
.Ltmp0:
0x36: {  	v2 =	vmov s7;
	(pc) =	sbr.rel @p0 .LBB2_2-.Ltmp0, $4  }
0x37: {  	vm0 =	vlt.s32 v2, v0  }
0x38: {  	s9 =	sshra.s32 s4, $0x2;
	s4 =	smov.u32 s8;
	v1 =	vnsel vm0, $0x23, v1  }
0x39: {  	s5 =	sadd.s32 $0x80, s5;
	[tilespmem:s9+$0x8880] =	vst v1  }
0x3a: {  	s8 =	sadd.s32 $0x40, s8;
	v1 =	vld [tilespmem:s5+$0x0]  }
0x3b: {  	_ = 	snop  }
0x3c: {  	s5 =	sadd.s32 $0x1, s7  }
0x3d: {  	v2 =	vmov s5  }
0x3e: {  	vm0 =	vlt.s32 v2, v0  }
0x3f: {  	s4 =	sshra.s32 s4, $0x2;
	v0 =	vnsel vm0, $0x23, v1  }
0x40: {  	[tilespmem:s4+$0x8880] =	vst v0  }
0x41: {  	s15 =	simm.s32 $0x400;
	s16 =	simm.s32 $0x8880;
	[bflag:$0x0] =	sbarrier.arrive $0xFFFF  }
0x42: {  	[spmem:s6] =	stream.strided.scatter [tilespmem:s16], [sflag:$0x2], $0x800, s15, s26, $0x38;
	[tilespmem:$0x9880] =	vst v63  }
0x43: {  	_ =	swait.ge [sflag:s24], $0x800  }
0x44: {  	[sflag:s24] =	ssyncset.done $0x0  }
0x45: {  	[sflag:s24] =	ssyncadd.s32 $0xFFFFF800  }
0x46: {  	s17 =	simm.s32 $0x0;
	[bflag:$0x0] =	sbarrier.arrive $0xFFFF  }
0x47: {  	[smem:s17], [sflag:$0x2] =	stream.linear.gather [spmem:s6], $0x80, $0x38;
	[tilespmem:$0x9880] =	vst v63  }
0x48: {  	s4 =	rddreg [dreg:$0xb]  }
0x49: {  	[smem:s26], [sflag:$0x2] =	stream.linear.gather [spmem:s4], $0x80, $0x38;
	[tilespmem:$0x9880] =	vst v63  }
0x4a: {  	s18 =	simm.s32 $0x100;
	s4 =	rddreg [dreg:$0xc]  }
0x4b: {  	[smem:s18], [sflag:$0x2] =	stream.linear.gather [spmem:s4], $0x80, $0x38;
	[tilespmem:$0x9880] =	vst v63  }
0x4c: {  	s4 =	rddreg [dreg:$0xd]  }
0x4d: {  	[smem:s31], [sflag:$0x2] =	stream.linear.gather [spmem:s4], $0x80, $0x38;
	[tilespmem:$0x9880] =	vst v63  }
0x4e: {  	s4 =	rddreg [dreg:$0xe]  }
0x4f: {  	[smem:s0], [sflag:$0x2] =	stream.linear.gather [spmem:s4], $0x80, $0x38;
	[tilespmem:$0x9880] =	vst v63  }
0x50: {  	s4 =	rddreg [dreg:$0xf]  }
0x51: {  	[smem:s3], [sflag:$0x2] =	stream.linear.gather [spmem:s4], $0x80, $0x38;
	[tilespmem:$0x9880] =	vst v63  }
0x52: {  	s4 =	rddreg [dreg:$0x10]  }
0x53: {  	[smem:s1], [sflag:$0x2] =	stream.linear.gather [spmem:s4], $0x80, $0x38;
	[tilespmem:$0x9880] =	vst v63  }
0x54: {  	s4 =	rddreg [dreg:$0x11]  }
0x55: {  	[smem:s25], [sflag:$0x2] =	stream.linear.gather [spmem:s4], $0x80, $0x38;
	[tilespmem:$0x9880] =	vst v63  }
0x56: {  	_ =	swait.ge [sflag:s24], $0x400  }
0x57: {  	p0 =	por $0x1, $0x1;
	[sflag:s24] =	ssyncset.done $0x0  }
0x58: {  	s4 =	simm.s32 @!p0 $0x1;
	[sflag:s24] =	ssyncadd.s32 $0xFFFFFC00  }
0x59: {  	_ =	swait.ge @!p0 [sflag:s4], $0x200  }
0x5a: {  	[sflag:s4] =	ssyncset.done @!p0 $0x0  }
0x5b: {  	[sflag:s4] =	ssyncadd.s32 @!p0 $0xFFFFFE00  }
0x5c: {  	_ =	swait.ge @!p0 [sflag:s4], $0x200  }
0x5d: {  	[sflag:s4] =	ssyncset.done @!p0 $0x0  }
0x5e: {  	[sflag:s4] =	ssyncadd.s32 @!p0 $0xFFFFFE00  }
0x5f: {  	_ =	swait.ge @!p0 [sflag:s4], $0x200  }
0x60: {  	[sflag:s4] =	ssyncset.done @!p0 $0x0  }
0x61: {  	[sflag:s4] =	ssyncadd.s32 @!p0 $0xFFFFFE00  }
0x62: {  	_ =	swait.ge @!p0 [sflag:s4], $0x200  }
0x63: {  	[sflag:s4] =	ssyncset.done @!p0 $0x0  }
0x64: {  	[sflag:s4] =	ssyncadd.s32 @!p0 $0xFFFFFE00  }
0x65: {  	_ =	swait.ge @!p0 [sflag:s4], $0x200  }
0x66: {  	[sflag:s4] =	ssyncset.done @!p0 $0x0  }
0x67: {  	[sflag:s4] =	ssyncadd.s32 @!p0 $0xFFFFFE00  }
0x68: {  	_ =	swait.ge @!p0 [sflag:s4], $0x200  }
0x69: {  	[sflag:s4] =	ssyncset.done @!p0 $0x0  }
0x6a: {  	[sflag:s4] =	ssyncadd.s32 @!p0 $0xFFFFFE00  }
0x6b: {  	_ =	swait.ge @!p0 [sflag:s4], $0x200  }
0x6c: {  	[sflag:s4] =	ssyncset.done @!p0 $0x0  }
0x6d: {  	[sflag:s4] =	ssyncadd.s32 @!p0 $0xFFFFFE00  }
0x6e: {  	_ =	swait.ge @!p0 [sflag:s4], $0x200  }
0x6f: {  	[sflag:s4] =	ssyncset.done @!p0 $0x0  }
0x70: {  	[sflag:s4] =	ssyncadd.s32 @!p0 $0xFFFFFE00  }
0x71: {  	_ =	swait.ge @!p0 [sflag:s4], $0x200  }
0x72: {  	[sflag:s4] =	ssyncset.done @!p0 $0x0  }
0x73: {  	[sflag:s4] =	ssyncadd.s32 @!p0 $0xFFFFFE00  }
0x74: {  	_ =	swait.ge @!p0 [sflag:s4], $0x200  }
0x75: {  	[sflag:s4] =	ssyncset.done @!p0 $0x0  }
0x76: {  	[sflag:s4] =	ssyncadd.s32 @!p0 $0xFFFFFE00  }
0x77: {  	_ =	swait.ge @!p0 [sflag:s4], $0x200  }
0x78: {  	[sflag:s4] =	ssyncset.done @!p0 $0x0  }
0x79: {  	[sflag:s4] =	ssyncadd.s32 @!p0 $0xFFFFFE00  }
0x7a: {  	_ =	swait.ge @!p0 [sflag:s4], $0x200  }
0x7b: {  	[sflag:s4] =	ssyncset.done @!p0 $0x0  }
0x7c: {  	[sflag:s4] =	ssyncadd.s32 @!p0 $0xFFFFFE00  }
0x7d: {  	_ =	swait.ge @!p0 [sflag:s4], $0x200  }
0x7e: {  	[sflag:s4] =	ssyncset.done @!p0 $0x0  }
0x7f: {  	[sflag:s4] =	ssyncadd.s32 @!p0 $0xFFFFFE00  }
0x80: {  	_ =	swait.ge @!p0 [sflag:s4], $0x200  }
0x81: {  	[sflag:s4] =	ssyncset.done @!p0 $0x0  }
0x82: {  	[sflag:s4] =	ssyncadd.s32 @!p0 $0xFFFFFE00  }
0x83: {  	_ =	swait.ge @!p0 [sflag:s4], $0x200  }
0x84: {  	[sflag:s4] =	ssyncset.done @!p0 $0x0  }
0x85: {  	[sflag:s4] =	ssyncadd.s32 @!p0 $0xFFFFFE00  }
0x86: {  	_ =	swait.ge @!p0 [sflag:s4], $0x200  }
0x87: {  	[sflag:s4] =	ssyncset.done @!p0 $0x0  }
0x88: {  	s19 =	rddreg [dreg:$0x5];
	[sflag:s4] =	ssyncadd.s32 @!p0 $0xFFFFFE00  }
0x89: {  	s7 =	sld [smem:$0x7]  }
0x8a: {  	s20 =	sld [smem:$0x6]  }
0x8b: {  	s8 =	sld [smem:$0x3]  }
0x8c: {  	s10 =	sld [smem:$0x4]  }
0x8d: {  	s11 =	sld [smem:$0x2]  }
0x8e: {  	s9 =	sadd.s32 $0x0, s19;
	s12 =	sld [smem:$0x1]  }
0x8f: {  	s30 =	sadd.s32 $0x40, s9;
	s13 =	sld [smem:$0x0]  }
0x90: {  	s17 =	sadd.s32 $0x80, s9;
	s7 =	sshll.u32 s7, $0xB;
	s14 =	sld [smem:$0x8]  }
0x91: {  	s5 =	sshll.u32 s20, $0xB;
	s7 =	sshra.s32 s7, $0x2;
	s15 =	sld [smem:$0x5]  }
0x92: {  	s18 =	sshll.u32 s8, $0xB;
	s21 =	sshll.u32 s13, $0xB;
	s13 =	sld [smem:$0x9]  }
0x93: {  	s12 =	sshll.u32 s12, $0xB;
	s4 =	sshra.s32 s21, $0x2;
	s16 =	sld [smem:$0xA]  }
0x94: {  	[hbm4b:s9+s2] =	stream.linear.scatter [tilespmem:s4], [sflag:$0x1], $0x200, $0x38;
	[tilespmem:$0x9880] =	vst v63  }
0x95: {  	s5 =	sshra.s32 s5, $0x2;
	s19 =	sshll.u32 s10, $0xB;
	s12 =	sshra.s32 s12, $0x2  }
0x96: {  	[hbm4b:s30+s2] =	stream.linear.scatter [tilespmem:s12], [sflag:$0x1], $0x200, $0x38;
	[tilespmem:$0x9880] =	vst v63  }
0x97: {  	s8 =	sshra.s32 s19, $0x2;
	s21 =	sadd.s32 $0xC0, s9;
	s12 =	sshll.u32 s11, $0xB  }
0x98: {  	s19 =	sshll.u32 s14, $0xB;
	s20 =	sshll.u32 s15, $0xB;
	s4 =	sshra.s32 s12, $0x2  }
0x99: {  	[hbm4b:s17+s2] =	stream.linear.scatter [tilespmem:s4], [sflag:$0x1], $0x200, $0x38;
	[tilespmem:$0x9880] =	vst v63  }
0x9a: {  	s30 =	sadd.s32 $0x100, s9;
	s12 =	sadd.s32 $0x140, s9;
	s4 =	sshra.s32 s18, $0x2  }
0x9b: {  	[hbm4b:s21+s2] =	stream.linear.scatter [tilespmem:s4], [sflag:$0x1], $0x200, $0x38;
	[tilespmem:$0x9880] =	vst v63  }
0x9c: {  	s17 =	sshra.s32 s20, $0x2;
	s20 =	sshll.u32 s13, $0xB;
	s11 =	sld [smem:$0xB]  }
0x9d: {  	[hbm4b:s30+s2] =	stream.linear.scatter [tilespmem:s8], [sflag:$0x1], $0x200, $0x38;
	[tilespmem:$0x9880] =	vst v63  }
0x9e: {  	s18 =	sadd.s32 $0x180, s9;
	s10 =	sshra.s32 s20, $0x2;
	s15 =	sld [smem:$0xC]  }
0x9f: {  	[hbm4b:s12+s2] =	stream.linear.scatter [tilespmem:s17], [sflag:$0x1], $0x200, $0x38;
	[tilespmem:$0x9880] =	vst v63  }
0xa0: {  	s4 =	simm.s32 $0x400;
	s21 =	sshll.u32 s16, $0xB;
	s16 =	sadd.s32 $0x200, s9  }
0xa1: {  	[hbm4b:s18+s2] =	stream.linear.scatter [tilespmem:s5], [sflag:$0x1], $0x200, $0x38;
	[tilespmem:$0x9880] =	vst v63  }
0xa2: {  	s30 =	sadd.s32 $0x1C0, s9;
	s8 =	sshra.s32 s19, $0x2;
	s19 =	sadd.s32 $0x280, s9  }
0xa3: {  	[hbm4b:s30+s2] =	stream.linear.scatter [tilespmem:s7], [sflag:$0x1], $0x200, $0x38;
	[tilespmem:$0x9880] =	vst v63  }
0xa4: {  	s20 =	sshra.s32 s21, $0x2;
	s21 =	sadd.s32 $0x2C0, s9;
	s17 =	sadd.s32 $0x240, s9  }
0xa5: {  	[hbm4b:s16+s2] =	stream.linear.scatter [tilespmem:s8], [sflag:$0x1], $0x200, $0x38;
	[tilespmem:$0x9880] =	vst v63  }
0xa6: {  	s12 =	sadd.s32 $0x300, s9;
	s5 =	simm.s32 $0x8;
	s18 =	sld [smem:$0xD]  }
0xa7: {  	[hbm4b:s17+s2] =	stream.linear.scatter [tilespmem:s10], [sflag:$0x1], $0x200, $0x38;
	[tilespmem:$0x9880] =	vst v63  }
0xa8: {  	s14 =	sshll.u32 s11, $0xB;
	s30 =	sshll.u32 s15, $0xB;
	s10 =	sld [smem:$0xE]  }
0xa9: {  	[hbm4b:s19+s2] =	stream.linear.scatter [tilespmem:s20], [sflag:$0x1], $0x200, $0x38;
	[tilespmem:$0x9880] =	vst v63  }
0xaa: {  	s11 =	sadd.s32 $0x340, s9;
	s7 =	sshra.s32 s14, $0x2;
	s13 =	sshra.s32 s30, $0x2  }
0xab: {  	[hbm4b:s21+s2] =	stream.linear.scatter [tilespmem:s7], [sflag:$0x1], $0x200, $0x38;
	[tilespmem:$0x9880] =	vst v63  }
0xac: {  	s8 =	simm.s32 $0x18;
	s7 =	simm.s32 $0x1;
	s14 =	sshll.u32 s18, $0xB  }
.LBB2_4:
0xad: {  	s16 =	sld [smem:s5+$0x7]  }
0xae: {  	[hbm4b:s12+s2] =	stream.linear.scatter [tilespmem:s13], [sflag:$0x1], $0x200, $0x38;
	[tilespmem:$0x9880] =	vst v63  }
0xaf: {  	s14 =	sshra.s32 s14, $0x2;
	s17 =	sadd.s32 $0x380, s9;
	s15 =	sshll.u32 s10, $0xB  }
0xb0: {  	[hbm4b:s11+s2] =	stream.linear.scatter [tilespmem:s14], [sflag:$0x1], $0x200, $0x38;
	[tilespmem:$0x9880] =	vst v63  }
0xb1: {  	p1 =	slt.u32 s7, $0x2;
	s18 =	sshra.s32 s15, $0x2;
	s19 =	sshll.u32 s16, $0xB  }
0xb2: {  	[hbm4b:s17+s2] =	stream.linear.scatter [tilespmem:s18], [sflag:$0x1], $0x200, $0x38;
	[tilespmem:$0x9880] =	vst v63  }
0xb3: {  	s20 =	sadd.s32 $0x3C0, s9;
	s11 =	simm.s32 @!p1 $0x1;
	s12 =	sshra.s32 s19, $0x2  }
0xb4: {  	[hbm4b:s20+s2] =	stream.linear.scatter [tilespmem:s12], [sflag:$0x1], $0x200, $0x38;
	[tilespmem:$0x9880] =	vst v63  }
0xb5: {  	_ =	swait.ge @!p1 [sflag:s11], $0x200  }
0xb6: {  	[sflag:s11] =	ssyncset.done @!p1 $0x0  }
0xb7: {  	[sflag:s11] =	ssyncadd.s32 @!p1 $0xFFFFFE00  }
0xb8: {  	_ =	swait.ge @!p1 [sflag:s11], $0x200  }
0xb9: {  	[sflag:s11] =	ssyncset.done @!p1 $0x0  }
0xba: {  	[sflag:s11] =	ssyncadd.s32 @!p1 $0xFFFFFE00  }
0xbb: {  	_ =	swait.ge @!p1 [sflag:s11], $0x200  }
0xbc: {  	[sflag:s11] =	ssyncset.done @!p1 $0x0  }
0xbd: {  	[sflag:s11] =	ssyncadd.s32 @!p1 $0xFFFFFE00  }
0xbe: {  	_ =	swait.ge @!p1 [sflag:s11], $0x200  }
0xbf: {  	[sflag:s11] =	ssyncset.done @!p1 $0x0  }
0xc0: {  	[sflag:s11] =	ssyncadd.s32 @!p1 $0xFFFFFE00  }
0xc1: {  	_ =	swait.ge @!p1 [sflag:s11], $0x200  }
0xc2: {  	[sflag:s11] =	ssyncset.done @!p1 $0x0  }
0xc3: {  	[sflag:s11] =	ssyncadd.s32 @!p1 $0xFFFFFE00  }
0xc4: {  	_ =	swait.ge @!p1 [sflag:s11], $0x200  }
0xc5: {  	[sflag:s11] =	ssyncset.done @!p1 $0x0  }
0xc6: {  	[sflag:s11] =	ssyncadd.s32 @!p1 $0xFFFFFE00  }
0xc7: {  	_ =	swait.ge @!p1 [sflag:s11], $0x200  }
0xc8: {  	[sflag:s11] =	ssyncset.done @!p1 $0x0  }
0xc9: {  	[sflag:s11] =	ssyncadd.s32 @!p1 $0xFFFFFE00  }
0xca: {  	_ =	swait.ge @!p1 [sflag:s11], $0x200  }
0xcb: {  	[sflag:s11] =	ssyncset.done @!p1 $0x0  }
0xcc: {  	[sflag:s11] =	ssyncadd.s32 @!p1 $0xFFFFFE00  }
0xcd: {  	_ =	swait.ge @!p1 [sflag:s11], $0x200  }
0xce: {  	[sflag:s11] =	ssyncset.done @!p1 $0x0  }
0xcf: {  	[sflag:s11] =	ssyncadd.s32 @!p1 $0xFFFFFE00  }
0xd0: {  	_ =	swait.ge @!p1 [sflag:s11], $0x200  }
0xd1: {  	[sflag:s11] =	ssyncset.done @!p1 $0x0  }
0xd2: {  	[sflag:s11] =	ssyncadd.s32 @!p1 $0xFFFFFE00  }
0xd3: {  	_ =	swait.ge @!p1 [sflag:s11], $0x200  }
0xd4: {  	[sflag:s11] =	ssyncset.done @!p1 $0x0  }
0xd5: {  	[sflag:s11] =	ssyncadd.s32 @!p1 $0xFFFFFE00  }
0xd6: {  	_ =	swait.ge @!p1 [sflag:s11], $0x200  }
0xd7: {  	[sflag:s11] =	ssyncset.done @!p1 $0x0  }
0xd8: {  	[sflag:s11] =	ssyncadd.s32 @!p1 $0xFFFFFE00  }
0xd9: {  	_ =	swait.ge @!p1 [sflag:s11], $0x200  }
0xda: {  	[sflag:s11] =	ssyncset.done @!p1 $0x0  }
0xdb: {  	[sflag:s11] =	ssyncadd.s32 @!p1 $0xFFFFFE00  }
0xdc: {  	_ =	swait.ge @!p1 [sflag:s11], $0x200  }
0xdd: {  	[sflag:s11] =	ssyncset.done @!p1 $0x0  }
0xde: {  	[sflag:s11] =	ssyncadd.s32 @!p1 $0xFFFFFE00  }
0xdf: {  	_ =	swait.ge @!p1 [sflag:s11], $0x200  }
0xe0: {  	[sflag:s11] =	ssyncset.done @!p1 $0x0  }
0xe1: {  	[sflag:s11] =	ssyncadd.s32 @!p1 $0xFFFFFE00  }
0xe2: {  	_ =	swait.ge @!p1 [sflag:s11], $0x200  }
0xe3: {  	[sflag:s11] =	ssyncset.done @!p1 $0x0  }
0xe4: {  	s21 =	rddreg [dreg:$0x5];
	[sflag:s11] =	ssyncadd.s32 @!p1 $0xFFFFFE00  }
0xe5: {  	s13 =	sld [smem:s8+$0xFFFFFFFF]  }
0xe6: {  	s30 =	sld [smem:s8+$0xFFFFFFFE]  }
0xe7: {  	s19 =	sld [smem:s8+$0xFFFFFFFB]  }
0xe8: {  	s5 =	smov.u32 s8;
	s10 =	smov.u32 s4;
	s20 =	sld [smem:s8+$0xFFFFFFFC]  }
0xe9: {  	s4 =	sadd.s32 $0x400, s4;
	s9 =	sadd.s32 s10, s21;
	s21 =	sld [smem:s8+$0xFFFFFFFA]  }
0xea: {  	s7 =	sadd.s32 $0x1, s7;
	p0 =	sne.s32 s4, $0x10000;
	s17 =	sld [smem:s8+$0xFFFFFFF9]  }
0xeb: {  	s12 =	sadd.s32 $0x300, s9;
	s11 =	sadd.s32 $0x340, s9;
	s18 =	sld [smem:s5+$0xFFFFFFF8]  }
0xec: {  	s15 =	sshll.u32 s19, $0xB;
	s16 =	sshll.u32 s21, $0xB;
	s19 =	sld [smem:s5+$0x0]  }
0xed: {  	s10 =	sshll.u32 s20, $0xB;
	s17 =	sshll.u32 s17, $0xB;
	s20 =	sld [smem:s5+$0xFFFFFFFD]  }
0xee: {  	s14 =	sshll.u32 s30, $0xB;
	s18 =	sshll.u32 s18, $0xB;
	s30 =	sld [smem:s5+$0x1]  }
0xef: {  	s13 =	sshll.u32 s13, $0xB;
	s21 =	sld [smem:s5+$0x2];
	s18 =	sshra.s32 s18, $0x2  }
0xf0: {  	[hbm4b:s9+s2] =	stream.linear.scatter [tilespmem:s18], [sflag:$0x1], $0x200, $0x38;
	[tilespmem:$0x9880] =	vst v63  }
0xf1: {  	s17 =	sshra.s32 s17, $0x2;
	s16 =	sshra.s32 s16, $0x2;
	s18 =	sadd.s32 $0x40, s9  }
0xf2: {  	[hbm4b:s18+s2] =	stream.linear.scatter [tilespmem:s17], [sflag:$0x1], $0x200, $0x38;
	[tilespmem:$0x9880] =	vst v63  }
0xf3: {  	s15 =	sshra.s32 s15, $0x2;
	s10 =	sshra.s32 s10, $0x2;
	s17 =	sadd.s32 $0x80, s9  }
0xf4: {  	[hbm4b:s17+s2] =	stream.linear.scatter [tilespmem:s16], [sflag:$0x1], $0x200, $0x38;
	[tilespmem:$0x9880] =	vst v63  }
0xf5: {  	s14 =	sshra.s32 s14, $0x2;
	s18 =	sshll.u32 s30, $0xB;
	s30 =	sadd.s32 $0xC0, s9  }
0xf6: {  	[hbm4b:s30+s2] =	stream.linear.scatter [tilespmem:s15], [sflag:$0x1], $0x200, $0x38;
	[tilespmem:$0x9880] =	vst v63  }
0xf7: {  	s13 =	sshra.s32 s13, $0x2;
	s20 =	sshll.u32 s20, $0xB;
	s30 =	sadd.s32 $0x100, s9  }
0xf8: {  	[hbm4b:s30+s2] =	stream.linear.scatter [tilespmem:s10], [sflag:$0x1], $0x200, $0x38;
	[tilespmem:$0x9880] =	vst v63  }
0xf9: {  	s20 =	sshra.s32 s20, $0x2;
	s16 =	sld [smem:s5+$0x3];
	s15 =	sadd.s32 $0x140, s9  }
0xfa: {  	[hbm4b:s15+s2] =	stream.linear.scatter [tilespmem:s20], [sflag:$0x1], $0x200, $0x38;
	[tilespmem:$0x9880] =	vst v63  }
0xfb: {  	s17 =	sshll.u32 s21, $0xB;
	s21 =	sld [smem:s5+$0x4];
	s30 =	sadd.s32 $0x180, s9  }
0xfc: {  	[hbm4b:s30+s2] =	stream.linear.scatter [tilespmem:s14], [sflag:$0x1], $0x200, $0x38;
	[tilespmem:$0x9880] =	vst v63  }
0xfd: {  	s19 =	sshll.u32 s19, $0xB;
	s15 =	sshll.u32 s16, $0xB;
	s16 =	sadd.s32 $0x1C0, s9  }
0xfe: {  	[hbm4b:s16+s2] =	stream.linear.scatter [tilespmem:s13], [sflag:$0x1], $0x200, $0x38;
	[tilespmem:$0x9880] =	vst v63  }
0xff: {  	s20 =	sshll.u32 s21, $0xB;
	s21 =	sadd.s32 $0x200, s9;
	s30 =	sshra.s32 s19, $0x2  }
0x100: {  	[hbm4b:s21+s2] =	stream.linear.scatter [tilespmem:s30], [sflag:$0x1], $0x200, $0x38;
	[tilespmem:$0x9880] =	vst v63  }
0x101: {  	s8 =	sadd.s32 $0x10, s8;
	s19 =	sshra.s32 s18, $0x2;
	s16 =	sadd.s32 $0x240, s9  }
0x102: {  	[hbm4b:s16+s2] =	stream.linear.scatter [tilespmem:s19], [sflag:$0x1], $0x200, $0x38;
	[tilespmem:$0x9880] =	vst v63  }
.Ltmp1:
0x103: {  	s13 =	sshra.s32 s20, $0x2;
	s20 =	sld [smem:s5+$0x5];
	(pc) =	sbr.rel @p0 .LBB2_4-.Ltmp1, $4  }
0x104: {  	s17 =	sshra.s32 s17, $0x2;
	s10 =	sld [smem:s5+$0x6];
	s21 =	sadd.s32 $0x280, s9  }
0x105: {  	[hbm4b:s21+s2] =	stream.linear.scatter [tilespmem:s17], [sflag:$0x1], $0x200, $0x38;
	[tilespmem:$0x9880] =	vst v63  }
0x106: {  	s15 =	sshra.s32 s15, $0x2;
	s30 =	sadd.s32 $0x2C0, s9;
	s14 =	sshll.u32 s20, $0xB  }
0x107: {  	[hbm4b:s30+s2] =	stream.linear.scatter [tilespmem:s15], [sflag:$0x1], $0x200, $0x38;
	[tilespmem:$0x9880] =	vst v63  }
0x108: {  	s4 =	sld [smem:s5+$0x7]  }
0x109: {  	[hbm4b:s12+s2] =	stream.linear.scatter [tilespmem:s13], [sflag:$0x1], $0x200, $0x38;
	[tilespmem:$0x9880] =	vst v63  }
0x10a: {  	s10 =	sshll.u32 s10, $0xB;
	s7 =	sshra.s32 s14, $0x2  }
0x10b: {  	[hbm4b:s11+s2] =	stream.linear.scatter [tilespmem:s7], [sflag:$0x1], $0x200, $0x38;
	[tilespmem:$0x9880] =	vst v63  }
0x10c: {  	s12 =	sadd.s32 $0x380, s9;
	s5 =	sshra.s32 s10, $0x2;
	s4 =	sshll.u32 s4, $0xB  }
0x10d: {  	[hbm4b:s12+s2] =	stream.linear.scatter [tilespmem:s5], [sflag:$0x1], $0x200, $0x38;
	[tilespmem:$0x9880] =	vst v63  }
0x10e: {  	s13 =	sadd.s32 $0x3C0, s9;
	s4 =	sshra.s32 s4, $0x2  }
0x10f: {  	[hbm4b:s13+s2] =	stream.linear.scatter [tilespmem:s4], [sflag:$0x1], $0x200, $0x38;
	[tilespmem:$0x9880] =	vst v63  }
0x110: {  	_ =	swait.ge [sflag:s28], $0x200  }
0x111: {  	[sflag:s28] =	ssyncset.done $0x0  }
0x112: {  	[sflag:s28] =	ssyncadd.s32 $0xFFFFFE00  }
0x113: {  	_ =	swait.ge [sflag:s28], $0x200  }
0x114: {  	[sflag:s28] =	ssyncset.done $0x0  }
0x115: {  	[sflag:s28] =	ssyncadd.s32 $0xFFFFFE00  }
0x116: {  	_ =	swait.ge [sflag:s28], $0x200  }
0x117: {  	[sflag:s28] =	ssyncset.done $0x0  }
0x118: {  	[sflag:s28] =	ssyncadd.s32 $0xFFFFFE00  }
0x119: {  	_ =	swait.ge [sflag:s28], $0x200  }
0x11a: {  	[sflag:s28] =	ssyncset.done $0x0  }
0x11b: {  	[sflag:s28] =	ssyncadd.s32 $0xFFFFFE00  }
0x11c: {  	_ =	swait.ge [sflag:s28], $0x200  }
0x11d: {  	[sflag:s28] =	ssyncset.done $0x0  }
0x11e: {  	[sflag:s28] =	ssyncadd.s32 $0xFFFFFE00  }
0x11f: {  	_ =	swait.ge [sflag:s28], $0x200  }
0x120: {  	[sflag:s28] =	ssyncset.done $0x0  }
0x121: {  	[sflag:s28] =	ssyncadd.s32 $0xFFFFFE00  }
0x122: {  	_ =	swait.ge [sflag:s28], $0x200  }
0x123: {  	[sflag:s28] =	ssyncset.done $0x0  }
0x124: {  	[sflag:s28] =	ssyncadd.s32 $0xFFFFFE00  }
0x125: {  	_ =	swait.ge [sflag:s28], $0x200  }
0x126: {  	[sflag:s28] =	ssyncset.done $0x0  }
0x127: {  	[sflag:s28] =	ssyncadd.s32 $0xFFFFFE00  }
0x128: {  	_ =	swait.ge [sflag:s28], $0x200  }
0x129: {  	[sflag:s28] =	ssyncset.done $0x0  }
0x12a: {  	[sflag:s28] =	ssyncadd.s32 $0xFFFFFE00  }
0x12b: {  	_ =	swait.ge [sflag:s28], $0x200  }
0x12c: {  	[sflag:s28] =	ssyncset.done $0x0  }
0x12d: {  	[sflag:s28] =	ssyncadd.s32 $0xFFFFFE00  }
0x12e: {  	_ =	swait.ge [sflag:s28], $0x200  }
0x12f: {  	[sflag:s28] =	ssyncset.done $0x0  }
0x130: {  	[sflag:s28] =	ssyncadd.s32 $0xFFFFFE00  }
0x131: {  	_ =	swait.ge [sflag:s28], $0x200  }
0x132: {  	[sflag:s28] =	ssyncset.done $0x0  }
0x133: {  	[sflag:s28] =	ssyncadd.s32 $0xFFFFFE00  }
0x134: {  	_ =	swait.ge [sflag:s28], $0x200  }
0x135: {  	[sflag:s28] =	ssyncset.done $0x0  }
0x136: {  	[sflag:s28] =	ssyncadd.s32 $0xFFFFFE00  }
0x137: {  	_ =	swait.ge [sflag:s28], $0x200  }
0x138: {  	[sflag:s28] =	ssyncset.done $0x0  }
0x139: {  	[sflag:s28] =	ssyncadd.s32 $0xFFFFFE00  }
0x13a: {  	_ =	swait.ge [sflag:s28], $0x200  }
0x13b: {  	[sflag:s28] =	ssyncset.done $0x0  }
0x13c: {  	[sflag:s28] =	ssyncadd.s32 $0xFFFFFE00  }
0x13d: {  	_ =	swait.ge [sflag:s28], $0x200  }
0x13e: {  	[sflag:s28] =	ssyncset.done $0x0  }
0x13f: {  	[sflag:s28] =	ssyncadd.s32 $0xFFFFFE00  }
0x140: {  	_ =	swait.ge [sflag:s28], $0x200  }
0x141: {  	[sflag:s28] =	ssyncset.done $0x0  }
0x142: {  	[sflag:s28] =	ssyncadd.s32 $0xFFFFFE00  }
0x143: {  	_ =	swait.ge [sflag:s28], $0x200  }
0x144: {  	[sflag:s28] =	ssyncset.done $0x0  }
0x145: {  	[sflag:s28] =	ssyncadd.s32 $0xFFFFFE00  }
0x146: {  	_ =	swait.ge [sflag:s28], $0x200  }
0x147: {  	[sflag:s28] =	ssyncset.done $0x0  }
0x148: {  	[sflag:s28] =	ssyncadd.s32 $0xFFFFFE00  }
0x149: {  	_ =	swait.ge [sflag:s28], $0x200  }
0x14a: {  	[sflag:s28] =	ssyncset.done $0x0  }
0x14b: {  	[sflag:s28] =	ssyncadd.s32 $0xFFFFFE00  }
0x14c: {  	_ =	swait.ge [sflag:s28], $0x200  }
0x14d: {  	[sflag:s28] =	ssyncset.done $0x0  }
0x14e: {  	[sflag:s28] =	ssyncadd.s32 $0xFFFFFE00  }
0x14f: {  	_ =	swait.ge [sflag:s28], $0x200  }
0x150: {  	[sflag:s28] =	ssyncset.done $0x0  }
0x151: {  	[sflag:s28] =	ssyncadd.s32 $0xFFFFFE00  }
0x152: {  	_ =	swait.ge [sflag:s28], $0x200  }
0x153: {  	[sflag:s28] =	ssyncset.done $0x0  }
0x154: {  	[sflag:s28] =	ssyncadd.s32 $0xFFFFFE00  }
0x155: {  	_ =	swait.ge [sflag:s28], $0x200  }
0x156: {  	[sflag:s28] =	ssyncset.done $0x0  }
0x157: {  	[sflag:s28] =	ssyncadd.s32 $0xFFFFFE00  }
0x158: {  	_ =	swait.ge [sflag:s28], $0x200  }
0x159: {  	[sflag:s28] =	ssyncset.done $0x0  }
0x15a: {  	[sflag:s28] =	ssyncadd.s32 $0xFFFFFE00  }
0x15b: {  	_ =	swait.ge [sflag:s28], $0x200  }
0x15c: {  	[sflag:s28] =	ssyncset.done $0x0  }
0x15d: {  	[sflag:s28] =	ssyncadd.s32 $0xFFFFFE00  }
0x15e: {  	_ =	swait.ge [sflag:s28], $0x200  }
0x15f: {  	[sflag:s28] =	ssyncset.done $0x0  }
0x160: {  	[sflag:s28] =	ssyncadd.s32 $0xFFFFFE00  }
0x161: {  	_ =	swait.ge [sflag:s28], $0x200  }
0x162: {  	[sflag:s28] =	ssyncset.done $0x0  }
0x163: {  	[sflag:s28] =	ssyncadd.s32 $0xFFFFFE00  }
0x164: {  	_ =	swait.ge [sflag:s28], $0x200  }
0x165: {  	[sflag:s28] =	ssyncset.done $0x0  }
0x166: {  	[sflag:s28] =	ssyncadd.s32 $0xFFFFFE00  }
0x167: {  	_ =	swait.ge [sflag:s28], $0x200  }
0x168: {  	[sflag:s28] =	ssyncset.done $0x0  }
0x169: {  	[sflag:s28] =	ssyncadd.s32 $0xFFFFFE00  }
0x16a: {  	_ =	swait.ge [sflag:s28], $0x200  }
0x16b: {  	[sflag:s28] =	ssyncset.done $0x0  }
0x16c: {  	[sflag:s28] =	ssyncadd.s32 $0xFFFFFE00  }
0x16d: {  	_ =	swait.ge [sflag:s28], $0x200  }
0x16e: {  	[sflag:s28] =	ssyncset.done $0x0  }
0x16f: {  	s14 =	simm.s32 $0x0;
	s15 =	rddreg [dreg:$0x9];
	[sflag:s28] =	ssyncadd.s32 $0xFFFFFE00  }
0x170: {  	[smem:s14], [sflag:$0x2] =	stream.linear.gather [spmem:s15], $0x80, $0x38;
	[tilespmem:$0x9880] =	vst v63  }
0x171: {  	s4 =	rddreg [dreg:$0x12]  }
0x172: {  	[smem:s26], [sflag:$0x2] =	stream.linear.gather [spmem:s4], $0x80, $0x38;
	[tilespmem:$0x9880] =	vst v63  }
0x173: {  	s16 =	simm.s32 $0x100;
	s4 =	rddreg [dreg:$0x13]  }
0x174: {  	[smem:s16], [sflag:$0x2] =	stream.linear.gather [spmem:s4], $0x80, $0x38;
	[tilespmem:$0x9880] =	vst v63  }
0x175: {  	s4 =	rddreg [dreg:$0x14]  }
0x176: {  	[smem:s31], [sflag:$0x2] =	stream.linear.gather [spmem:s4], $0x80, $0x38;
	[tilespmem:$0x9880] =	vst v63  }
0x177: {  	s4 =	rddreg [dreg:$0x15]  }
0x178: {  	[smem:s0], [sflag:$0x2] =	stream.linear.gather [spmem:s4], $0x80, $0x38;
	[tilespmem:$0x9880] =	vst v63  }
0x179: {  	s4 =	rddreg [dreg:$0x16]  }
0x17a: {  	[smem:s3], [sflag:$0x2] =	stream.linear.gather [spmem:s4], $0x80, $0x38;
	[tilespmem:$0x9880] =	vst v63  }
0x17b: {  	s4 =	rddreg [dreg:$0x17]  }
0x17c: {  	[smem:s1], [sflag:$0x2] =	stream.linear.gather [spmem:s4], $0x80, $0x38;
	[tilespmem:$0x9880] =	vst v63  }
0x17d: {  	_ = 	snop  }
0x17e: {  	[smem:s25], [sflag:$0x2] =	stream.linear.gather [spmem:s22], $0x80, $0x38;
	[tilespmem:$0x9880] =	vst v63  }
0x17f: {  	_ =	swait.ge [sflag:s24], $0x400  }
0x180: {  	p0 =	por $0x1, $0x1;
	[sflag:s24] =	ssyncset.done $0x0  }
0x181: {  	s4 =	simm.s32 @!p0 $0x1;
	[sflag:s24] =	ssyncadd.s32 $0xFFFFFC00  }
0x182: {  	_ =	swait.ge @!p0 [sflag:s4], $0x200  }
0x183: {  	[sflag:s4] =	ssyncset.done @!p0 $0x0  }
0x184: {  	[sflag:s4] =	ssyncadd.s32 @!p0 $0xFFFFFE00  }
0x185: {  	_ =	swait.ge @!p0 [sflag:s4], $0x200  }
0x186: {  	[sflag:s4] =	ssyncset.done @!p0 $0x0  }
0x187: {  	[sflag:s4] =	ssyncadd.s32 @!p0 $0xFFFFFE00  }
0x188: {  	_ =	swait.ge @!p0 [sflag:s4], $0x200  }
0x189: {  	[sflag:s4] =	ssyncset.done @!p0 $0x0  }
0x18a: {  	[sflag:s4] =	ssyncadd.s32 @!p0 $0xFFFFFE00  }
0x18b: {  	_ =	swait.ge @!p0 [sflag:s4], $0x200  }
0x18c: {  	[sflag:s4] =	ssyncset.done @!p0 $0x0  }
0x18d: {  	[sflag:s4] =	ssyncadd.s32 @!p0 $0xFFFFFE00  }
0x18e: {  	_ =	swait.ge @!p0 [sflag:s4], $0x200  }
0x18f: {  	[sflag:s4] =	ssyncset.done @!p0 $0x0  }
0x190: {  	[sflag:s4] =	ssyncadd.s32 @!p0 $0xFFFFFE00  }
0x191: {  	_ =	swait.ge @!p0 [sflag:s4], $0x200  }
0x192: {  	[sflag:s4] =	ssyncset.done @!p0 $0x0  }
0x193: {  	[sflag:s4] =	ssyncadd.s32 @!p0 $0xFFFFFE00  }
0x194: {  	_ =	swait.ge @!p0 [sflag:s4], $0x200  }
0x195: {  	[sflag:s4] =	ssyncset.done @!p0 $0x0  }
0x196: {  	[sflag:s4] =	ssyncadd.s32 @!p0 $0xFFFFFE00  }
0x197: {  	_ =	swait.ge @!p0 [sflag:s4], $0x200  }
0x198: {  	[sflag:s4] =	ssyncset.done @!p0 $0x0  }
0x199: {  	[sflag:s4] =	ssyncadd.s32 @!p0 $0xFFFFFE00  }
0x19a: {  	_ =	swait.ge @!p0 [sflag:s4], $0x200  }
0x19b: {  	[sflag:s4] =	ssyncset.done @!p0 $0x0  }
0x19c: {  	[sflag:s4] =	ssyncadd.s32 @!p0 $0xFFFFFE00  }
0x19d: {  	_ =	swait.ge @!p0 [sflag:s4], $0x200  }
0x19e: {  	[sflag:s4] =	ssyncset.done @!p0 $0x0  }
0x19f: {  	[sflag:s4] =	ssyncadd.s32 @!p0 $0xFFFFFE00  }
0x1a0: {  	_ =	swait.ge @!p0 [sflag:s4], $0x200  }
0x1a1: {  	[sflag:s4] =	ssyncset.done @!p0 $0x0  }
0x1a2: {  	[sflag:s4] =	ssyncadd.s32 @!p0 $0xFFFFFE00  }
0x1a3: {  	_ =	swait.ge @!p0 [sflag:s4], $0x200  }
0x1a4: {  	[sflag:s4] =	ssyncset.done @!p0 $0x0  }
0x1a5: {  	[sflag:s4] =	ssyncadd.s32 @!p0 $0xFFFFFE00  }
0x1a6: {  	_ =	swait.ge @!p0 [sflag:s4], $0x200  }
0x1a7: {  	[sflag:s4] =	ssyncset.done @!p0 $0x0  }
0x1a8: {  	[sflag:s4] =	ssyncadd.s32 @!p0 $0xFFFFFE00  }
0x1a9: {  	_ =	swait.ge @!p0 [sflag:s4], $0x200  }
0x1aa: {  	[sflag:s4] =	ssyncset.done @!p0 $0x0  }
0x1ab: {  	[sflag:s4] =	ssyncadd.s32 @!p0 $0xFFFFFE00  }
0x1ac: {  	_ =	swait.ge @!p0 [sflag:s4], $0x200  }
0x1ad: {  	[sflag:s4] =	ssyncset.done @!p0 $0x0  }
0x1ae: {  	[sflag:s4] =	ssyncadd.s32 @!p0 $0xFFFFFE00  }
0x1af: {  	_ =	swait.ge @!p0 [sflag:s4], $0x200  }
0x1b0: {  	[sflag:s4] =	ssyncset.done @!p0 $0x0  }
0x1b1: {  	s17 =	rddreg [dreg:$0x6];
	[sflag:s4] =	ssyncadd.s32 @!p0 $0xFFFFFE00  }
0x1b2: {  	s7 =	sld [smem:$0x7]  }
0x1b3: {  	s5 =	sld [smem:$0x6]  }
0x1b4: {  	s8 =	sld [smem:$0x3]  }
0x1b5: {  	s10 =	sld [smem:$0x4]  }
0x1b6: {  	s18 =	sld [smem:$0x2]  }
0x1b7: {  	s9 =	sadd.s32 $0x0, s17;
	s19 =	sld [smem:$0x1]  }
0x1b8: {  	s30 =	sadd.s32 $0x40, s9;
	s20 =	sld [smem:$0x0]  }
0x1b9: {  	s17 =	sadd.s32 $0x80, s9;
	s7 =	sshll.u32 s7, $0xB;
	s14 =	sld [smem:$0x8]  }
0x1ba: {  	s5 =	sshll.u32 s5, $0xB;
	s7 =	sshra.s32 s7, $0x2;
	s15 =	sld [smem:$0x5]  }
0x1bb: {  	s5 =	sshra.s32 s5, $0x2;
	s21 =	sshll.u32 s20, $0xB;
	s13 =	sld [smem:$0x9]  }
0x1bc: {  	s12 =	sshll.u32 s19, $0xB;
	s4 =	sshra.s32 s21, $0x2;
	s16 =	sld [smem:$0xA]  }
0x1bd: {  	[hbm4b:s9+s2] =	stream.linear.scatter [tilespmem:s4], [sflag:$0x1], $0x200, $0x38;
	[tilespmem:$0x9880] =	vst v63  }
0x1be: {  	s19 =	sshll.u32 s10, $0xB;
	s12 =	sshra.s32 s12, $0x2;
	s21 =	sadd.s32 $0xC0, s9  }
0x1bf: {  	[hbm4b:s30+s2] =	stream.linear.scatter [tilespmem:s12], [sflag:$0x1], $0x200, $0x38;
	[tilespmem:$0x9880] =	vst v63  }
0x1c0: {  	s20 =	sshll.u32 s15, $0xB;
	s12 =	sshll.u32 s18, $0xB;
	s18 =	sshll.u32 s8, $0xB  }
0x1c1: {  	s30 =	sadd.s32 $0x100, s9;
	s8 =	sshra.s32 s19, $0x2;
	s4 =	sshra.s32 s12, $0x2  }
0x1c2: {  	[hbm4b:s17+s2] =	stream.linear.scatter [tilespmem:s4], [sflag:$0x1], $0x200, $0x38;
	[tilespmem:$0x9880] =	vst v63  }
0x1c3: {  	s19 =	sshll.u32 s14, $0xB;
	s12 =	sadd.s32 $0x140, s9;
	s4 =	sshra.s32 s18, $0x2  }
0x1c4: {  	[hbm4b:s21+s2] =	stream.linear.scatter [tilespmem:s4], [sflag:$0x1], $0x200, $0x38;
	[tilespmem:$0x9880] =	vst v63  }
0x1c5: {  	s17 =	sshra.s32 s20, $0x2;
	s20 =	sshll.u32 s13, $0xB;
	s11 =	sld [smem:$0xB]  }
0x1c6: {  	[hbm4b:s30+s2] =	stream.linear.scatter [tilespmem:s8], [sflag:$0x1], $0x200, $0x38;
	[tilespmem:$0x9880] =	vst v63  }
0x1c7: {  	s18 =	sadd.s32 $0x180, s9;
	s10 =	sshra.s32 s20, $0x2;
	s15 =	sld [smem:$0xC]  }
0x1c8: {  	[hbm4b:s12+s2] =	stream.linear.scatter [tilespmem:s17], [sflag:$0x1], $0x200, $0x38;
	[tilespmem:$0x9880] =	vst v63  }
0x1c9: {  	s4 =	simm.s32 $0x400;
	s21 =	sshll.u32 s16, $0xB;
	s16 =	sadd.s32 $0x200, s9  }
0x1ca: {  	[hbm4b:s18+s2] =	stream.linear.scatter [tilespmem:s5], [sflag:$0x1], $0x200, $0x38;
	[tilespmem:$0x9880] =	vst v63  }
0x1cb: {  	s30 =	sadd.s32 $0x1C0, s9;
	s8 =	sshra.s32 s19, $0x2;
	s19 =	sadd.s32 $0x280, s9  }
0x1cc: {  	[hbm4b:s30+s2] =	stream.linear.scatter [tilespmem:s7], [sflag:$0x1], $0x200, $0x38;
	[tilespmem:$0x9880] =	vst v63  }
0x1cd: {  	s20 =	sshra.s32 s21, $0x2;
	s21 =	sadd.s32 $0x2C0, s9;
	s17 =	sadd.s32 $0x240, s9  }
0x1ce: {  	[hbm4b:s16+s2] =	stream.linear.scatter [tilespmem:s8], [sflag:$0x1], $0x200, $0x38;
	[tilespmem:$0x9880] =	vst v63  }
0x1cf: {  	s12 =	sadd.s32 $0x300, s9;
	s5 =	simm.s32 $0x8;
	s18 =	sld [smem:$0xD]  }
0x1d0: {  	[hbm4b:s17+s2] =	stream.linear.scatter [tilespmem:s10], [sflag:$0x1], $0x200, $0x38;
	[tilespmem:$0x9880] =	vst v63  }
0x1d1: {  	s14 =	sshll.u32 s11, $0xB;
	s30 =	sshll.u32 s15, $0xB;
	s10 =	sld [smem:$0xE]  }
0x1d2: {  	[hbm4b:s19+s2] =	stream.linear.scatter [tilespmem:s20], [sflag:$0x1], $0x200, $0x38;
	[tilespmem:$0x9880] =	vst v63  }
0x1d3: {  	s11 =	sadd.s32 $0x340, s9;
	s7 =	sshra.s32 s14, $0x2;
	s13 =	sshra.s32 s30, $0x2  }
0x1d4: {  	[hbm4b:s21+s2] =	stream.linear.scatter [tilespmem:s7], [sflag:$0x1], $0x200, $0x38;
	[tilespmem:$0x9880] =	vst v63  }
0x1d5: {  	s8 =	simm.s32 $0x18;
	s7 =	simm.s32 $0x1;
	s14 =	sshll.u32 s18, $0xB  }
.LBB2_6:
0x1d6: {  	s16 =	sld [smem:s5+$0x7]  }
0x1d7: {  	[hbm4b:s12+s2] =	stream.linear.scatter [tilespmem:s13], [sflag:$0x1], $0x200, $0x38;
	[tilespmem:$0x9880] =	vst v63  }
0x1d8: {  	s13 =	sshra.s32 s14, $0x2;
	s14 =	sadd.s32 $0x380, s9;
	s15 =	sshll.u32 s10, $0xB  }
0x1d9: {  	[hbm4b:s11+s2] =	stream.linear.scatter [tilespmem:s13], [sflag:$0x1], $0x200, $0x38;
	[tilespmem:$0x9880] =	vst v63  }
0x1da: {  	p1 =	slt.u32 s7, $0x2;
	s17 =	sshra.s32 s15, $0x2;
	s18 =	sshll.u32 s16, $0xB  }
0x1db: {  	[hbm4b:s14+s2] =	stream.linear.scatter [tilespmem:s17], [sflag:$0x1], $0x200, $0x38;
	[tilespmem:$0x9880] =	vst v63  }
0x1dc: {  	s19 =	sadd.s32 $0x3C0, s9;
	s11 =	simm.s32 @!p1 $0x1;
	s12 =	sshra.s32 s18, $0x2  }
0x1dd: {  	[hbm4b:s19+s2] =	stream.linear.scatter [tilespmem:s12], [sflag:$0x1], $0x200, $0x38;
	[tilespmem:$0x9880] =	vst v63  }
0x1de: {  	_ =	swait.ge @!p1 [sflag:s11], $0x200  }
0x1df: {  	[sflag:s11] =	ssyncset.done @!p1 $0x0  }
0x1e0: {  	[sflag:s11] =	ssyncadd.s32 @!p1 $0xFFFFFE00  }
0x1e1: {  	_ =	swait.ge @!p1 [sflag:s11], $0x200  }
0x1e2: {  	[sflag:s11] =	ssyncset.done @!p1 $0x0  }
0x1e3: {  	[sflag:s11] =	ssyncadd.s32 @!p1 $0xFFFFFE00  }
0x1e4: {  	_ =	swait.ge @!p1 [sflag:s11], $0x200  }
0x1e5: {  	[sflag:s11] =	ssyncset.done @!p1 $0x0  }
0x1e6: {  	[sflag:s11] =	ssyncadd.s32 @!p1 $0xFFFFFE00  }
0x1e7: {  	_ =	swait.ge @!p1 [sflag:s11], $0x200  }
0x1e8: {  	[sflag:s11] =	ssyncset.done @!p1 $0x0  }
0x1e9: {  	[sflag:s11] =	ssyncadd.s32 @!p1 $0xFFFFFE00  }
0x1ea: {  	_ =	swait.ge @!p1 [sflag:s11], $0x200  }
0x1eb: {  	[sflag:s11] =	ssyncset.done @!p1 $0x0  }
0x1ec: {  	[sflag:s11] =	ssyncadd.s32 @!p1 $0xFFFFFE00  }
0x1ed: {  	_ =	swait.ge @!p1 [sflag:s11], $0x200  }
0x1ee: {  	[sflag:s11] =	ssyncset.done @!p1 $0x0  }
0x1ef: {  	[sflag:s11] =	ssyncadd.s32 @!p1 $0xFFFFFE00  }
0x1f0: {  	_ =	swait.ge @!p1 [sflag:s11], $0x200  }
0x1f1: {  	[sflag:s11] =	ssyncset.done @!p1 $0x0  }
0x1f2: {  	[sflag:s11] =	ssyncadd.s32 @!p1 $0xFFFFFE00  }
0x1f3: {  	_ =	swait.ge @!p1 [sflag:s11], $0x200  }
0x1f4: {  	[sflag:s11] =	ssyncset.done @!p1 $0x0  }
0x1f5: {  	[sflag:s11] =	ssyncadd.s32 @!p1 $0xFFFFFE00  }
0x1f6: {  	_ =	swait.ge @!p1 [sflag:s11], $0x200  }
0x1f7: {  	[sflag:s11] =	ssyncset.done @!p1 $0x0  }
0x1f8: {  	[sflag:s11] =	ssyncadd.s32 @!p1 $0xFFFFFE00  }
0x1f9: {  	_ =	swait.ge @!p1 [sflag:s11], $0x200  }
0x1fa: {  	[sflag:s11] =	ssyncset.done @!p1 $0x0  }
0x1fb: {  	[sflag:s11] =	ssyncadd.s32 @!p1 $0xFFFFFE00  }
0x1fc: {  	_ =	swait.ge @!p1 [sflag:s11], $0x200  }
0x1fd: {  	[sflag:s11] =	ssyncset.done @!p1 $0x0  }
0x1fe: {  	[sflag:s11] =	ssyncadd.s32 @!p1 $0xFFFFFE00  }
0x1ff: {  	_ =	swait.ge @!p1 [sflag:s11], $0x200  }
0x200: {  	[sflag:s11] =	ssyncset.done @!p1 $0x0  }
0x201: {  	[sflag:s11] =	ssyncadd.s32 @!p1 $0xFFFFFE00  }
0x202: {  	_ =	swait.ge @!p1 [sflag:s11], $0x200  }
0x203: {  	[sflag:s11] =	ssyncset.done @!p1 $0x0  }
0x204: {  	[sflag:s11] =	ssyncadd.s32 @!p1 $0xFFFFFE00  }
0x205: {  	_ =	swait.ge @!p1 [sflag:s11], $0x200  }
0x206: {  	[sflag:s11] =	ssyncset.done @!p1 $0x0  }
0x207: {  	[sflag:s11] =	ssyncadd.s32 @!p1 $0xFFFFFE00  }
0x208: {  	_ =	swait.ge @!p1 [sflag:s11], $0x200  }
0x209: {  	[sflag:s11] =	ssyncset.done @!p1 $0x0  }
0x20a: {  	[sflag:s11] =	ssyncadd.s32 @!p1 $0xFFFFFE00  }
0x20b: {  	_ =	swait.ge @!p1 [sflag:s11], $0x200  }
0x20c: {  	[sflag:s11] =	ssyncset.done @!p1 $0x0  }
0x20d: {  	s20 =	rddreg [dreg:$0x6];
	[sflag:s11] =	ssyncadd.s32 @!p1 $0xFFFFFE00  }
0x20e: {  	s21 =	sld [smem:s8+$0xFFFFFFFF]  }
0x20f: {  	s30 =	sld [smem:s8+$0xFFFFFFFE]  }
0x210: {  	s18 =	sld [smem:s8+$0xFFFFFFFB]  }
0x211: {  	s5 =	smov.u32 s8;
	s10 =	smov.u32 s4;
	s19 =	sld [smem:s8+$0xFFFFFFFC]  }
0x212: {  	s4 =	sadd.s32 $0x400, s4;
	s9 =	sadd.s32 s10, s20;
	s20 =	sld [smem:s8+$0xFFFFFFFA]  }
0x213: {  	s7 =	sadd.s32 $0x1, s7;
	p0 =	sne.s32 s4, $0x10000;
	s17 =	sld [smem:s8+$0xFFFFFFF9]  }
0x214: {  	s12 =	sadd.s32 $0x300, s9;
	s15 =	sshll.u32 s18, $0xB;
	s18 =	sld [smem:s5+$0xFFFFFFF8]  }
0x215: {  	s11 =	sadd.s32 $0x340, s9;
	s10 =	sshll.u32 s19, $0xB;
	s19 =	sld [smem:s5+$0x0]  }
0x216: {  	s16 =	sshll.u32 s20, $0xB;
	s17 =	sshll.u32 s17, $0xB;
	s20 =	sld [smem:s5+$0xFFFFFFFD]  }
0x217: {  	s13 =	sshll.u32 s21, $0xB;
	s21 =	sld [smem:s5+$0x1];
	s18 =	sshll.u32 s18, $0xB  }
0x218: {  	s14 =	sshll.u32 s30, $0xB;
	s30 =	sld [smem:s5+$0x2];
	s18 =	sshra.s32 s18, $0x2  }
0x219: {  	[hbm4b:s9+s2] =	stream.linear.scatter [tilespmem:s18], [sflag:$0x1], $0x200, $0x38;
	[tilespmem:$0x9880] =	vst v63  }
0x21a: {  	s17 =	sshra.s32 s17, $0x2;
	s16 =	sshra.s32 s16, $0x2;
	s18 =	sadd.s32 $0x40, s9  }
0x21b: {  	[hbm4b:s18+s2] =	stream.linear.scatter [tilespmem:s17], [sflag:$0x1], $0x200, $0x38;
	[tilespmem:$0x9880] =	vst v63  }
0x21c: {  	s15 =	sshra.s32 s15, $0x2;
	s10 =	sshra.s32 s10, $0x2;
	s17 =	sadd.s32 $0x80, s9  }
0x21d: {  	[hbm4b:s17+s2] =	stream.linear.scatter [tilespmem:s16], [sflag:$0x1], $0x200, $0x38;
	[tilespmem:$0x9880] =	vst v63  }
0x21e: {  	s14 =	sshra.s32 s14, $0x2;
	s18 =	sshll.u32 s21, $0xB;
	s21 =	sadd.s32 $0xC0, s9  }
0x21f: {  	[hbm4b:s21+s2] =	stream.linear.scatter [tilespmem:s15], [sflag:$0x1], $0x200, $0x38;
	[tilespmem:$0x9880] =	vst v63  }
0x220: {  	s20 =	sshll.u32 s20, $0xB;
	s17 =	sshll.u32 s30, $0xB;
	s30 =	sadd.s32 $0x100, s9  }
0x221: {  	[hbm4b:s30+s2] =	stream.linear.scatter [tilespmem:s10], [sflag:$0x1], $0x200, $0x38;
	[tilespmem:$0x9880] =	vst v63  }
0x222: {  	s20 =	sshra.s32 s20, $0x2;
	s16 =	sld [smem:s5+$0x3];
	s15 =	sadd.s32 $0x140, s9  }
0x223: {  	[hbm4b:s15+s2] =	stream.linear.scatter [tilespmem:s20], [sflag:$0x1], $0x200, $0x38;
	[tilespmem:$0x9880] =	vst v63  }
0x224: {  	s13 =	sshra.s32 s13, $0x2;
	s21 =	sld [smem:s5+$0x4];
	s30 =	sadd.s32 $0x180, s9  }
0x225: {  	[hbm4b:s30+s2] =	stream.linear.scatter [tilespmem:s14], [sflag:$0x1], $0x200, $0x38;
	[tilespmem:$0x9880] =	vst v63  }
0x226: {  	s19 =	sshll.u32 s19, $0xB;
	s15 =	sshll.u32 s16, $0xB;
	s16 =	sadd.s32 $0x1C0, s9  }
0x227: {  	[hbm4b:s16+s2] =	stream.linear.scatter [tilespmem:s13], [sflag:$0x1], $0x200, $0x38;
	[tilespmem:$0x9880] =	vst v63  }
0x228: {  	s20 =	sshll.u32 s21, $0xB;
	s21 =	sadd.s32 $0x200, s9;
	s30 =	sshra.s32 s19, $0x2  }
0x229: {  	[hbm4b:s21+s2] =	stream.linear.scatter [tilespmem:s30], [sflag:$0x1], $0x200, $0x38;
	[tilespmem:$0x9880] =	vst v63  }
0x22a: {  	s8 =	sadd.s32 $0x10, s8;
	s19 =	sshra.s32 s18, $0x2;
	s16 =	sadd.s32 $0x240, s9  }
0x22b: {  	[hbm4b:s16+s2] =	stream.linear.scatter [tilespmem:s19], [sflag:$0x1], $0x200, $0x38;
	[tilespmem:$0x9880] =	vst v63  }
.Ltmp2:
0x22c: {  	s13 =	sshra.s32 s20, $0x2;
	s20 =	sld [smem:s5+$0x5];
	(pc) =	sbr.rel @p0 .LBB2_6-.Ltmp2, $4  }
0x22d: {  	s17 =	sshra.s32 s17, $0x2;
	s10 =	sld [smem:s5+$0x6];
	s21 =	sadd.s32 $0x280, s9  }
0x22e: {  	[hbm4b:s21+s2] =	stream.linear.scatter [tilespmem:s17], [sflag:$0x1], $0x200, $0x38;
	[tilespmem:$0x9880] =	vst v63  }
0x22f: {  	s15 =	sshra.s32 s15, $0x2;
	s30 =	sadd.s32 $0x2C0, s9;
	s14 =	sshll.u32 s20, $0xB  }
0x230: {  	[hbm4b:s30+s2] =	stream.linear.scatter [tilespmem:s15], [sflag:$0x1], $0x200, $0x38;
	[tilespmem:$0x9880] =	vst v63  }
0x231: {  	s4 =	sld [smem:s5+$0x7]  }
0x232: {  	[hbm4b:s12+s2] =	stream.linear.scatter [tilespmem:s13], [sflag:$0x1], $0x200, $0x38;
	[tilespmem:$0x9880] =	vst v63  }
0x233: {  	s19 =	sshll.u32 s10, $0xB;
	s7 =	sshra.s32 s14, $0x2  }
0x234: {  	[hbm4b:s11+s2] =	stream.linear.scatter [tilespmem:s7], [sflag:$0x1], $0x200, $0x38;
	[tilespmem:$0x9880] =	vst v63  }
0x235: {  	s20 =	sadd.s32 $0x380, s9;
	s5 =	sshra.s32 s19, $0x2;
	s4 =	sshll.u32 s4, $0xB  }
0x236: {  	[hbm4b:s20+s2] =	stream.linear.scatter [tilespmem:s5], [sflag:$0x1], $0x200, $0x38;
	[tilespmem:$0x9880] =	vst v63  }
0x237: {  	s21 =	sadd.s32 $0x3C0, s9;
	s4 =	sshra.s32 s4, $0x2  }
0x238: {  	[hbm4b:s21+s2] =	stream.linear.scatter [tilespmem:s4], [sflag:$0x1], $0x200, $0x38;
	[tilespmem:$0x9880] =	vst v63  }
0x239: {  	_ =	swait.ge [sflag:s28], $0x200  }
0x23a: {  	[sflag:s28] =	ssyncset.done $0x0  }
0x23b: {  	[sflag:s28] =	ssyncadd.s32 $0xFFFFFE00  }
0x23c: {  	_ =	swait.ge [sflag:s28], $0x200  }
0x23d: {  	[sflag:s28] =	ssyncset.done $0x0  }
0x23e: {  	[sflag:s28] =	ssyncadd.s32 $0xFFFFFE00  }
0x23f: {  	_ =	swait.ge [sflag:s28], $0x200  }
0x240: {  	[sflag:s28] =	ssyncset.done $0x0  }
0x241: {  	[sflag:s28] =	ssyncadd.s32 $0xFFFFFE00  }
0x242: {  	_ =	swait.ge [sflag:s28], $0x200  }
0x243: {  	[sflag:s28] =	ssyncset.done $0x0  }
0x244: {  	[sflag:s28] =	ssyncadd.s32 $0xFFFFFE00  }
0x245: {  	_ =	swait.ge [sflag:s28], $0x200  }
0x246: {  	[sflag:s28] =	ssyncset.done $0x0  }
0x247: {  	[sflag:s28] =	ssyncadd.s32 $0xFFFFFE00  }
0x248: {  	_ =	swait.ge [sflag:s28], $0x200  }
0x249: {  	[sflag:s28] =	ssyncset.done $0x0  }
0x24a: {  	[sflag:s28] =	ssyncadd.s32 $0xFFFFFE00  }
0x24b: {  	_ =	swait.ge [sflag:s28], $0x200  }
0x24c: {  	[sflag:s28] =	ssyncset.done $0x0  }
0x24d: {  	[sflag:s28] =	ssyncadd.s32 $0xFFFFFE00  }
0x24e: {  	_ =	swait.ge [sflag:s28], $0x200  }
0x24f: {  	[sflag:s28] =	ssyncset.done $0x0  }
0x250: {  	[sflag:s28] =	ssyncadd.s32 $0xFFFFFE00  }
0x251: {  	_ =	swait.ge [sflag:s28], $0x200  }
0x252: {  	[sflag:s28] =	ssyncset.done $0x0  }
0x253: {  	[sflag:s28] =	ssyncadd.s32 $0xFFFFFE00  }
0x254: {  	_ =	swait.ge [sflag:s28], $0x200  }
0x255: {  	[sflag:s28] =	ssyncset.done $0x0  }
0x256: {  	[sflag:s28] =	ssyncadd.s32 $0xFFFFFE00  }
0x257: {  	_ =	swait.ge [sflag:s28], $0x200  }
0x258: {  	[sflag:s28] =	ssyncset.done $0x0  }
0x259: {  	[sflag:s28] =	ssyncadd.s32 $0xFFFFFE00  }
0x25a: {  	_ =	swait.ge [sflag:s28], $0x200  }
0x25b: {  	[sflag:s28] =	ssyncset.done $0x0  }
0x25c: {  	[sflag:s28] =	ssyncadd.s32 $0xFFFFFE00  }
0x25d: {  	_ =	swait.ge [sflag:s28], $0x200  }
0x25e: {  	[sflag:s28] =	ssyncset.done $0x0  }
0x25f: {  	[sflag:s28] =	ssyncadd.s32 $0xFFFFFE00  }
0x260: {  	_ =	swait.ge [sflag:s28], $0x200  }
0x261: {  	[sflag:s28] =	ssyncset.done $0x0  }
0x262: {  	[sflag:s28] =	ssyncadd.s32 $0xFFFFFE00  }
0x263: {  	_ =	swait.ge [sflag:s28], $0x200  }
0x264: {  	[sflag:s28] =	ssyncset.done $0x0  }
0x265: {  	[sflag:s28] =	ssyncadd.s32 $0xFFFFFE00  }
0x266: {  	_ =	swait.ge [sflag:s28], $0x200  }
0x267: {  	[sflag:s28] =	ssyncset.done $0x0  }
0x268: {  	[sflag:s28] =	ssyncadd.s32 $0xFFFFFE00  }
0x269: {  	_ =	swait.ge [sflag:s28], $0x200  }
0x26a: {  	[sflag:s28] =	ssyncset.done $0x0  }
0x26b: {  	[sflag:s28] =	ssyncadd.s32 $0xFFFFFE00  }
0x26c: {  	_ =	swait.ge [sflag:s28], $0x200  }
0x26d: {  	[sflag:s28] =	ssyncset.done $0x0  }
0x26e: {  	[sflag:s28] =	ssyncadd.s32 $0xFFFFFE00  }
0x26f: {  	_ =	swait.ge [sflag:s28], $0x200  }
0x270: {  	[sflag:s28] =	ssyncset.done $0x0  }
0x271: {  	[sflag:s28] =	ssyncadd.s32 $0xFFFFFE00  }
0x272: {  	_ =	swait.ge [sflag:s28], $0x200  }
0x273: {  	[sflag:s28] =	ssyncset.done $0x0  }
0x274: {  	[sflag:s28] =	ssyncadd.s32 $0xFFFFFE00  }
0x275: {  	_ =	swait.ge [sflag:s28], $0x200  }
0x276: {  	[sflag:s28] =	ssyncset.done $0x0  }
0x277: {  	[sflag:s28] =	ssyncadd.s32 $0xFFFFFE00  }
0x278: {  	_ =	swait.ge [sflag:s28], $0x200  }
0x279: {  	[sflag:s28] =	ssyncset.done $0x0  }
0x27a: {  	[sflag:s28] =	ssyncadd.s32 $0xFFFFFE00  }
0x27b: {  	_ =	swait.ge [sflag:s28], $0x200  }
0x27c: {  	[sflag:s28] =	ssyncset.done $0x0  }
0x27d: {  	[sflag:s28] =	ssyncadd.s32 $0xFFFFFE00  }
0x27e: {  	_ =	swait.ge [sflag:s28], $0x200  }
0x27f: {  	[sflag:s28] =	ssyncset.done $0x0  }
0x280: {  	[sflag:s28] =	ssyncadd.s32 $0xFFFFFE00  }
0x281: {  	_ =	swait.ge [sflag:s28], $0x200  }
0x282: {  	[sflag:s28] =	ssyncset.done $0x0  }
0x283: {  	[sflag:s28] =	ssyncadd.s32 $0xFFFFFE00  }
0x284: {  	_ =	swait.ge [sflag:s28], $0x200  }
0x285: {  	[sflag:s28] =	ssyncset.done $0x0  }
0x286: {  	[sflag:s28] =	ssyncadd.s32 $0xFFFFFE00  }
0x287: {  	_ =	swait.ge [sflag:s28], $0x200  }
0x288: {  	[sflag:s28] =	ssyncset.done $0x0  }
0x289: {  	[sflag:s28] =	ssyncadd.s32 $0xFFFFFE00  }
0x28a: {  	_ =	swait.ge [sflag:s28], $0x200  }
0x28b: {  	[sflag:s28] =	ssyncset.done $0x0  }
0x28c: {  	[sflag:s28] =	ssyncadd.s32 $0xFFFFFE00  }
0x28d: {  	_ =	swait.ge [sflag:s28], $0x200  }
0x28e: {  	[sflag:s28] =	ssyncset.done $0x0  }
0x28f: {  	[sflag:s28] =	ssyncadd.s32 $0xFFFFFE00  }
0x290: {  	_ =	swait.ge [sflag:s28], $0x200  }
0x291: {  	[sflag:s28] =	ssyncset.done $0x0  }
0x292: {  	[sflag:s28] =	ssyncadd.s32 $0xFFFFFE00  }
0x293: {  	_ =	swait.ge [sflag:s28], $0x200  }
0x294: {  	[sflag:s28] =	ssyncset.done $0x0  }
0x295: {  	[sflag:s28] =	ssyncadd.s32 $0xFFFFFE00  }
0x296: {  	_ =	swait.ge [sflag:s28], $0x200  }
0x297: {  	s29 =	sadd.s32 $0x1, s29;
	s30 =	rddreg [dreg:$0xa]  }
0x298: {  	p0 =	sne.s32 s29, s30  }
.Ltmp3:
0x299: {  	_ = 	snop;
	(pc) =	sbr.rel @p0 .LBB2_1-.Ltmp3, $3  }
0x29a: {  	_ =	sdelay $0x1  }
0x29b: {  	[sflag:s28] =	ssyncset.done $0x0  }
0x29c: {  	[sflag:s28] =	ssyncadd.s32 $0xFFFFFE00  }
0x29d: {  	_ =	sfence.sel $0x180000  }
0x29e: {  	[bflag:$0x0] =	sbarrier.arrive $0xFFFF  }
0x29f: {  	_ =	strace $0x90000047  }
0x2a0: {  	s0 =	stileid.u32;
	[bflag:$0x2] =	sbarrier.arrive $0xFFFF  }
0x2a1: {  	p0 =	sne.s32 s0, $0x0;
	s0 =	rddreg [dreg:$0x4]  }
0x2a2: {  	s0 =	sadd.s32 @!p0 $0x100000, s0  }
0x2a3: {  	[sflag:s0] =	ssyncadd.tile.s32 @!p0 $0x1;
	_ =	shalt  }
.Lfunc_end2:
_tile_overlayer_lowered:
.L_overlay_start_2:
0x2a4: {  	(tag) =	ssettag $0x2  }
0x2a5: {  	s0 =	rddreg [dreg:$0x0];
	s2 =	stileid.u32  }
0x2a6: {  	s1 =	rddreg [dreg:$0x1];
	p0 =	sne.s32 s2, $0x0  }
0x2a7: {  	s3 =	rddreg [dreg:$0x2];
	[bflag:$0x3] =	sbarrier.arrive $0xFFFF;
	s2 =	simm.s32 @!p0 $0x1C02  }
0x2a8: {  	[timem:s3], [sflag:s2] =	dma.local @!p0 [hbm:s0], s1  }
0x2a9: {  	s0 =	simm.s32 @!p0 $0x2  }
0x2aa: {  	_ =	swait.ge @!p0 [sflag:s0], s1  }
0x2ab: {  	s1 =	ssub.s32 @!p0 $0x0, s1;
	[sflag:s0] =	ssyncset.done @!p0 $0x0  }
0x2ac: {  	[sflag:s0] =	ssyncadd.s32 @!p0 s1  }
0x2ad: {  	[bflag:$0x3] =	sbarrier.arrive $0xFFFF  }
0x2ae: {  	_ =	shalt  }

</sc_bundles>
